<compile_context>
chip_gen: v7x
topology: tpu7x:2x2x1
jax: 0.10.2.dev20260603
libtpu: 0.0.44.dev20260713+nightly
codegen_flags: <defaults>
</compile_context>

<pallas_src>
import jax
import jax.numpy as jnp
from jax import lax
from jax.experimental import pallas as pl
from jax.experimental.pallas import tpu as pltpu
from jax.experimental.pallas import tpu_sc as plsc

BATCH = 16384
HIST = 50
D = 32
V = 1_000_000
VR = V // 4

_info = plsc.get_sparse_core_info()
NC = _info.num_cores
NS = _info.num_subcores
NW = NC * NS

C2 = 256
BC_PER_H = BATCH // C2
TASKS_PER_W = HIST * BC_PER_H // NW


def _body(idx_hbm, tab_hbm, out_hbm,
          i_v0, i_v1, j_v0, j_v1, cq_v0, cq_v1, g_v0, g_v1, o_v0, o_v1,
          semA0, semA1, semB0, semB1, semI0, semI1):
    cid = lax.axis_index("c")
    sid = lax.axis_index("s")
    wid = sid * NC + cid

    i16 = lax.iota(jnp.int32, 16)

    def task_slices(m):
        t = wid * TASKS_PER_W + m
        h = lax.div(t, BC_PER_H)
        b0 = lax.rem(t, BC_PER_H) * C2
        return h, b0

    def p2_idx(m, i_v, semI):
        h, b0 = task_slices(m)
        return pltpu.async_copy(idx_hbm.at[h, pl.ds(b0, C2)], i_v, semI)

    def p2_prep_gather(i_v, j_v, cq_v, g_v, semA):
        for g in range(C2 // 16):
            iv = i_v[pl.ds(g * 16, 16)]
            j_v[pl.ds(g * 16, 16)] = lax.shift_right_logical(iv, 2)
            cq_v[pl.ds(g * 16, 16)] = lax.bitwise_and(iv, jnp.int32(3)) * 32
        return pltpu.async_copy(tab_hbm.at[j_v], g_v, semA)

    def p2_extract(m, k, j_v, cq_v, g_v, o_v, semA, semB):
        pltpu.make_async_copy(tab_hbm.at[j_v], g_v, semA).wait()

        @pl.when(k >= 1)
        def _():
            pltpu.make_async_copy(o_v, out_hbm.at[0, :, pl.ds(0, C2)], semB).wait()

        def eg(gi, carry):
            rvec = i16 + gi * 16
            cq = cq_v[pl.ds(gi * 16, 16)]
            for dd in range(D):
                dvec = lax.bitwise_and(i16 + dd, jnp.int32(D - 1))
                vals = plsc.load_gather(g_v, [rvec, cq + dvec])
                plsc.store_scatter(o_v, [dvec, rvec], vals)
            return carry

        lax.fori_loop(0, C2 // 16, eg, 0)
        h, b0 = task_slices(m)
        return pltpu.async_copy(o_v, out_hbm.at[h, :, pl.ds(b0, C2)], semB)

    p2_idx(0, i_v0, semI0).wait()
    p2_prep_gather(i_v0, j_v0, cq_v0, g_v0, semA0)
    p2_idx(1, i_v1, semI1).wait()
    p2_prep_gather(i_v1, j_v1, cq_v1, g_v1, semA1)

    def p2_step(k, carry):
        m = 2 * k
        cont = m + 2 < TASKS_PER_W

        @pl.when(cont)
        def _():
            p2_idx(m + 2, i_v0, semI0)

        p2_extract(m, k, j_v0, cq_v0, g_v0, o_v0, semA0, semB0)

        @pl.when(cont)
        def _():
            pltpu.make_async_copy(idx_hbm.at[0, pl.ds(0, C2)], i_v0, semI0).wait()
            p2_prep_gather(i_v0, j_v0, cq_v0, g_v0, semA0)

        @pl.when(cont)
        def _():
            p2_idx(m + 3, i_v1, semI1)

        p2_extract(m + 1, k, j_v1, cq_v1, g_v1, o_v1, semA1, semB1)

        @pl.when(cont)
        def _():
            pltpu.make_async_copy(idx_hbm.at[0, pl.ds(0, C2)], i_v1, semI1).wait()
            p2_prep_gather(i_v1, j_v1, cq_v1, g_v1, semA1)

        return carry

    lax.fori_loop(0, TASKS_PER_W // 2, p2_step, 0)
    pltpu.make_async_copy(o_v0, out_hbm.at[0, :, pl.ds(0, C2)], semB0).wait()
    pltpu.make_async_copy(o_v1, out_hbm.at[0, :, pl.ds(0, C2)], semB1).wait()


@jax.jit
def kernel(input, params):
    idx_t = input.T
    tab4 = jnp.reshape(params, (VR, 128))
    mesh = plsc.VectorSubcoreMesh(core_axis_name="c", subcore_axis_name="s")
    out_p = pl.kernel(
        _body,
        mesh=mesh,
        out_type=jax.ShapeDtypeStruct((HIST, D, BATCH), jnp.float32),
        scratch_types=[
            pltpu.VMEM((C2,), jnp.int32),
            pltpu.VMEM((C2,), jnp.int32),
            pltpu.VMEM((C2,), jnp.int32),
            pltpu.VMEM((C2,), jnp.int32),
            pltpu.VMEM((C2,), jnp.int32),
            pltpu.VMEM((C2,), jnp.int32),
            pltpu.VMEM((C2, 128), jnp.float32),
            pltpu.VMEM((C2, 128), jnp.float32),
            pltpu.VMEM((D, C2), jnp.float32),
            pltpu.VMEM((D, C2), jnp.float32),
            pltpu.SemaphoreType.DMA,
            pltpu.SemaphoreType.DMA,
            pltpu.SemaphoreType.DMA,
            pltpu.SemaphoreType.DMA,
            pltpu.SemaphoreType.DMA,
            pltpu.SemaphoreType.DMA,
        ],
        compiler_params=pltpu.CompilerParams(
            use_tc_tiling_on_sc=True, needs_layout_passes=False
        ),
    )(idx_t, tab4)
    return jnp.transpose(out_p, (2, 0, 1))

# --- scband reference (transcript-rebuilt; emitter-appended) ---
"""Pipeline reference for scband-learnable-embedding-91276644974722 (READ-ONLY COPY).

The authoritative reference and input builder live on the scoring server;
editing this copy changes nothing except your own understanding.
"""

import jax, jax.numpy as jnp
import numpy as np

NUM_EMBEDDINGS = 1000000
EMBED_DIM = 32
BATCH = 16384
HIST = 50

def setup_inputs(seed: int = 0) -> dict:
    key = jax.random.key(seed)
    k_idx, k_tab = jax.random.split(key)
    input = jax.random.randint(k_idx, (BATCH, HIST), 0, NUM_EMBEDDINGS, dtype=jnp.int64 if jax.config.jax_enable_x64 else jnp.int32)
    params = jax.random.normal(k_tab, (NUM_EMBEDDINGS, EMBED_DIM), dtype=jnp.float32)
    return {"input": input, "params": params}

def reference(input, params):
    # LearnableEmbedding.forward: self.params[input]
    return jnp.take(params, input, axis=0)

if __name__ == "__main__":
    import jax
    _d = setup_inputs()
    print(jax.jit(kernel)(*tuple(_d.values())))

</pallas_src>

<mosaic_0001>
#map = affine_map<(d0, d1) -> (0, 0)>
#map1 = affine_map<(d0, d1) -> (0, 0, 0)>
module attributes {stable_mosaic.version = 14 : i64} {
  func.func @_body(%arg0: i32, %arg1: i32, %arg2: memref<50x16384xi32, #tpu.memory_space<hbm>>, %arg3: memref<250000x128xf32, #tpu.memory_space<hbm>>, %arg4: memref<50x32x16384xf32, #tpu.memory_space<hbm>>, %arg5: memref<256xi32, #tpu.memory_space<vmem>>, %arg6: memref<256xi32, #tpu.memory_space<vmem>>, %arg7: memref<256xi32, #tpu.memory_space<vmem>>, %arg8: memref<256xi32, #tpu.memory_space<vmem>>, %arg9: memref<256xi32, #tpu.memory_space<vmem>>, %arg10: memref<256xi32, #tpu.memory_space<vmem>>, %arg11: memref<256x128xf32, #tpu.memory_space<vmem>>, %arg12: memref<256x128xf32, #tpu.memory_space<vmem>>, %arg13: memref<32x256xf32, #tpu.memory_space<vmem>>, %arg14: memref<32x256xf32, #tpu.memory_space<vmem>>, %arg15: memref<!tpu.dma_semaphore, #tpu.memory_space<semaphore_mem>>, %arg16: memref<!tpu.dma_semaphore, #tpu.memory_space<semaphore_mem>>, %arg17: memref<!tpu.dma_semaphore, #tpu.memory_space<semaphore_mem>>, %arg18: memref<!tpu.dma_semaphore, #tpu.memory_space<semaphore_mem>>, %arg19: memref<!tpu.dma_semaphore, #tpu.memory_space<semaphore_mem>>, %arg20: memref<!tpu.dma_semaphore, #tpu.memory_space<semaphore_mem>>) attributes {dimension_semantics = [#tpu.dimension_semantics<core_parallel>, #tpu.dimension_semantics<subcore_parallel>], iteration_bounds = array<i64: 2, 16>, scalar_prefetch = 0 : i64, scratch_operands = 16 : i64, tpu.core_type = #tpu.core_type<sc_vector_subcore>, window_params = [{transform_indices = #map}, {transform_indices = #map}, {transform_indices = #map1}]} {
    %mul3A = arith.constant 2 : i32
    %mul3A_0 = arith.muli %arg1, %mul3A : i32
    %add3A = arith.addi %mul3A_0, %arg0 : i32
    %iota3A = tpu.iota {dimensions = array<i32: 0>} : vector<16xi32>
    %mul3A_1 = arith.constant 100 : i32
    %mul3A_2 = arith.muli %add3A, %mul3A_1 : i32
    %add3A_3 = arith.constant 0 : i32
    %add3A_4 = arith.addi %mul3A_2, %add3A_3 : i32
    %div3A = arith.constant 64 : i32
    %div3A_5 = arith.divsi %add3A_4, %div3A : i32
    %rem3A = arith.constant 64 : i32
    %rem3A_6 = arith.remsi %add3A_4, %rem3A : i32
    %mul3A_7 = arith.constant 256 : i32
    %mul3A_8 = arith.muli %rem3A_6, %mul3A_7 : i32
    %dma_start3A = tpu.memref_slice %arg2[%div3A_5, %mul3A_8] : memref<50x16384xi32, #tpu.memory_space<hbm>> -> memref<1x256xi32, #tpu.memory_space<hbm>>
    %dma_start3A_9 = tpu.memref_squeeze %dma_start3A : memref<1x256xi32, #tpu.memory_space<hbm>> -> memref<256xi32, #tpu.memory_space<hbm>>
    %dma_start3A_10 = tpu.memref_slice %arg2[%div3A_5, %mul3A_8] : memref<50x16384xi32, #tpu.memory_space<hbm>> -> memref<1x256xi32, #tpu.memory_space<hbm>>
    %dma_start3A_11 = tpu.memref_squeeze %dma_start3A_10 : memref<1x256xi32, #tpu.memory_space<hbm>> -> memref<256xi32, #tpu.memory_space<hbm>>
    tpu.enqueue_dma source(%dma_start3A_11 : memref<256xi32, #tpu.memory_space<hbm>>) target(%arg5 : memref<256xi32, #tpu.memory_space<vmem>>) target_semaphore(%arg19 : memref<!tpu.dma_semaphore, #tpu.memory_space<semaphore_mem>>)
    %dma_wait3A = tpu.memref_slice %arg2[%div3A_5, %mul3A_8] : memref<50x16384xi32, #tpu.memory_space<hbm>> -> memref<1x256xi32, #tpu.memory_space<hbm>>
    %dma_wait3A_12 = tpu.memref_squeeze %dma_wait3A : memref<1x256xi32, #tpu.memory_space<hbm>> -> memref<256xi32, #tpu.memory_space<hbm>>
    %dma_wait3A_13 = tpu.memref_slice %arg2[%div3A_5, %mul3A_8] : memref<50x16384xi32, #tpu.memory_space<hbm>> -> memref<1x256xi32, #tpu.memory_space<hbm>>
    %dma_wait3A_14 = tpu.memref_squeeze %dma_wait3A_13 : memref<1x256xi32, #tpu.memory_space<hbm>> -> memref<256xi32, #tpu.memory_space<hbm>>
    tpu.wait_dma2 semaphore(%arg19 : memref<!tpu.dma_semaphore, #tpu.memory_space<semaphore_mem>>) src(%dma_wait3A_14 : memref<256xi32, #tpu.memory_space<hbm>>) dst(%arg5 : memref<256xi32, #tpu.memory_space<vmem>>)
    %get3A = arith.constant 0 : index
    %get3A_15 = tpu.vector_load %arg5[%get3A] {strides = array<i32>} : memref<256xi32, #tpu.memory_space<vmem>>, vector<16xi32>,
    %shift_right_logical3A = arith.constant 2 : i32
    %shift_right_logical3A_16 = vector.broadcast %shift_right_logical3A : i32 to vector<16xi32>
    %shift_right_logical3A_17 = arith.shrui %get3A_15, %shift_right_logical3A_16 : vector<16xi32>
    %swap3A = arith.constant 0 : index
    %swap3A_18 = tpu.vector_load %arg7[%swap3A] {strides = array<i32>} : memref<256xi32, #tpu.memory_space<vmem>>, vector<16xi32>,
    tpu.vector_store %arg7[%swap3A], %shift_right_logical3A_17 {strides = array<i32>} : memref<256xi32, #tpu.memory_space<vmem>>, vector<16xi32>,
    %and3A = arith.constant 3 : i32
    %and3A_19 = vector.broadcast %and3A : i32 to vector<16xi32>
    %and3A_20 = arith.andi %get3A_15, %and3A_19 : vector<16xi32>
    %mul3A_21 = arith.constant 32 : i32
    %mul3A_22 = vector.broadcast %mul3A_21 : i32 to vector<16xi32>
    %mul3A_23 = arith.muli %and3A_20, %mul3A_22 : vector<16xi32>
    %swap3A_24 = arith.constant 0 : index
    %swap3A_25 = tpu.vector_load %arg9[%swap3A_24] {strides = array<i32>} : memref<256xi32, #tpu.memory_space<vmem>>, vector<16xi32>,
    tpu.vector_store %arg9[%swap3A_24], %mul3A_23 {strides = array<i32>} : memref<256xi32, #tpu.memory_space<vmem>>, vector<16xi32>,
    %get3A_26 = arith.constant 16 : index
    %get3A_27 = tpu.vector_load %arg5[%get3A_26] {strides = array<i32>} : memref<256xi32, #tpu.memory_space<vmem>>, vector<16xi32>,
    %shift_right_logical3A_28 = arith.constant 2 : i32
    %shift_right_logical3A_29 = vector.broadcast %shift_right_logical3A_28 : i32 to vector<16xi32>
    %shift_right_logical3A_30 = arith.shrui %get3A_27, %shift_right_logical3A_29 : vector<16xi32>
    %swap3A_31 = arith.constant 16 : index
    %swap3A_32 = tpu.vector_load %arg7[%swap3A_31] {strides = array<i32>} : memref<256xi32, #tpu.memory_space<vmem>>, vector<16xi32>,
    tpu.vector_store %arg7[%swap3A_31], %shift_right_logical3A_30 {strides = array<i32>} : memref<256xi32, #tpu.memory_space<vmem>>, vector<16xi32>,
    %and3A_33 = arith.constant 3 : i32
    %and3A_34 = vector.broadcast %and3A_33 : i32 to vector<16xi32>
    %and3A_35 = arith.andi %get3A_27, %and3A_34 : vector<16xi32>
    %mul3A_36 = arith.constant 32 : i32
    %mul3A_37 = vector.broadcast %mul3A_36 : i32 to vector<16xi32>
    %mul3A_38 = arith.muli %and3A_35, %mul3A_37 : vector<16xi32>
    %swap3A_39 = arith.constant 16 : index
    %swap3A_40 = tpu.vector_load %arg9[%swap3A_39] {strides = array<i32>} : memref<256xi32, #tpu.memory_space<vmem>>, vector<16xi32>,
    tpu.vector_store %arg9[%swap3A_39], %mul3A_38 {strides = array<i32>} : memref<256xi32, #tpu.memory_space<vmem>>, vector<16xi32>,
    %get3A_41 = arith.constant 32 : index
    %get3A_42 = tpu.vector_load %arg5[%get3A_41] {strides = array<i32>} : memref<256xi32, #tpu.memory_space<vmem>>, vector<16xi32>,
    %shift_right_logical3A_43 = arith.constant 2 : i32
    %shift_right_logical3A_44 = vector.broadcast %shift_right_logical3A_43 : i32 to vector<16xi32>
    %shift_right_logical3A_45 = arith.shrui %get3A_42, %shift_right_logical3A_44 : vector<16xi32>
    %swap3A_46 = arith.constant 32 : index
    %swap3A_47 = tpu.vector_load %arg7[%swap3A_46] {strides = array<i32>} : memref<256xi32, #tpu.memory_space<vmem>>, vector<16xi32>,
    tpu.vector_store %arg7[%swap3A_46], %shift_right_logical3A_45 {strides = array<i32>} : memref<256xi32, #tpu.memory_space<vmem>>, vector<16xi32>,
    %and3A_48 = arith.constant 3 : i32
    %and3A_49 = vector.broadcast %and3A_48 : i32 to vector<16xi32>
    %and3A_50 = arith.andi %get3A_42, %and3A_49 : vector<16xi32>
    %mul3A_51 = arith.constant 32 : i32
    %mul3A_52 = vector.broadcast %mul3A_51 : i32 to vector<16xi32>
    %mul3A_53 = arith.muli %and3A_50, %mul3A_52 : vector<16xi32>
    %swap3A_54 = arith.constant 32 : index
    %swap3A_55 = tpu.vector_load %arg9[%swap3A_54] {strides = array<i32>} : memref<256xi32, #tpu.memory_space<vmem>>, vector<16xi32>,
    tpu.vector_store %arg9[%swap3A_54], %mul3A_53 {strides = array<i32>} : memref<256xi32, #tpu.memory_space<vmem>>, vector<16xi32>,
    %get3A_56 = arith.constant 48 : index
    %get3A_57 = tpu.vector_load %arg5[%get3A_56] {strides = array<i32>} : memref<256xi32, #tpu.memory_space<vmem>>, vector<16xi32>,
    %shift_right_logical3A_58 = arith.constant 2 : i32
    %shift_right_logical3A_59 = vector.broadcast %shift_right_logical3A_58 : i32 to vector<16xi32>
    %shift_right_logical3A_60 = arith.shrui %get3A_57, %shift_right_logical3A_59 : vector<16xi32>
    %swap3A_61 = arith.constant 48 : index
    %swap3A_62 = tpu.vector_load %arg7[%swap3A_61] {strides = array<i32>} : memref<256xi32, #tpu.memory_space<vmem>>, vector<16xi32>,
    tpu.vector_store %arg7[%swap3A_61], %shift_right_logical3A_60 {strides = array<i32>} : memref<256xi32, #tpu.memory_space<vmem>>, vector<16xi32>,
    %and3A_63 = arith.constant 3 : i32
    %and3A_64 = vector.broadcast %and3A_63 : i32 to vector<16xi32>
    %and3A_65 = arith.andi %get3A_57, %and3A_64 : vector<16xi32>
    %mul3A_66 = arith.constant 32 : i32
    %mul3A_67 = vector.broadcast %mul3A_66 : i32 to vector<16xi32>
    %mul3A_68 = arith.muli %and3A_65, %mul3A_67 : vector<16xi32>
    %swap3A_69 = arith.constant 48 : index
    %swap3A_70 = tpu.vector_load %arg9[%swap3A_69] {strides = array<i32>} : memref<256xi32, #tpu.memory_space<vmem>>, vector<16xi32>,
    tpu.vector_store %arg9[%swap3A_69], %mul3A_68 {strides = array<i32>} : memref<256xi32, #tpu.memory_space<vmem>>, vector<16xi32>,
    %get3A_71 = arith.constant 64 : index
    %get3A_72 = tpu.vector_load %arg5[%get3A_71] {strides = array<i32>} : memref<256xi32, #tpu.memory_space<vmem>>, vector<16xi32>,
    %shift_right_logical3A_73 = arith.constant 2 : i32
    %shift_right_logical3A_74 = vector.broadcast %shift_right_logical3A_73 : i32 to vector<16xi32>
    %shift_right_logical3A_75 = arith.shrui %get3A_72, %shift_right_logical3A_74 : vector<16xi32>
    %swap3A_76 = arith.constant 64 : index
    %swap3A_77 = tpu.vector_load %arg7[%swap3A_76] {strides = array<i32>} : memref<256xi32, #tpu.memory_space<vmem>>, vector<16xi32>,
    tpu.vector_store %arg7[%swap3A_76], %shift_right_logical3A_75 {strides = array<i32>} : memref<256xi32, #tpu.memory_space<vmem>>, vector<16xi32>,
    %and3A_78 = arith.constant 3 : i32
    %and3A_79 = vector.broadcast %and3A_78 : i32 to vector<16xi32>
    %and3A_80 = arith.andi %get3A_72, %and3A_79 : vector<16xi32>
    %mul3A_81 = arith.constant 32 : i32
    %mul3A_82 = vector.broadcast %mul3A_81 : i32 to vector<16xi32>
    %mul3A_83 = arith.muli %and3A_80, %mul3A_82 : vector<16xi32>
    %swap3A_84 = arith.constant 64 : index
    %swap3A_85 = tpu.vector_load %arg9[%swap3A_84] {strides = array<i32>} : memref<256xi32, #tpu.memory_space<vmem>>, vector<16xi32>,
    tpu.vector_store %arg9[%swap3A_84], %mul3A_83 {strides = array<i32>} : memref<256xi32, #tpu.memory_space<vmem>>, vector<16xi32>,
    %get3A_86 = arith.constant 80 : index
    %get3A_87 = tpu.vector_load %arg5[%get3A_86] {strides = array<i32>} : memref<256xi32, #tpu.memory_space<vmem>>, vector<16xi32>,
    %shift_right_logical3A_88 = arith.constant 2 : i32
    %shift_right_logical3A_89 = vector.broadcast %shift_right_logical3A_88 : i32 to vector<16xi32>
    %shift_right_logical3A_90 = arith.shrui %get3A_87, %shift_right_logical3A_89 : vector<16xi32>
    %swap3A_91 = arith.constant 80 : index
    %swap3A_92 = tpu.vector_load %arg7[%swap3A_91] {strides = array<i32>} : memref<256xi32, #tpu.memory_space<vmem>>, vector<16xi32>,
    tpu.vector_store %arg7[%swap3A_91], %shift_right_logical3A_90 {strides = array<i32>} : memref<256xi32, #tpu.memory_space<vmem>>, vector<16xi32>,
    %and3A_93 = arith.constant 3 : i32
    %and3A_94 = vector.broadcast %and3A_93 : i32 to vector<16xi32>
    %and3A_95 = arith.andi %get3A_87, %and3A_94 : vector<16xi32>
    %mul3A_96 = arith.constant 32 : i32
    %mul3A_97 = vector.broadcast %mul3A_96 : i32 to vector<16xi32>
    %mul3A_98 = arith.muli %and3A_95, %mul3A_97 : vector<16xi32>
    %swap3A_99 = arith.constant 80 : index
    %swap3A_100 = tpu.vector_load %arg9[%swap3A_99] {strides = array<i32>} : memref<256xi32, #tpu.memory_space<vmem>>, vector<16xi32>,
    tpu.vector_store %arg9[%swap3A_99], %mul3A_98 {strides = array<i32>} : memref<256xi32, #tpu.memory_space<vmem>>, vector<16xi32>,
    %get3A_101 = arith.constant 96 : index
    %get3A_102 = tpu.vector_load %arg5[%get3A_101] {strides = array<i32>} : memref<256xi32, #tpu.memory_space<vmem>>, vector<16xi32>,
    %shift_right_logical3A_103 = arith.constant 2 : i32
    %shift_right_logical3A_104 = vector.broadcast %shift_right_logical3A_103 : i32 to vector<16xi32>
    %shift_right_logical3A_105 = arith.shrui %get3A_102, %shift_right_logical3A_104 : vector<16xi32>
    %swap3A_106 = arith.constant 96 : index
    %swap3A_107 = tpu.vector_load %arg7[%swap3A_106] {strides = array<i32>} : memref<256xi32, #tpu.memory_space<vmem>>, vector<16xi32>,
    tpu.vector_store %arg7[%swap3A_106], %shift_right_logical3A_105 {strides = array<i32>} : memref<256xi32, #tpu.memory_space<vmem>>, vector<16xi32>,
    %and3A_108 = arith.constant 3 : i32
    %and3A_109 = vector.broadcast %and3A_108 : i32 to vector<16xi32>
    %and3A_110 = arith.andi %get3A_102, %and3A_109 : vector<16xi32>
    %mul3A_111 = arith.constant 32 : i32
    %mul3A_112 = vector.broadcast %mul3A_111 : i32 to vector<16xi32>
    %mul3A_113 = arith.muli %and3A_110, %mul3A_112 : vector<16xi32>
    %swap3A_114 = arith.constant 96 : index
    %swap3A_115 = tpu.vector_load %arg9[%swap3A_114] {strides = array<i32>} : memref<256xi32, #tpu.memory_space<vmem>>, vector<16xi32>,
    tpu.vector_store %arg9[%swap3A_114], %mul3A_113 {strides = array<i32>} : memref<256xi32, #tpu.memory_space<vmem>>, vector<16xi32>,
    %get3A_116 = arith.constant 112 : index
    %get3A_117 = tpu.vector_load %arg5[%get3A_116] {strides = array<i32>} : memref<256xi32, #tpu.memory_space<vmem>>, vector<16xi32>,
    %shift_right_logical3A_118 = arith.constant 2 : i32
    %shift_right_logical3A_119 = vector.broadcast %shift_right_logical3A_118 : i32 to vector<16xi32>
    %shift_right_logical3A_120 = arith.shrui %get3A_117, %shift_right_logical3A_119 : vector<16xi32>
    %swap3A_121 = arith.constant 112 : index
    %swap3A_122 = tpu.vector_load %arg7[%swap3A_121] {strides = array<i32>} : memref<256xi32, #tpu.memory_space<vmem>>, vector<16xi32>,
    tpu.vector_store %arg7[%swap3A_121], %shift_right_logical3A_120 {strides = array<i32>} : memref<256xi32, #tpu.memory_space<vmem>>, vector<16xi32>,
    %and3A_123 = arith.constant 3 : i32
    %and3A_124 = vector.broadcast %and3A_123 : i32 to vector<16xi32>
    %and3A_125 = arith.andi %get3A_117, %and3A_124 : vector<16xi32>
    %mul3A_126 = arith.constant 32 : i32
    %mul3A_127 = vector.broadcast %mul3A_126 : i32 to vector<16xi32>
    %mul3A_128 = arith.muli %and3A_125, %mul3A_127 : vector<16xi32>
    %swap3A_129 = arith.constant 112 : index
    %swap3A_130 = tpu.vector_load %arg9[%swap3A_129] {strides = array<i32>} : memref<256xi32, #tpu.memory_space<vmem>>, vector<16xi32>,
    tpu.vector_store %arg9[%swap3A_129], %mul3A_128 {strides = array<i32>} : memref<256xi32, #tpu.memory_space<vmem>>, vector<16xi32>,
    %get3A_131 = arith.constant 128 : index
    %get3A_132 = tpu.vector_load %arg5[%get3A_131] {strides = array<i32>} : memref<256xi32, #tpu.memory_space<vmem>>, vector<16xi32>,
    %shift_right_logical3A_133 = arith.constant 2 : i32
    %shift_right_logical3A_134 = vector.broadcast %shift_right_logical3A_133 : i32 to vector<16xi32>
    %shift_right_logical3A_135 = arith.shrui %get3A_132, %shift_right_logical3A_134 : vector<16xi32>
    %swap3A_136 = arith.constant 128 : index
    %swap3A_137 = tpu.vector_load %arg7[%swap3A_136] {strides = array<i32>} : memref<256xi32, #tpu.memory_space<vmem>>, vector<16xi32>,
    tpu.vector_store %arg7[%swap3A_136], %shift_right_logical3A_135 {strides = array<i32>} : memref<256xi32, #tpu.memory_space<vmem>>, vector<16xi32>,
    %and3A_138 = arith.constant 3 : i32
    %and3A_139 = vector.broadcast %and3A_138 : i32 to vector<16xi32>
    %and3A_140 = arith.andi %get3A_132, %and3A_139 : vector<16xi32>
    %mul3A_141 = arith.constant 32 : i32
    %mul3A_142 = vector.broadcast %mul3A_141 : i32 to vector<16xi32>
    %mul3A_143 = arith.muli %and3A_140, %mul3A_142 : vector<16xi32>
    %swap3A_144 = arith.constant 128 : index
    %swap3A_145 = tpu.vector_load %arg9[%swap3A_144] {strides = array<i32>} : memref<256xi32, #tpu.memory_space<vmem>>, vector<16xi32>,
    tpu.vector_store %arg9[%swap3A_144], %mul3A_143 {strides = array<i32>} : memref<256xi32, #tpu.memory_space<vmem>>, vector<16xi32>,
    %get3A_146 = arith.constant 144 : index
    %get3A_147 = tpu.vector_load %arg5[%get3A_146] {strides = array<i32>} : memref<256xi32, #tpu.memory_space<vmem>>, vector<16xi32>,
    %shift_right_logical3A_148 = arith.constant 2 : i32
    %shift_right_logical3A_149 = vector.broadcast %shift_right_logical3A_148 : i32 to vector<16xi32>
    %shift_right_logical3A_150 = arith.shrui %get3A_147, %shift_right_logical3A_149 : vector<16xi32>
    %swap3A_151 = arith.constant 144 : index
    %swap3A_152 = tpu.vector_load %arg7[%swap3A_151] {strides = array<i32>} : memref<256xi32, #tpu.memory_space<vmem>>, vector<16xi32>,
    tpu.vector_store %arg7[%swap3A_151], %shift_right_logical3A_150 {strides = array<i32>} : memref<256xi32, #tpu.memory_space<vmem>>, vector<16xi32>,
    %and3A_153 = arith.constant 3 : i32
    %and3A_154 = vector.broadcast %and3A_153 : i32 to vector<16xi32>
    %and3A_155 = arith.andi %get3A_147, %and3A_154 : vector<16xi32>
    %mul3A_156 = arith.constant 32 : i32
    %mul3A_157 = vector.broadcast %mul3A_156 : i32 to vector<16xi32>
    %mul3A_158 = arith.muli %and3A_155, %mul3A_157 : vector<16xi32>
    %swap3A_159 = arith.constant 144 : index
    %swap3A_160 = tpu.vector_load %arg9[%swap3A_159] {strides = array<i32>} : memref<256xi32, #tpu.memory_space<vmem>>, vector<16xi32>,
    tpu.vector_store %arg9[%swap3A_159], %mul3A_158 {strides = array<i32>} : memref<256xi32, #tpu.memory_space<vmem>>, vector<16xi32>,
    %get3A_161 = arith.constant 160 : index
    %get3A_162 = tpu.vector_load %arg5[%get3A_161] {strides = array<i32>} : memref<256xi32, #tpu.memory_space<vmem>>, vector<16xi32>,
    %shift_right_logical3A_163 = arith.constant 2 : i32
    %shift_right_logical3A_164 = vector.broadcast %shift_right_logical3A_163 : i32 to vector<16xi32>
    %shift_right_logical3A_165 = arith.shrui %get3A_162, %shift_right_logical3A_164 : vector<16xi32>
    %swap3A_166 = arith.constant 160 : index
    %swap3A_167 = tpu.vector_load %arg7[%swap3A_166] {strides = array<i32>} : memref<256xi32, #tpu.memory_space<vmem>>, vector<16xi32>,
    tpu.vector_store %arg7[%swap3A_166], %shift_right_logical3A_165 {strides = array<i32>} : memref<256xi32, #tpu.memory_space<vmem>>, vector<16xi32>,
    %and3A_168 = arith.constant 3 : i32
    %and3A_169 = vector.broadcast %and3A_168 : i32 to vector<16xi32>
    %and3A_170 = arith.andi %get3A_162, %and3A_169 : vector<16xi32>
    %mul3A_171 = arith.constant 32 : i32
    %mul3A_172 = vector.broadcast %mul3A_171 : i32 to vector<16xi32>
    %mul3A_173 = arith.muli %and3A_170, %mul3A_172 : vector<16xi32>
    %swap3A_174 = arith.constant 160 : index
    %swap3A_175 = tpu.vector_load %arg9[%swap3A_174] {strides = array<i32>} : memref<256xi32, #tpu.memory_space<vmem>>, vector<16xi32>,
    tpu.vector_store %arg9[%swap3A_174], %mul3A_173 {strides = array<i32>} : memref<256xi32, #tpu.memory_space<vmem>>, vector<16xi32>,
    %get3A_176 = arith.constant 176 : index
    %get3A_177 = tpu.vector_load %arg5[%get3A_176] {strides = array<i32>} : memref<256xi32, #tpu.memory_space<vmem>>, vector<16xi32>,
    %shift_right_logical3A_178 = arith.constant 2 : i32
    %shift_right_logical3A_179 = vector.broadcast %shift_right_logical3A_178 : i32 to vector<16xi32>
    %shift_right_logical3A_180 = arith.shrui %get3A_177, %shift_right_logical3A_179 : vector<16xi32>
    %swap3A_181 = arith.constant 176 : index
    %swap3A_182 = tpu.vector_load %arg7[%swap3A_181] {strides = array<i32>} : memref<256xi32, #tpu.memory_space<vmem>>, vector<16xi32>,
    tpu.vector_store %arg7[%swap3A_181], %shift_right_logical3A_180 {strides = array<i32>} : memref<256xi32, #tpu.memory_space<vmem>>, vector<16xi32>,
    %and3A_183 = arith.constant 3 : i32
    %and3A_184 = vector.broadcast %and3A_183 : i32 to vector<16xi32>
    %and3A_185 = arith.andi %get3A_177, %and3A_184 : vector<16xi32>
    %mul3A_186 = arith.constant 32 : i32
    %mul3A_187 = vector.broadcast %mul3A_186 : i32 to vector<16xi32>
    %mul3A_188 = arith.muli %and3A_185, %mul3A_187 : vector<16xi32>
    %swap3A_189 = arith.constant 176 : index
    %swap3A_190 = tpu.vector_load %arg9[%swap3A_189] {strides = array<i32>} : memref<256xi32, #tpu.memory_space<vmem>>, vector<16xi32>,
    tpu.vector_store %arg9[%swap3A_189], %mul3A_188 {strides = array<i32>} : memref<256xi32, #tpu.memory_space<vmem>>, vector<16xi32>,
    %get3A_191 = arith.constant 192 : index
    %get3A_192 = tpu.vector_load %arg5[%get3A_191] {strides = array<i32>} : memref<256xi32, #tpu.memory_space<vmem>>, vector<16xi32>,
    %shift_right_logical3A_193 = arith.constant 2 : i32
    %shift_right_logical3A_194 = vector.broadcast %shift_right_logical3A_193 : i32 to vector<16xi32>
    %shift_right_logical3A_195 = arith.shrui %get3A_192, %shift_right_logical3A_194 : vector<16xi32>
    %swap3A_196 = arith.constant 192 : index
    %swap3A_197 = tpu.vector_load %arg7[%swap3A_196] {strides = array<i32>} : memref<256xi32, #tpu.memory_space<vmem>>, vector<16xi32>,
    tpu.vector_store %arg7[%swap3A_196], %shift_right_logical3A_195 {strides = array<i32>} : memref<256xi32, #tpu.memory_space<vmem>>, vector<16xi32>,
    %and3A_198 = arith.constant 3 : i32
    %and3A_199 = vector.broadcast %and3A_198 : i32 to vector<16xi32>
    %and3A_200 = arith.andi %get3A_192, %and3A_199 : vector<16xi32>
    %mul3A_201 = arith.constant 32 : i32
    %mul3A_202 = vector.broadcast %mul3A_201 : i32 to vector<16xi32>
    %mul3A_203 = arith.muli %and3A_200, %mul3A_202 : vector<16xi32>
    %swap3A_204 = arith.constant 192 : index
    %swap3A_205 = tpu.vector_load %arg9[%swap3A_204] {strides = array<i32>} : memref<256xi32, #tpu.memory_space<vmem>>, vector<16xi32>,
    tpu.vector_store %arg9[%swap3A_204], %mul3A_203 {strides = array<i32>} : memref<256xi32, #tpu.memory_space<vmem>>, vector<16xi32>,
    %get3A_206 = arith.constant 208 : index
    %get3A_207 = tpu.vector_load %arg5[%get3A_206] {strides = array<i32>} : memref<256xi32, #tpu.memory_space<vmem>>, vector<16xi32>,
    %shift_right_logical3A_208 = arith.constant 2 : i32
    %shift_right_logical3A_209 = vector.broadcast %shift_right_logical3A_208 : i32 to vector<16xi32>
    %shift_right_logical3A_210 = arith.shrui %get3A_207, %shift_right_logical3A_209 : vector<16xi32>
    %swap3A_211 = arith.constant 208 : index
    %swap3A_212 = tpu.vector_load %arg7[%swap3A_211] {strides = array<i32>} : memref<256xi32, #tpu.memory_space<vmem>>, vector<16xi32>,
    tpu.vector_store %arg7[%swap3A_211], %shift_right_logical3A_210 {strides = array<i32>} : memref<256xi32, #tpu.memory_space<vmem>>, vector<16xi32>,
    %and3A_213 = arith.constant 3 : i32
    %and3A_214 = vector.broadcast %and3A_213 : i32 to vector<16xi32>
    %and3A_215 = arith.andi %get3A_207, %and3A_214 : vector<16xi32>
    %mul3A_216 = arith.constant 32 : i32
    %mul3A_217 = vector.broadcast %mul3A_216 : i32 to vector<16xi32>
    %mul3A_218 = arith.muli %and3A_215, %mul3A_217 : vector<16xi32>
    %swap3A_219 = arith.constant 208 : index
    %swap3A_220 = tpu.vector_load %arg9[%swap3A_219] {strides = array<i32>} : memref<256xi32, #tpu.memory_space<vmem>>, vector<16xi32>,
    tpu.vector_store %arg9[%swap3A_219], %mul3A_218 {strides = array<i32>} : memref<256xi32, #tpu.memory_space<vmem>>, vector<16xi32>,
    %get3A_221 = arith.constant 224 : index
    %get3A_222 = tpu.vector_load %arg5[%get3A_221] {strides = array<i32>} : memref<256xi32, #tpu.memory_space<vmem>>, vector<16xi32>,
    %shift_right_logical3A_223 = arith.constant 2 : i32
    %shift_right_logical3A_224 = vector.broadcast %shift_right_logical3A_223 : i32 to vector<16xi32>
    %shift_right_logical3A_225 = arith.shrui %get3A_222, %shift_right_logical3A_224 : vector<16xi32>
    %swap3A_226 = arith.constant 224 : index
    %swap3A_227 = tpu.vector_load %arg7[%swap3A_226] {strides = array<i32>} : memref<256xi32, #tpu.memory_space<vmem>>, vector<16xi32>,
    tpu.vector_store %arg7[%swap3A_226], %shift_right_logical3A_225 {strides = array<i32>} : memref<256xi32, #tpu.memory_space<vmem>>, vector<16xi32>,
    %and3A_228 = arith.constant 3 : i32
    %and3A_229 = vector.broadcast %and3A_228 : i32 to vector<16xi32>
    %and3A_230 = arith.andi %get3A_222, %and3A_229 : vector<16xi32>
    %mul3A_231 = arith.constant 32 : i32
    %mul3A_232 = vector.broadcast %mul3A_231 : i32 to vector<16xi32>
    %mul3A_233 = arith.muli %and3A_230, %mul3A_232 : vector<16xi32>
    %swap3A_234 = arith.constant 224 : index
    %swap3A_235 = tpu.vector_load %arg9[%swap3A_234] {strides = array<i32>} : memref<256xi32, #tpu.memory_space<vmem>>, vector<16xi32>,
    tpu.vector_store %arg9[%swap3A_234], %mul3A_233 {strides = array<i32>} : memref<256xi32, #tpu.memory_space<vmem>>, vector<16xi32>,
    %get3A_236 = arith.constant 240 : index
    %get3A_237 = tpu.vector_load %arg5[%get3A_236] {strides = array<i32>} : memref<256xi32, #tpu.memory_space<vmem>>, vector<16xi32>,
    %shift_right_logical3A_238 = arith.constant 2 : i32
    %shift_right_logical3A_239 = vector.broadcast %shift_right_logical3A_238 : i32 to vector<16xi32>
    %shift_right_logical3A_240 = arith.shrui %get3A_237, %shift_right_logical3A_239 : vector<16xi32>
    %swap3A_241 = arith.constant 240 : index
    %swap3A_242 = tpu.vector_load %arg7[%swap3A_241] {strides = array<i32>} : memref<256xi32, #tpu.memory_space<vmem>>, vector<16xi32>,
    tpu.vector_store %arg7[%swap3A_241], %shift_right_logical3A_240 {strides = array<i32>} : memref<256xi32, #tpu.memory_space<vmem>>, vector<16xi32>,
    %and3A_243 = arith.constant 3 : i32
    %and3A_244 = vector.broadcast %and3A_243 : i32 to vector<16xi32>
    %and3A_245 = arith.andi %get3A_237, %and3A_244 : vector<16xi32>
    %mul3A_246 = arith.constant 32 : i32
    %mul3A_247 = vector.broadcast %mul3A_246 : i32 to vector<16xi32>
    %mul3A_248 = arith.muli %and3A_245, %mul3A_247 : vector<16xi32>
    %swap3A_249 = arith.constant 240 : index
    %swap3A_250 = tpu.vector_load %arg9[%swap3A_249] {strides = array<i32>} : memref<256xi32, #tpu.memory_space<vmem>>, vector<16xi32>,
    tpu.vector_store %arg9[%swap3A_249], %mul3A_248 {strides = array<i32>} : memref<256xi32, #tpu.memory_space<vmem>>, vector<16xi32>,
    %dma_start3A_251 = arith.constant 0 : i32
    %dma_start3A_252 = arith.constant 0 : i32
    %dma_start3A_253 = tpu.memref_slice %arg3[%dma_start3A_251, %dma_start3A_252] : memref<250000x128xf32, #tpu.memory_space<hbm>> -> memref<250000x128xf32, #tpu.memory_space<hbm>>
    tpu.enqueue_indirect_dma source(%dma_start3A_253 : memref<250000x128xf32, #tpu.memory_space<hbm>>) target(%arg11 : memref<256x128xf32, #tpu.memory_space<vmem>>) offsets(%arg7 : memref<256xi32, #tpu.memory_space<vmem>>) semaphore(%arg15 : memref<!tpu.dma_semaphore, #tpu.memory_space<semaphore_mem>>)
    %mul3A_254 = arith.constant 100 : i32
    %mul3A_255 = arith.muli %add3A, %mul3A_254 : i32
    %add3A_256 = arith.constant 1 : i32
    %add3A_257 = arith.addi %mul3A_255, %add3A_256 : i32
    %div3A_258 = arith.constant 64 : i32
    %div3A_259 = arith.divsi %add3A_257, %div3A_258 : i32
    %rem3A_260 = arith.constant 64 : i32
    %rem3A_261 = arith.remsi %add3A_257, %rem3A_260 : i32
    %mul3A_262 = arith.constant 256 : i32
    %mul3A_263 = arith.muli %rem3A_261, %mul3A_262 : i32
    %dma_start3A_264 = tpu.memref_slice %arg2[%div3A_259, %mul3A_263] : memref<50x16384xi32, #tpu.memory_space<hbm>> -> memref<1x256xi32, #tpu.memory_space<hbm>>
    %dma_start3A_265 = tpu.memref_squeeze %dma_start3A_264 : memref<1x256xi32, #tpu.memory_space<hbm>> -> memref<256xi32, #tpu.memory_space<hbm>>
    %dma_start3A_266 = tpu.memref_slice %arg2[%div3A_259, %mul3A_263] : memref<50x16384xi32, #tpu.memory_space<hbm>> -> memref<1x256xi32, #tpu.memory_space<hbm>>
    %dma_start3A_267 = tpu.memref_squeeze %dma_start3A_266 : memref<1x256xi32, #tpu.memory_space<hbm>> -> memref<256xi32, #tpu.memory_space<hbm>>
    tpu.enqueue_dma source(%dma_start3A_267 : memref<256xi32, #tpu.memory_space<hbm>>) target(%arg6 : memref<256xi32, #tpu.memory_space<vmem>>) target_semaphore(%arg20 : memref<!tpu.dma_semaphore, #tpu.memory_space<semaphore_mem>>)
    %dma_wait3A_268 = tpu.memref_slice %arg2[%div3A_259, %mul3A_263] : memref<50x16384xi32, #tpu.memory_space<hbm>> -> memref<1x256xi32, #tpu.memory_space<hbm>>
    %dma_wait3A_269 = tpu.memref_squeeze %dma_wait3A_268 : memref<1x256xi32, #tpu.memory_space<hbm>> -> memref<256xi32, #tpu.memory_space<hbm>>
    %dma_wait3A_270 = tpu.memref_slice %arg2[%div3A_259, %mul3A_263] : memref<50x16384xi32, #tpu.memory_space<hbm>> -> memref<1x256xi32, #tpu.memory_space<hbm>>
    %dma_wait3A_271 = tpu.memref_squeeze %dma_wait3A_270 : memref<1x256xi32, #tpu.memory_space<hbm>> -> memref<256xi32, #tpu.memory_space<hbm>>
    tpu.wait_dma2 semaphore(%arg20 : memref<!tpu.dma_semaphore, #tpu.memory_space<semaphore_mem>>) src(%dma_wait3A_271 : memref<256xi32, #tpu.memory_space<hbm>>) dst(%arg6 : memref<256xi32, #tpu.memory_space<vmem>>)
    %get3A_272 = arith.constant 0 : index
    %get3A_273 = tpu.vector_load %arg6[%get3A_272] {strides = array<i32>} : memref<256xi32, #tpu.memory_space<vmem>>, vector<16xi32>,
    %shift_right_logical3A_274 = arith.constant 2 : i32
    %shift_right_logical3A_275 = vector.broadcast %shift_right_logical3A_274 : i32 to vector<16xi32>
    %shift_right_logical3A_276 = arith.shrui %get3A_273, %shift_right_logical3A_275 : vector<16xi32>
    %swap3A_277 = arith.constant 0 : index
    %swap3A_278 = tpu.vector_load %arg8[%swap3A_277] {strides = array<i32>} : memref<256xi32, #tpu.memory_space<vmem>>, vector<16xi32>,
    tpu.vector_store %arg8[%swap3A_277], %shift_right_logical3A_276 {strides = array<i32>} : memref<256xi32, #tpu.memory_space<vmem>>, vector<16xi32>,
    %and3A_279 = arith.constant 3 : i32
    %and3A_280 = vector.broadcast %and3A_279 : i32 to vector<16xi32>
    %and3A_281 = arith.andi %get3A_273, %and3A_280 : vector<16xi32>
    %mul3A_282 = arith.constant 32 : i32
    %mul3A_283 = vector.broadcast %mul3A_282 : i32 to vector<16xi32>
    %mul3A_284 = arith.muli %and3A_281, %mul3A_283 : vector<16xi32>
    %swap3A_285 = arith.constant 0 : index
    %swap3A_286 = tpu.vector_load %arg10[%swap3A_285] {strides = array<i32>} : memref<256xi32, #tpu.memory_space<vmem>>, vector<16xi32>,
    tpu.vector_store %arg10[%swap3A_285], %mul3A_284 {strides = array<i32>} : memref<256xi32, #tpu.memory_space<vmem>>, vector<16xi32>,
    %get3A_287 = arith.constant 16 : index
    %get3A_288 = tpu.vector_load %arg6[%get3A_287] {strides = array<i32>} : memref<256xi32, #tpu.memory_space<vmem>>, vector<16xi32>,
    %shift_right_logical3A_289 = arith.constant 2 : i32
    %shift_right_logical3A_290 = vector.broadcast %shift_right_logical3A_289 : i32 to vector<16xi32>
    %shift_right_logical3A_291 = arith.shrui %get3A_288, %shift_right_logical3A_290 : vector<16xi32>
    %swap3A_292 = arith.constant 16 : index
    %swap3A_293 = tpu.vector_load %arg8[%swap3A_292] {strides = array<i32>} : memref<256xi32, #tpu.memory_space<vmem>>, vector<16xi32>,
    tpu.vector_store %arg8[%swap3A_292], %shift_right_logical3A_291 {strides = array<i32>} : memref<256xi32, #tpu.memory_space<vmem>>, vector<16xi32>,
    %and3A_294 = arith.constant 3 : i32
    %and3A_295 = vector.broadcast %and3A_294 : i32 to vector<16xi32>
    %and3A_296 = arith.andi %get3A_288, %and3A_295 : vector<16xi32>
    %mul3A_297 = arith.constant 32 : i32
    %mul3A_298 = vector.broadcast %mul3A_297 : i32 to vector<16xi32>
    %mul3A_299 = arith.muli %and3A_296, %mul3A_298 : vector<16xi32>
    %swap3A_300 = arith.constant 16 : index
    %swap3A_301 = tpu.vector_load %arg10[%swap3A_300] {strides = array<i32>} : memref<256xi32, #tpu.memory_space<vmem>>, vector<16xi32>,
    tpu.vector_store %arg10[%swap3A_300], %mul3A_299 {strides = array<i32>} : memref<256xi32, #tpu.memory_space<vmem>>, vector<16xi32>,
    %get3A_302 = arith.constant 32 : index
    %get3A_303 = tpu.vector_load %arg6[%get3A_302] {strides = array<i32>} : memref<256xi32, #tpu.memory_space<vmem>>, vector<16xi32>,
    %shift_right_logical3A_304 = arith.constant 2 : i32
    %shift_right_logical3A_305 = vector.broadcast %shift_right_logical3A_304 : i32 to vector<16xi32>
    %shift_right_logical3A_306 = arith.shrui %get3A_303, %shift_right_logical3A_305 : vector<16xi32>
    %swap3A_307 = arith.constant 32 : index
    %swap3A_308 = tpu.vector_load %arg8[%swap3A_307] {strides = array<i32>} : memref<256xi32, #tpu.memory_space<vmem>>, vector<16xi32>,
    tpu.vector_store %arg8[%swap3A_307], %shift_right_logical3A_306 {strides = array<i32>} : memref<256xi32, #tpu.memory_space<vmem>>, vector<16xi32>,
    %and3A_309 = arith.constant 3 : i32
    %and3A_310 = vector.broadcast %and3A_309 : i32 to vector<16xi32>
    %and3A_311 = arith.andi %get3A_303, %and3A_310 : vector<16xi32>
    %mul3A_312 = arith.constant 32 : i32
    %mul3A_313 = vector.broadcast %mul3A_312 : i32 to vector<16xi32>
    %mul3A_314 = arith.muli %and3A_311, %mul3A_313 : vector<16xi32>
    %swap3A_315 = arith.constant 32 : index
    %swap3A_316 = tpu.vector_load %arg10[%swap3A_315] {strides = array<i32>} : memref<256xi32, #tpu.memory_space<vmem>>, vector<16xi32>,
    tpu.vector_store %arg10[%swap3A_315], %mul3A_314 {strides = array<i32>} : memref<256xi32, #tpu.memory_space<vmem>>, vector<16xi32>,
    %get3A_317 = arith.constant 48 : index
    %get3A_318 = tpu.vector_load %arg6[%get3A_317] {strides = array<i32>} : memref<256xi32, #tpu.memory_space<vmem>>, vector<16xi32>,
    %shift_right_logical3A_319 = arith.constant 2 : i32
    %shift_right_logical3A_320 = vector.broadcast %shift_right_logical3A_319 : i32 to vector<16xi32>
    %shift_right_logical3A_321 = arith.shrui %get3A_318, %shift_right_logical3A_320 : vector<16xi32>
    %swap3A_322 = arith.constant 48 : index
    %swap3A_323 = tpu.vector_load %arg8[%swap3A_322] {strides = array<i32>} : memref<256xi32, #tpu.memory_space<vmem>>, vector<16xi32>,
    tpu.vector_store %arg8[%swap3A_322], %shift_right_logical3A_321 {strides = array<i32>} : memref<256xi32, #tpu.memory_space<vmem>>, vector<16xi32>,
    %and3A_324 = arith.constant 3 : i32
    %and3A_325 = vector.broadcast %and3A_324 : i32 to vector<16xi32>
    %and3A_326 = arith.andi %get3A_318, %and3A_325 : vector<16xi32>
    %mul3A_327 = arith.constant 32 : i32
    %mul3A_328 = vector.broadcast %mul3A_327 : i32 to vector<16xi32>
    %mul3A_329 = arith.muli %and3A_326, %mul3A_328 : vector<16xi32>
    %swap3A_330 = arith.constant 48 : index
    %swap3A_331 = tpu.vector_load %arg10[%swap3A_330] {strides = array<i32>} : memref<256xi32, #tpu.memory_space<vmem>>, vector<16xi32>,
    tpu.vector_store %arg10[%swap3A_330], %mul3A_329 {strides = array<i32>} : memref<256xi32, #tpu.memory_space<vmem>>, vector<16xi32>,
    %get3A_332 = arith.constant 64 : index
    %get3A_333 = tpu.vector_load %arg6[%get3A_332] {strides = array<i32>} : memref<256xi32, #tpu.memory_space<vmem>>, vector<16xi32>,
    %shift_right_logical3A_334 = arith.constant 2 : i32
    %shift_right_logical3A_335 = vector.broadcast %shift_right_logical3A_334 : i32 to vector<16xi32>
    %shift_right_logical3A_336 = arith.shrui %get3A_333, %shift_right_logical3A_335 : vector<16xi32>
    %swap3A_337 = arith.constant 64 : index
    %swap3A_338 = tpu.vector_load %arg8[%swap3A_337] {strides = array<i32>} : memref<256xi32, #tpu.memory_space<vmem>>, vector<16xi32>,
    tpu.vector_store %arg8[%swap3A_337], %shift_right_logical3A_336 {strides = array<i32>} : memref<256xi32, #tpu.memory_space<vmem>>, vector<16xi32>,
    %and3A_339 = arith.constant 3 : i32
    %and3A_340 = vector.broadcast %and3A_339 : i32 to vector<16xi32>
    %and3A_341 = arith.andi %get3A_333, %and3A_340 : vector<16xi32>
    %mul3A_342 = arith.constant 32 : i32
    %mul3A_343 = vector.broadcast %mul3A_342 : i32 to vector<16xi32>
    %mul3A_344 = arith.muli %and3A_341, %mul3A_343 : vector<16xi32>
    %swap3A_345 = arith.constant 64 : index
    %swap3A_346 = tpu.vector_load %arg10[%swap3A_345] {strides = array<i32>} : memref<256xi32, #tpu.memory_space<vmem>>, vector<16xi32>,
    tpu.vector_store %arg10[%swap3A_345], %mul3A_344 {strides = array<i32>} : memref<256xi32, #tpu.memory_space<vmem>>, vector<16xi32>,
    %get3A_347 = arith.constant 80 : index
    %get3A_348 = tpu.vector_load %arg6[%get3A_347] {strides = array<i32>} : memref<256xi32, #tpu.memory_space<vmem>>, vector<16xi32>,
    %shift_right_logical3A_349 = arith.constant 2 : i32
    %shift_right_logical3A_350 = vector.broadcast %shift_right_logical3A_349 : i32 to vector<16xi32>
    %shift_right_logical3A_351 = arith.shrui %get3A_348, %shift_right_logical3A_350 : vector<16xi32>
    %swap3A_352 = arith.constant 80 : index
    %swap3A_353 = tpu.vector_load %arg8[%swap3A_352] {strides = array<i32>} : memref<256xi32, #tpu.memory_space<vmem>>, vector<16xi32>,
    tpu.vector_store %arg8[%swap3A_352], %shift_right_logical3A_351 {strides = array<i32>} : memref<256xi32, #tpu.memory_space<vmem>>, vector<16xi32>,
    %and3A_354 = arith.constant 3 : i32
    %and3A_355 = vector.broadcast %and3A_354 : i32 to vector<16xi32>
    %and3A_356 = arith.andi %get3A_348, %and3A_355 : vector<16xi32>
    %mul3A_357 = arith.constant 32 : i32
    %mul3A_358 = vector.broadcast %mul3A_357 : i32 to vector<16xi32>
    %mul3A_359 = arith.muli %and3A_356, %mul3A_358 : vector<16xi32>
    %swap3A_360 = arith.constant 80 : index
    %swap3A_361 = tpu.vector_load %arg10[%swap3A_360] {strides = array<i32>} : memref<256xi32, #tpu.memory_space<vmem>>, vector<16xi32>,
    tpu.vector_store %arg10[%swap3A_360], %mul3A_359 {strides = array<i32>} : memref<256xi32, #tpu.memory_space<vmem>>, vector<16xi32>,
    %get3A_362 = arith.constant 96 : index
    %get3A_363 = tpu.vector_load %arg6[%get3A_362] {strides = array<i32>} : memref<256xi32, #tpu.memory_space<vmem>>, vector<16xi32>,
    %shift_right_logical3A_364 = arith.constant 2 : i32
    %shift_right_logical3A_365 = vector.broadcast %shift_right_logical3A_364 : i32 to vector<16xi32>
    %shift_right_logical3A_366 = arith.shrui %get3A_363, %shift_right_logical3A_365 : vector<16xi32>
    %swap3A_367 = arith.constant 96 : index
    %swap3A_368 = tpu.vector_load %arg8[%swap3A_367] {strides = array<i32>} : memref<256xi32, #tpu.memory_space<vmem>>, vector<16xi32>,
    tpu.vector_store %arg8[%swap3A_367], %shift_right_logical3A_366 {strides = array<i32>} : memref<256xi32, #tpu.memory_space<vmem>>, vector<16xi32>,
    %and3A_369 = arith.constant 3 : i32
    %and3A_370 = vector.broadcast %and3A_369 : i32 to vector<16xi32>
    %and3A_371 = arith.andi %get3A_363, %and3A_370 : vector<16xi32>
    %mul3A_372 = arith.constant 32 : i32
    %mul3A_373 = vector.broadcast %mul3A_372 : i32 to vector<16xi32>
    %mul3A_374 = arith.muli %and3A_371, %mul3A_373 : vector<16xi32>
    %swap3A_375 = arith.constant 96 : index
    %swap3A_376 = tpu.vector_load %arg10[%swap3A_375] {strides = array<i32>} : memref<256xi32, #tpu.memory_space<vmem>>, vector<16xi32>,
    tpu.vector_store %arg10[%swap3A_375], %mul3A_374 {strides = array<i32>} : memref<256xi32, #tpu.memory_space<vmem>>, vector<16xi32>,
    %get3A_377 = arith.constant 112 : index
    %get3A_378 = tpu.vector_load %arg6[%get3A_377] {strides = array<i32>} : memref<256xi32, #tpu.memory_space<vmem>>, vector<16xi32>,
    %shift_right_logical3A_379 = arith.constant 2 : i32
    %shift_right_logical3A_380 = vector.broadcast %shift_right_logical3A_379 : i32 to vector<16xi32>
    %shift_right_logical3A_381 = arith.shrui %get3A_378, %shift_right_logical3A_380 : vector<16xi32>
    %swap3A_382 = arith.constant 112 : index
    %swap3A_383 = tpu.vector_load %arg8[%swap3A_382] {strides = array<i32>} : memref<256xi32, #tpu.memory_space<vmem>>, vector<16xi32>,
    tpu.vector_store %arg8[%swap3A_382], %shift_right_logical3A_381 {strides = array<i32>} : memref<256xi32, #tpu.memory_space<vmem>>, vector<16xi32>,
    %and3A_384 = arith.constant 3 : i32
    %and3A_385 = vector.broadcast %and3A_384 : i32 to vector<16xi32>
    %and3A_386 = arith.andi %get3A_378, %and3A_385 : vector<16xi32>
    %mul3A_387 = arith.constant 32 : i32
    %mul3A_388 = vector.broadcast %mul3A_387 : i32 to vector<16xi32>
    %mul3A_389 = arith.muli %and3A_386, %mul3A_388 : vector<16xi32>
    %swap3A_390 = arith.constant 112 : index
    %swap3A_391 = tpu.vector_load %arg10[%swap3A_390] {strides = array<i32>} : memref<256xi32, #tpu.memory_space<vmem>>, vector<16xi32>,
    tpu.vector_store %arg10[%swap3A_390], %mul3A_389 {strides = array<i32>} : memref<256xi32, #tpu.memory_space<vmem>>, vector<16xi32>,
    %get3A_392 = arith.constant 128 : index
    %get3A_393 = tpu.vector_load %arg6[%get3A_392] {strides = array<i32>} : memref<256xi32, #tpu.memory_space<vmem>>, vector<16xi32>,
    %shift_right_logical3A_394 = arith.constant 2 : i32
    %shift_right_logical3A_395 = vector.broadcast %shift_right_logical3A_394 : i32 to vector<16xi32>
    %shift_right_logical3A_396 = arith.shrui %get3A_393, %shift_right_logical3A_395 : vector<16xi32>
    %swap3A_397 = arith.constant 128 : index
    %swap3A_398 = tpu.vector_load %arg8[%swap3A_397] {strides = array<i32>} : memref<256xi32, #tpu.memory_space<vmem>>, vector<16xi32>,
    tpu.vector_store %arg8[%swap3A_397], %shift_right_logical3A_396 {strides = array<i32>} : memref<256xi32, #tpu.memory_space<vmem>>, vector<16xi32>,
    %and3A_399 = arith.constant 3 : i32
    %and3A_400 = vector.broadcast %and3A_399 : i32 to vector<16xi32>
    %and3A_401 = arith.andi %get3A_393, %and3A_400 : vector<16xi32>
    %mul3A_402 = arith.constant 32 : i32
    %mul3A_403 = vector.broadcast %mul3A_402 : i32 to vector<16xi32>
    %mul3A_404 = arith.muli %and3A_401, %mul3A_403 : vector<16xi32>
    %swap3A_405 = arith.constant 128 : index
    %swap3A_406 = tpu.vector_load %arg10[%swap3A_405] {strides = array<i32>} : memref<256xi32, #tpu.memory_space<vmem>>, vector<16xi32>,
    tpu.vector_store %arg10[%swap3A_405], %mul3A_404 {strides = array<i32>} : memref<256xi32, #tpu.memory_space<vmem>>, vector<16xi32>,
    %get3A_407 = arith.constant 144 : index
    %get3A_408 = tpu.vector_load %arg6[%get3A_407] {strides = array<i32>} : memref<256xi32, #tpu.memory_space<vmem>>, vector<16xi32>,
    %shift_right_logical3A_409 = arith.constant 2 : i32
    %shift_right_logical3A_410 = vector.broadcast %shift_right_logical3A_409 : i32 to vector<16xi32>
    %shift_right_logical3A_411 = arith.shrui %get3A_408, %shift_right_logical3A_410 : vector<16xi32>
    %swap3A_412 = arith.constant 144 : index
    %swap3A_413 = tpu.vector_load %arg8[%swap3A_412] {strides = array<i32>} : memref<256xi32, #tpu.memory_space<vmem>>, vector<16xi32>,
    tpu.vector_store %arg8[%swap3A_412], %shift_right_logical3A_411 {strides = array<i32>} : memref<256xi32, #tpu.memory_space<vmem>>, vector<16xi32>,
    %and3A_414 = arith.constant 3 : i32
    %and3A_415 = vector.broadcast %and3A_414 : i32 to vector<16xi32>
    %and3A_416 = arith.andi %get3A_408, %and3A_415 : vector<16xi32>
    %mul3A_417 = arith.constant 32 : i32
    %mul3A_418 = vector.broadcast %mul3A_417 : i32 to vector<16xi32>
    %mul3A_419 = arith.muli %and3A_416, %mul3A_418 : vector<16xi32>
    %swap3A_420 = arith.constant 144 : index
    %swap3A_421 = tpu.vector_load %arg10[%swap3A_420] {strides = array<i32>} : memref<256xi32, #tpu.memory_space<vmem>>, vector<16xi32>,
    tpu.vector_store %arg10[%swap3A_420], %mul3A_419 {strides = array<i32>} : memref<256xi32, #tpu.memory_space<vmem>>, vector<16xi32>,
    %get3A_422 = arith.constant 160 : index
    %get3A_423 = tpu.vector_load %arg6[%get3A_422] {strides = array<i32>} : memref<256xi32, #tpu.memory_space<vmem>>, vector<16xi32>,
    %shift_right_logical3A_424 = arith.constant 2 : i32
    %shift_right_logical3A_425 = vector.broadcast %shift_right_logical3A_424 : i32 to vector<16xi32>
    %shift_right_logical3A_426 = arith.shrui %get3A_423, %shift_right_logical3A_425 : vector<16xi32>
    %swap3A_427 = arith.constant 160 : index
    %swap3A_428 = tpu.vector_load %arg8[%swap3A_427] {strides = array<i32>} : memref<256xi32, #tpu.memory_space<vmem>>, vector<16xi32>,
    tpu.vector_store %arg8[%swap3A_427], %shift_right_logical3A_426 {strides = array<i32>} : memref<256xi32, #tpu.memory_space<vmem>>, vector<16xi32>,
    %and3A_429 = arith.constant 3 : i32
    %and3A_430 = vector.broadcast %and3A_429 : i32 to vector<16xi32>
    %and3A_431 = arith.andi %get3A_423, %and3A_430 : vector<16xi32>
    %mul3A_432 = arith.constant 32 : i32
    %mul3A_433 = vector.broadcast %mul3A_432 : i32 to vector<16xi32>
    %mul3A_434 = arith.muli %and3A_431, %mul3A_433 : vector<16xi32>
    %swap3A_435 = arith.constant 160 : index
    %swap3A_436 = tpu.vector_load %arg10[%swap3A_435] {strides = array<i32>} : memref<256xi32, #tpu.memory_space<vmem>>, vector<16xi32>,
    tpu.vector_store %arg10[%swap3A_435], %mul3A_434 {strides = array<i32>} : memref<256xi32, #tpu.memory_space<vmem>>, vector<16xi32>,
    %get3A_437 = arith.constant 176 : index
    %get3A_438 = tpu.vector_load %arg6[%get3A_437] {strides = array<i32>} : memref<256xi32, #tpu.memory_space<vmem>>, vector<16xi32>,
    %shift_right_logical3A_439 = arith.constant 2 : i32
    %shift_right_logical3A_440 = vector.broadcast %shift_right_logical3A_439 : i32 to vector<16xi32>
    %shift_right_logical3A_441 = arith.shrui %get3A_438, %shift_right_logical3A_440 : vector<16xi32>
    %swap3A_442 = arith.constant 176 : index
    %swap3A_443 = tpu.vector_load %arg8[%swap3A_442] {strides = array<i32>} : memref<256xi32, #tpu.memory_space<vmem>>, vector<16xi32>,
    tpu.vector_store %arg8[%swap3A_442], %shift_right_logical3A_441 {strides = array<i32>} : memref<256xi32, #tpu.memory_space<vmem>>, vector<16xi32>,
    %and3A_444 = arith.constant 3 : i32
    %and3A_445 = vector.broadcast %and3A_444 : i32 to vector<16xi32>
    %and3A_446 = arith.andi %get3A_438, %and3A_445 : vector<16xi32>
    %mul3A_447 = arith.constant 32 : i32
    %mul3A_448 = vector.broadcast %mul3A_447 : i32 to vector<16xi32>
    %mul3A_449 = arith.muli %and3A_446, %mul3A_448 : vector<16xi32>
    %swap3A_450 = arith.constant 176 : index
    %swap3A_451 = tpu.vector_load %arg10[%swap3A_450] {strides = array<i32>} : memref<256xi32, #tpu.memory_space<vmem>>, vector<16xi32>,
    tpu.vector_store %arg10[%swap3A_450], %mul3A_449 {strides = array<i32>} : memref<256xi32, #tpu.memory_space<vmem>>, vector<16xi32>,
    %get3A_452 = arith.constant 192 : index
    %get3A_453 = tpu.vector_load %arg6[%get3A_452] {strides = array<i32>} : memref<256xi32, #tpu.memory_space<vmem>>, vector<16xi32>,
    %shift_right_logical3A_454 = arith.constant 2 : i32
    %shift_right_logical3A_455 = vector.broadcast %shift_right_logical3A_454 : i32 to vector<16xi32>
    %shift_right_logical3A_456 = arith.shrui %get3A_453, %shift_right_logical3A_455 : vector<16xi32>
    %swap3A_457 = arith.constant 192 : index
    %swap3A_458 = tpu.vector_load %arg8[%swap3A_457] {strides = array<i32>} : memref<256xi32, #tpu.memory_space<vmem>>, vector<16xi32>,
    tpu.vector_store %arg8[%swap3A_457], %shift_right_logical3A_456 {strides = array<i32>} : memref<256xi32, #tpu.memory_space<vmem>>, vector<16xi32>,
    %and3A_459 = arith.constant 3 : i32
    %and3A_460 = vector.broadcast %and3A_459 : i32 to vector<16xi32>
    %and3A_461 = arith.andi %get3A_453, %and3A_460 : vector<16xi32>
    %mul3A_462 = arith.constant 32 : i32
    %mul3A_463 = vector.broadcast %mul3A_462 : i32 to vector<16xi32>
    %mul3A_464 = arith.muli %and3A_461, %mul3A_463 : vector<16xi32>
    %swap3A_465 = arith.constant 192 : index
    %swap3A_466 = tpu.vector_load %arg10[%swap3A_465] {strides = array<i32>} : memref<256xi32, #tpu.memory_space<vmem>>, vector<16xi32>,
    tpu.vector_store %arg10[%swap3A_465], %mul3A_464 {strides = array<i32>} : memref<256xi32, #tpu.memory_space<vmem>>, vector<16xi32>,
    %get3A_467 = arith.constant 208 : index
    %get3A_468 = tpu.vector_load %arg6[%get3A_467] {strides = array<i32>} : memref<256xi32, #tpu.memory_space<vmem>>, vector<16xi32>,
    %shift_right_logical3A_469 = arith.constant 2 : i32
    %shift_right_logical3A_470 = vector.broadcast %shift_right_logical3A_469 : i32 to vector<16xi32>
    %shift_right_logical3A_471 = arith.shrui %get3A_468, %shift_right_logical3A_470 : vector<16xi32>
    %swap3A_472 = arith.constant 208 : index
    %swap3A_473 = tpu.vector_load %arg8[%swap3A_472] {strides = array<i32>} : memref<256xi32, #tpu.memory_space<vmem>>, vector<16xi32>,
    tpu.vector_store %arg8[%swap3A_472], %shift_right_logical3A_471 {strides = array<i32>} : memref<256xi32, #tpu.memory_space<vmem>>, vector<16xi32>,
    %and3A_474 = arith.constant 3 : i32
    %and3A_475 = vector.broadcast %and3A_474 : i32 to vector<16xi32>
    %and3A_476 = arith.andi %get3A_468, %and3A_475 : vector<16xi32>
    %mul3A_477 = arith.constant 32 : i32
    %mul3A_478 = vector.broadcast %mul3A_477 : i32 to vector<16xi32>
    %mul3A_479 = arith.muli %and3A_476, %mul3A_478 : vector<16xi32>
    %swap3A_480 = arith.constant 208 : index
    %swap3A_481 = tpu.vector_load %arg10[%swap3A_480] {strides = array<i32>} : memref<256xi32, #tpu.memory_space<vmem>>, vector<16xi32>,
    tpu.vector_store %arg10[%swap3A_480], %mul3A_479 {strides = array<i32>} : memref<256xi32, #tpu.memory_space<vmem>>, vector<16xi32>,
    %get3A_482 = arith.constant 224 : index
    %get3A_483 = tpu.vector_load %arg6[%get3A_482] {strides = array<i32>} : memref<256xi32, #tpu.memory_space<vmem>>, vector<16xi32>,
    %shift_right_logical3A_484 = arith.constant 2 : i32
    %shift_right_logical3A_485 = vector.broadcast %shift_right_logical3A_484 : i32 to vector<16xi32>
    %shift_right_logical3A_486 = arith.shrui %get3A_483, %shift_right_logical3A_485 : vector<16xi32>
    %swap3A_487 = arith.constant 224 : index
    %swap3A_488 = tpu.vector_load %arg8[%swap3A_487] {strides = array<i32>} : memref<256xi32, #tpu.memory_space<vmem>>, vector<16xi32>,
    tpu.vector_store %arg8[%swap3A_487], %shift_right_logical3A_486 {strides = array<i32>} : memref<256xi32, #tpu.memory_space<vmem>>, vector<16xi32>,
    %and3A_489 = arith.constant 3 : i32
    %and3A_490 = vector.broadcast %and3A_489 : i32 to vector<16xi32>
    %and3A_491 = arith.andi %get3A_483, %and3A_490 : vector<16xi32>
    %mul3A_492 = arith.constant 32 : i32
    %mul3A_493 = vector.broadcast %mul3A_492 : i32 to vector<16xi32>
    %mul3A_494 = arith.muli %and3A_491, %mul3A_493 : vector<16xi32>
    %swap3A_495 = arith.constant 224 : index
    %swap3A_496 = tpu.vector_load %arg10[%swap3A_495] {strides = array<i32>} : memref<256xi32, #tpu.memory_space<vmem>>, vector<16xi32>,
    tpu.vector_store %arg10[%swap3A_495], %mul3A_494 {strides = array<i32>} : memref<256xi32, #tpu.memory_space<vmem>>, vector<16xi32>,
    %get3A_497 = arith.constant 240 : index
    %get3A_498 = tpu.vector_load %arg6[%get3A_497] {strides = array<i32>} : memref<256xi32, #tpu.memory_space<vmem>>, vector<16xi32>,
    %shift_right_logical3A_499 = arith.constant 2 : i32
    %shift_right_logical3A_500 = vector.broadcast %shift_right_logical3A_499 : i32 to vector<16xi32>
    %shift_right_logical3A_501 = arith.shrui %get3A_498, %shift_right_logical3A_500 : vector<16xi32>
    %swap3A_502 = arith.constant 240 : index
    %swap3A_503 = tpu.vector_load %arg8[%swap3A_502] {strides = array<i32>} : memref<256xi32, #tpu.memory_space<vmem>>, vector<16xi32>,
    tpu.vector_store %arg8[%swap3A_502], %shift_right_logical3A_501 {strides = array<i32>} : memref<256xi32, #tpu.memory_space<vmem>>, vector<16xi32>,
    %and3A_504 = arith.constant 3 : i32
    %and3A_505 = vector.broadcast %and3A_504 : i32 to vector<16xi32>
    %and3A_506 = arith.andi %get3A_498, %and3A_505 : vector<16xi32>
    %mul3A_507 = arith.constant 32 : i32
    %mul3A_508 = vector.broadcast %mul3A_507 : i32 to vector<16xi32>
    %mul3A_509 = arith.muli %and3A_506, %mul3A_508 : vector<16xi32>
    %swap3A_510 = arith.constant 240 : index
    %swap3A_511 = tpu.vector_load %arg10[%swap3A_510] {strides = array<i32>} : memref<256xi32, #tpu.memory_space<vmem>>, vector<16xi32>,
    tpu.vector_store %arg10[%swap3A_510], %mul3A_509 {strides = array<i32>} : memref<256xi32, #tpu.memory_space<vmem>>, vector<16xi32>,
    %dma_start3A_512 = arith.constant 0 : i32
    %dma_start3A_513 = arith.constant 0 : i32
    %dma_start3A_514 = tpu.memref_slice %arg3[%dma_start3A_512, %dma_start3A_513] : memref<250000x128xf32, #tpu.memory_space<hbm>> -> memref<250000x128xf32, #tpu.memory_space<hbm>>
    tpu.enqueue_indirect_dma source(%dma_start3A_514 : memref<250000x128xf32, #tpu.memory_space<hbm>>) target(%arg12 : memref<256x128xf32, #tpu.memory_space<vmem>>) offsets(%arg8 : memref<256xi32, #tpu.memory_space<vmem>>) semaphore(%arg16 : memref<!tpu.dma_semaphore, #tpu.memory_space<semaphore_mem>>)
    %scan3A = arith.constant 0 : i32
    %scan3A_515 = arith.constant 0 : i32
    %scan3A_516 = arith.constant 50 : i32
    %scan3A_517 = arith.addi %scan3A_515, %scan3A_516 : i32
    %scan3A_518 = arith.constant 1 : i32
    scf.for %scan3A_538 = %scan3A_515 to %scan3A_517 step %scan3A_518  : i32 {
      %mul3A_539 = arith.constant 2 : i32
      %mul3A_540 = arith.muli %mul3A_539, %scan3A_538 : i32
      %add3A_541 = arith.constant 2 : i32
      %add3A_542 = arith.addi %mul3A_540, %add3A_541 : i32
      %lt3A = arith.constant 100 : i32
      %lt3A_543 = arith.cmpi slt, %add3A_542, %lt3A : i32
      %convert_element_type3A = arith.extui %lt3A_543 : i1 to i32
      %cond3A = arith.constant 0 : i32
      %cond3A_544 = arith.cmpi ne, %convert_element_type3A, %cond3A : i32
      scf.if %cond3A_544 {
        %add3A_613 = arith.constant 2 : i32
        %add3A_614 = arith.addi %mul3A_540, %add3A_613 : i32
        %mul3A_615 = arith.constant 100 : i32
        %mul3A_616 = arith.muli %add3A, %mul3A_615 : i32
        %add3A_617 = arith.addi %mul3A_616, %add3A_614 : i32
        %div3A_618 = arith.constant 64 : i32
        %div3A_619 = arith.divsi %add3A_617, %div3A_618 : i32
        %rem3A_620 = arith.constant 64 : i32
        %rem3A_621 = arith.remsi %add3A_617, %rem3A_620 : i32
        %mul3A_622 = arith.constant 256 : i32
        %mul3A_623 = arith.muli %rem3A_621, %mul3A_622 : i32
        %dma_start3A_624 = tpu.memref_slice %arg2[%div3A_619, %mul3A_623] : memref<50x16384xi32, #tpu.memory_space<hbm>> -> memref<1x256xi32, #tpu.memory_space<hbm>>
        %dma_start3A_625 = tpu.memref_squeeze %dma_start3A_624 : memref<1x256xi32, #tpu.memory_space<hbm>> -> memref<256xi32, #tpu.memory_space<hbm>>
        %dma_start3A_626 = tpu.memref_slice %arg2[%div3A_619, %mul3A_623] : memref<50x16384xi32, #tpu.memory_space<hbm>> -> memref<1x256xi32, #tpu.memory_space<hbm>>
        %dma_start3A_627 = tpu.memref_squeeze %dma_start3A_626 : memref<1x256xi32, #tpu.memory_space<hbm>> -> memref<256xi32, #tpu.memory_space<hbm>>
        tpu.enqueue_dma source(%dma_start3A_627 : memref<256xi32, #tpu.memory_space<hbm>>) target(%arg5 : memref<256xi32, #tpu.memory_space<vmem>>) target_semaphore(%arg19 : memref<!tpu.dma_semaphore, #tpu.memory_space<semaphore_mem>>)
      } else {
      }
      %dma_wait3A_545 = arith.constant 0 : i32
      %dma_wait3A_546 = arith.constant 0 : i32
      %dma_wait3A_547 = tpu.memref_slice %arg3[%dma_wait3A_545, %dma_wait3A_546] : memref<250000x128xf32, #tpu.memory_space<hbm>> -> memref<250000x128xf32, #tpu.memory_space<hbm>>
      tpu.wait_indirect_dma semaphore(%arg15 : memref<!tpu.dma_semaphore, #tpu.memory_space<semaphore_mem>>) src(%dma_wait3A_547 : memref<250000x128xf32, #tpu.memory_space<hbm>>) dst(%arg11 : memref<256x128xf32, #tpu.memory_space<vmem>>)
      %ge3A = arith.constant 1 : i32
      %ge3A_548 = arith.cmpi sge, %scan3A_538, %ge3A : i32
      %convert_element_type3A_549 = arith.extui %ge3A_548 : i1 to i32
      %cond3A_550 = arith.constant 0 : i32
      %cond3A_551 = arith.cmpi ne, %convert_element_type3A_549, %cond3A_550 : i32
      scf.if %cond3A_551 {
        %dma_wait3A_613 = arith.constant 0 : i32
        %dma_wait3A_614 = arith.constant 0 : i32
        %dma_wait3A_615 = arith.constant 0 : i32
        %dma_wait3A_616 = tpu.memref_slice %arg4[%dma_wait3A_613, %dma_wait3A_614, %dma_wait3A_615] : memref<50x32x16384xf32, #tpu.memory_space<hbm>> -> memref<1x32x256xf32, #tpu.memory_space<hbm>>
        %dma_wait3A_617 = tpu.memref_squeeze %dma_wait3A_616 : memref<1x32x256xf32, #tpu.memory_space<hbm>> -> memref<32x256xf32, #tpu.memory_space<hbm>>
        %dma_wait3A_618 = arith.constant 0 : i32
        %dma_wait3A_619 = arith.constant 0 : i32
        %dma_wait3A_620 = tpu.memref_slice %arg4[%dma_wait3A_613, %dma_wait3A_618, %dma_wait3A_619] : memref<50x32x16384xf32, #tpu.memory_space<hbm>> -> memref<1x32x256xf32, #tpu.memory_space<hbm>>
        %dma_wait3A_621 = tpu.memref_squeeze %dma_wait3A_620 : memref<1x32x256xf32, #tpu.memory_space<hbm>> -> memref<32x256xf32, #tpu.memory_space<hbm>>
        tpu.wait_dma2 semaphore(%arg17 : memref<!tpu.dma_semaphore, #tpu.memory_space<semaphore_mem>>) src(%arg13 : memref<32x256xf32, #tpu.memory_space<vmem>>) dst(%dma_wait3A_621 : memref<32x256xf32, #tpu.memory_space<hbm>>)
      } else {
      }
      %scan3A_552 = arith.constant 0 : i32
      %scan3A_553 = arith.constant 0 : i32
      %scan3A_554 = arith.constant 16 : i32
      %scan3A_555 = arith.addi %scan3A_553, %scan3A_554 : i32
      %scan3A_556 = arith.constant 1 : i32
      scf.for %scan3A_613 = %scan3A_553 to %scan3A_555 step %scan3A_556  : i32 {
        %mul3A_614 = arith.constant 16 : i32
        %mul3A_615 = arith.muli %scan3A_613, %mul3A_614 : i32
        %add3A_616 = vector.broadcast %mul3A_615 : i32 to vector<16xi32>
        %add3A_617 = arith.addi %iota3A, %add3A_616 : vector<16xi32>
        %mul3A_618 = arith.constant 16 : i32
        %mul3A_619 = arith.muli %scan3A_613, %mul3A_618 : i32
        %get3A_620 = arith.index_cast %mul3A_619 : i32 to index
        %get3A_621 = tpu.vector_load %arg9[%get3A_620] {strides = array<i32>} : memref<256xi32, #tpu.memory_space<vmem>>, vector<16xi32>,
        %add3A_622 = arith.constant 0 : i32
        %add3A_623 = vector.broadcast %add3A_622 : i32 to vector<16xi32>
        %add3A_624 = arith.addi %iota3A, %add3A_623 : vector<16xi32>
        %and3A_625 = arith.constant 31 : i32
        %and3A_626 = vector.broadcast %and3A_625 : i32 to vector<16xi32>
        %and3A_627 = arith.andi %add3A_624, %and3A_626 : vector<16xi32>
        %add3A_628 = arith.addi %get3A_621, %and3A_627 : vector<16xi32>
        %gather3A = tpu.vector_load_idx %arg11[%add3A_617, %add3A_628] : memref<256x128xf32, #tpu.memory_space<vmem>>[vector<16xi32>, vector<16xi32>], vector<16xf32>,
        tpu.vector_store_idx %arg13[%and3A_627, %add3A_617], %gather3A : memref<32x256xf32, #tpu.memory_space<vmem>>[vector<16xi32>, vector<16xi32>], vector<16xf32>,
        %add3A_629 = arith.constant 1 : i32
        %add3A_630 = vector.broadcast %add3A_629 : i32 to vector<16xi32>
        %add3A_631 = arith.addi %iota3A, %add3A_630 : vector<16xi32>
        %and3A_632 = arith.constant 31 : i32
        %and3A_633 = vector.broadcast %and3A_632 : i32 to vector<16xi32>
        %and3A_634 = arith.andi %add3A_631, %and3A_633 : vector<16xi32>
        %add3A_635 = arith.addi %get3A_621, %and3A_634 : vector<16xi32>
        %gather3A_636 = tpu.vector_load_idx %arg11[%add3A_617, %add3A_635] : memref<256x128xf32, #tpu.memory_space<vmem>>[vector<16xi32>, vector<16xi32>], vector<16xf32>,
        tpu.vector_store_idx %arg13[%and3A_634, %add3A_617], %gather3A_636 : memref<32x256xf32, #tpu.memory_space<vmem>>[vector<16xi32>, vector<16xi32>], vector<16xf32>,
        %add3A_637 = arith.constant 2 : i32
        %add3A_638 = vector.broadcast %add3A_637 : i32 to vector<16xi32>
        %add3A_639 = arith.addi %iota3A, %add3A_638 : vector<16xi32>
        %and3A_640 = arith.constant 31 : i32
        %and3A_641 = vector.broadcast %and3A_640 : i32 to vector<16xi32>
        %and3A_642 = arith.andi %add3A_639, %and3A_641 : vector<16xi32>
        %add3A_643 = arith.addi %get3A_621, %and3A_642 : vector<16xi32>
        %gather3A_644 = tpu.vector_load_idx %arg11[%add3A_617, %add3A_643] : memref<256x128xf32, #tpu.memory_space<vmem>>[vector<16xi32>, vector<16xi32>], vector<16xf32>,
        tpu.vector_store_idx %arg13[%and3A_642, %add3A_617], %gather3A_644 : memref<32x256xf32, #tpu.memory_space<vmem>>[vector<16xi32>, vector<16xi32>], vector<16xf32>,
        %add3A_645 = arith.constant 3 : i32
        %add3A_646 = vector.broadcast %add3A_645 : i32 to vector<16xi32>
        %add3A_647 = arith.addi %iota3A, %add3A_646 : vector<16xi32>
        %and3A_648 = arith.constant 31 : i32
        %and3A_649 = vector.broadcast %and3A_648 : i32 to vector<16xi32>
        %and3A_650 = arith.andi %add3A_647, %and3A_649 : vector<16xi32>
        %add3A_651 = arith.addi %get3A_621, %and3A_650 : vector<16xi32>
        %gather3A_652 = tpu.vector_load_idx %arg11[%add3A_617, %add3A_651] : memref<256x128xf32, #tpu.memory_space<vmem>>[vector<16xi32>, vector<16xi32>], vector<16xf32>,
        tpu.vector_store_idx %arg13[%and3A_650, %add3A_617], %gather3A_652 : memref<32x256xf32, #tpu.memory_space<vmem>>[vector<16xi32>, vector<16xi32>], vector<16xf32>,
        %add3A_653 = arith.constant 4 : i32
        %add3A_654 = vector.broadcast %add3A_653 : i32 to vector<16xi32>
        %add3A_655 = arith.addi %iota3A, %add3A_654 : vector<16xi32>
        %and3A_656 = arith.constant 31 : i32
        %and3A_657 = vector.broadcast %and3A_656 : i32 to vector<16xi32>
        %and3A_658 = arith.andi %add3A_655, %and3A_657 : vector<16xi32>
        %add3A_659 = arith.addi %get3A_621, %and3A_658 : vector<16xi32>
        %gather3A_660 = tpu.vector_load_idx %arg11[%add3A_617, %add3A_659] : memref<256x128xf32, #tpu.memory_space<vmem>>[vector<16xi32>, vector<16xi32>], vector<16xf32>,
        tpu.vector_store_idx %arg13[%and3A_658, %add3A_617], %gather3A_660 : memref<32x256xf32, #tpu.memory_space<vmem>>[vector<16xi32>, vector<16xi32>], vector<16xf32>,
        %add3A_661 = arith.constant 5 : i32
        %add3A_662 = vector.broadcast %add3A_661 : i32 to vector<16xi32>
        %add3A_663 = arith.addi %iota3A, %add3A_662 : vector<16xi32>
        %and3A_664 = arith.constant 31 : i32
        %and3A_665 = vector.broadcast %and3A_664 : i32 to vector<16xi32>
        %and3A_666 = arith.andi %add3A_663, %and3A_665 : vector<16xi32>
        %add3A_667 = arith.addi %get3A_621, %and3A_666 : vector<16xi32>
        %gather3A_668 = tpu.vector_load_idx %arg11[%add3A_617, %add3A_667] : memref<256x128xf32, #tpu.memory_space<vmem>>[vector<16xi32>, vector<16xi32>], vector<16xf32>,
        tpu.vector_store_idx %arg13[%and3A_666, %add3A_617], %gather3A_668 : memref<32x256xf32, #tpu.memory_space<vmem>>[vector<16xi32>, vector<16xi32>], vector<16xf32>,
        %add3A_669 = arith.constant 6 : i32
        %add3A_670 = vector.broadcast %add3A_669 : i32 to vector<16xi32>
        %add3A_671 = arith.addi %iota3A, %add3A_670 : vector<16xi32>
        %and3A_672 = arith.constant 31 : i32
        %and3A_673 = vector.broadcast %and3A_672 : i32 to vector<16xi32>
        %and3A_674 = arith.andi %add3A_671, %and3A_673 : vector<16xi32>
        %add3A_675 = arith.addi %get3A_621, %and3A_674 : vector<16xi32>
        %gather3A_676 = tpu.vector_load_idx %arg11[%add3A_617, %add3A_675] : memref<256x128xf32, #tpu.memory_space<vmem>>[vector<16xi32>, vector<16xi32>], vector<16xf32>,
        tpu.vector_store_idx %arg13[%and3A_674, %add3A_617], %gather3A_676 : memref<32x256xf32, #tpu.memory_space<vmem>>[vector<16xi32>, vector<16xi32>], vector<16xf32>,
        %add3A_677 = arith.constant 7 : i32
        %add3A_678 = vector.broadcast %add3A_677 : i32 to vector<16xi32>
        %add3A_679 = arith.addi %iota3A, %add3A_678 : vector<16xi32>
        %and3A_680 = arith.constant 31 : i32
        %and3A_681 = vector.broadcast %and3A_680 : i32 to vector<16xi32>
        %and3A_682 = arith.andi %add3A_679, %and3A_681 : vector<16xi32>
        %add3A_683 = arith.addi %get3A_621, %and3A_682 : vector<16xi32>
        %gather3A_684 = tpu.vector_load_idx %arg11[%add3A_617, %add3A_683] : memref<256x128xf32, #tpu.memory_space<vmem>>[vector<16xi32>, vector<16xi32>], vector<16xf32>,
        tpu.vector_store_idx %arg13[%and3A_682, %add3A_617], %gather3A_684 : memref<32x256xf32, #tpu.memory_space<vmem>>[vector<16xi32>, vector<16xi32>], vector<16xf32>,
        %add3A_685 = arith.constant 8 : i32
        %add3A_686 = vector.broadcast %add3A_685 : i32 to vector<16xi32>
        %add3A_687 = arith.addi %iota3A, %add3A_686 : vector<16xi32>
        %and3A_688 = arith.constant 31 : i32
        %and3A_689 = vector.broadcast %and3A_688 : i32 to vector<16xi32>
        %and3A_690 = arith.andi %add3A_687, %and3A_689 : vector<16xi32>
        %add3A_691 = arith.addi %get3A_621, %and3A_690 : vector<16xi32>
        %gather3A_692 = tpu.vector_load_idx %arg11[%add3A_617, %add3A_691] : memref<256x128xf32, #tpu.memory_space<vmem>>[vector<16xi32>, vector<16xi32>], vector<16xf32>,
        tpu.vector_store_idx %arg13[%and3A_690, %add3A_617], %gather3A_692 : memref<32x256xf32, #tpu.memory_space<vmem>>[vector<16xi32>, vector<16xi32>], vector<16xf32>,
        %add3A_693 = arith.constant 9 : i32
        %add3A_694 = vector.broadcast %add3A_693 : i32 to vector<16xi32>
        %add3A_695 = arith.addi %iota3A, %add3A_694 : vector<16xi32>
        %and3A_696 = arith.constant 31 : i32
        %and3A_697 = vector.broadcast %and3A_696 : i32 to vector<16xi32>
        %and3A_698 = arith.andi %add3A_695, %and3A_697 : vector<16xi32>
        %add3A_699 = arith.addi %get3A_621, %and3A_698 : vector<16xi32>
        %gather3A_700 = tpu.vector_load_idx %arg11[%add3A_617, %add3A_699] : memref<256x128xf32, #tpu.memory_space<vmem>>[vector<16xi32>, vector<16xi32>], vector<16xf32>,
        tpu.vector_store_idx %arg13[%and3A_698, %add3A_617], %gather3A_700 : memref<32x256xf32, #tpu.memory_space<vmem>>[vector<16xi32>, vector<16xi32>], vector<16xf32>,
        %add3A_701 = arith.constant 10 : i32
        %add3A_702 = vector.broadcast %add3A_701 : i32 to vector<16xi32>
        %add3A_703 = arith.addi %iota3A, %add3A_702 : vector<16xi32>
        %and3A_704 = arith.constant 31 : i32
        %and3A_705 = vector.broadcast %and3A_704 : i32 to vector<16xi32>
        %and3A_706 = arith.andi %add3A_703, %and3A_705 : vector<16xi32>
        %add3A_707 = arith.addi %get3A_621, %and3A_706 : vector<16xi32>
        %gather3A_708 = tpu.vector_load_idx %arg11[%add3A_617, %add3A_707] : memref<256x128xf32, #tpu.memory_space<vmem>>[vector<16xi32>, vector<16xi32>], vector<16xf32>,
        tpu.vector_store_idx %arg13[%and3A_706, %add3A_617], %gather3A_708 : memref<32x256xf32, #tpu.memory_space<vmem>>[vector<16xi32>, vector<16xi32>], vector<16xf32>,
        %add3A_709 = arith.constant 11 : i32
        %add3A_710 = vector.broadcast %add3A_709 : i32 to vector<16xi32>
        %add3A_711 = arith.addi %iota3A, %add3A_710 : vector<16xi32>
        %and3A_712 = arith.constant 31 : i32
        %and3A_713 = vector.broadcast %and3A_712 : i32 to vector<16xi32>
        %and3A_714 = arith.andi %add3A_711, %and3A_713 : vector<16xi32>
        %add3A_715 = arith.addi %get3A_621, %and3A_714 : vector<16xi32>
        %gather3A_716 = tpu.vector_load_idx %arg11[%add3A_617, %add3A_715] : memref<256x128xf32, #tpu.memory_space<vmem>>[vector<16xi32>, vector<16xi32>], vector<16xf32>,
        tpu.vector_store_idx %arg13[%and3A_714, %add3A_617], %gather3A_716 : memref<32x256xf32, #tpu.memory_space<vmem>>[vector<16xi32>, vector<16xi32>], vector<16xf32>,
        %add3A_717 = arith.constant 12 : i32
        %add3A_718 = vector.broadcast %add3A_717 : i32 to vector<16xi32>
        %add3A_719 = arith.addi %iota3A, %add3A_718 : vector<16xi32>
        %and3A_720 = arith.constant 31 : i32
        %and3A_721 = vector.broadcast %and3A_720 : i32 to vector<16xi32>
        %and3A_722 = arith.andi %add3A_719, %and3A_721 : vector<16xi32>
        %add3A_723 = arith.addi %get3A_621, %and3A_722 : vector<16xi32>
        %gather3A_724 = tpu.vector_load_idx %arg11[%add3A_617, %add3A_723] : memref<256x128xf32, #tpu.memory_space<vmem>>[vector<16xi32>, vector<16xi32>], vector<16xf32>,
        tpu.vector_store_idx %arg13[%and3A_722, %add3A_617], %gather3A_724 : memref<32x256xf32, #tpu.memory_space<vmem>>[vector<16xi32>, vector<16xi32>], vector<16xf32>,
        %add3A_725 = arith.constant 13 : i32
        %add3A_726 = vector.broadcast %add3A_725 : i32 to vector<16xi32>
        %add3A_727 = arith.addi %iota3A, %add3A_726 : vector<16xi32>
        %and3A_728 = arith.constant 31 : i32
        %and3A_729 = vector.broadcast %and3A_728 : i32 to vector<16xi32>
        %and3A_730 = arith.andi %add3A_727, %and3A_729 : vector<16xi32>
        %add3A_731 = arith.addi %get3A_621, %and3A_730 : vector<16xi32>
        %gather3A_732 = tpu.vector_load_idx %arg11[%add3A_617, %add3A_731] : memref<256x128xf32, #tpu.memory_space<vmem>>[vector<16xi32>, vector<16xi32>], vector<16xf32>,
        tpu.vector_store_idx %arg13[%and3A_730, %add3A_617], %gather3A_732 : memref<32x256xf32, #tpu.memory_space<vmem>>[vector<16xi32>, vector<16xi32>], vector<16xf32>,
        %add3A_733 = arith.constant 14 : i32
        %add3A_734 = vector.broadcast %add3A_733 : i32 to vector<16xi32>
        %add3A_735 = arith.addi %iota3A, %add3A_734 : vector<16xi32>
        %and3A_736 = arith.constant 31 : i32
        %and3A_737 = vector.broadcast %and3A_736 : i32 to vector<16xi32>
        %and3A_738 = arith.andi %add3A_735, %and3A_737 : vector<16xi32>
        %add3A_739 = arith.addi %get3A_621, %and3A_738 : vector<16xi32>
        %gather3A_740 = tpu.vector_load_idx %arg11[%add3A_617, %add3A_739] : memref<256x128xf32, #tpu.memory_space<vmem>>[vector<16xi32>, vector<16xi32>], vector<16xf32>,
        tpu.vector_store_idx %arg13[%and3A_738, %add3A_617], %gather3A_740 : memref<32x256xf32, #tpu.memory_space<vmem>>[vector<16xi32>, vector<16xi32>], vector<16xf32>,
        %add3A_741 = arith.constant 15 : i32
        %add3A_742 = vector.broadcast %add3A_741 : i32 to vector<16xi32>
        %add3A_743 = arith.addi %iota3A, %add3A_742 : vector<16xi32>
        %and3A_744 = arith.constant 31 : i32
        %and3A_745 = vector.broadcast %and3A_744 : i32 to vector<16xi32>
        %and3A_746 = arith.andi %add3A_743, %and3A_745 : vector<16xi32>
        %add3A_747 = arith.addi %get3A_621, %and3A_746 : vector<16xi32>
        %gather3A_748 = tpu.vector_load_idx %arg11[%add3A_617, %add3A_747] : memref<256x128xf32, #tpu.memory_space<vmem>>[vector<16xi32>, vector<16xi32>], vector<16xf32>,
        tpu.vector_store_idx %arg13[%and3A_746, %add3A_617], %gather3A_748 : memref<32x256xf32, #tpu.memory_space<vmem>>[vector<16xi32>, vector<16xi32>], vector<16xf32>,
        %add3A_749 = arith.constant 16 : i32
        %add3A_750 = vector.broadcast %add3A_749 : i32 to vector<16xi32>
        %add3A_751 = arith.addi %iota3A, %add3A_750 : vector<16xi32>
        %and3A_752 = arith.constant 31 : i32
        %and3A_753 = vector.broadcast %and3A_752 : i32 to vector<16xi32>
        %and3A_754 = arith.andi %add3A_751, %and3A_753 : vector<16xi32>
        %add3A_755 = arith.addi %get3A_621, %and3A_754 : vector<16xi32>
        %gather3A_756 = tpu.vector_load_idx %arg11[%add3A_617, %add3A_755] : memref<256x128xf32, #tpu.memory_space<vmem>>[vector<16xi32>, vector<16xi32>], vector<16xf32>,
        tpu.vector_store_idx %arg13[%and3A_754, %add3A_617], %gather3A_756 : memref<32x256xf32, #tpu.memory_space<vmem>>[vector<16xi32>, vector<16xi32>], vector<16xf32>,
        %add3A_757 = arith.constant 17 : i32
        %add3A_758 = vector.broadcast %add3A_757 : i32 to vector<16xi32>
        %add3A_759 = arith.addi %iota3A, %add3A_758 : vector<16xi32>
        %and3A_760 = arith.constant 31 : i32
        %and3A_761 = vector.broadcast %and3A_760 : i32 to vector<16xi32>
        %and3A_762 = arith.andi %add3A_759, %and3A_761 : vector<16xi32>
        %add3A_763 = arith.addi %get3A_621, %and3A_762 : vector<16xi32>
        %gather3A_764 = tpu.vector_load_idx %arg11[%add3A_617, %add3A_763] : memref<256x128xf32, #tpu.memory_space<vmem>>[vector<16xi32>, vector<16xi32>], vector<16xf32>,
        tpu.vector_store_idx %arg13[%and3A_762, %add3A_617], %gather3A_764 : memref<32x256xf32, #tpu.memory_space<vmem>>[vector<16xi32>, vector<16xi32>], vector<16xf32>,
        %add3A_765 = arith.constant 18 : i32
        %add3A_766 = vector.broadcast %add3A_765 : i32 to vector<16xi32>
        %add3A_767 = arith.addi %iota3A, %add3A_766 : vector<16xi32>
        %and3A_768 = arith.constant 31 : i32
        %and3A_769 = vector.broadcast %and3A_768 : i32 to vector<16xi32>
        %and3A_770 = arith.andi %add3A_767, %and3A_769 : vector<16xi32>
        %add3A_771 = arith.addi %get3A_621, %and3A_770 : vector<16xi32>
        %gather3A_772 = tpu.vector_load_idx %arg11[%add3A_617, %add3A_771] : memref<256x128xf32, #tpu.memory_space<vmem>>[vector<16xi32>, vector<16xi32>], vector<16xf32>,
        tpu.vector_store_idx %arg13[%and3A_770, %add3A_617], %gather3A_772 : memref<32x256xf32, #tpu.memory_space<vmem>>[vector<16xi32>, vector<16xi32>], vector<16xf32>,
        %add3A_773 = arith.constant 19 : i32
        %add3A_774 = vector.broadcast %add3A_773 : i32 to vector<16xi32>
        %add3A_775 = arith.addi %iota3A, %add3A_774 : vector<16xi32>
        %and3A_776 = arith.constant 31 : i32
        %and3A_777 = vector.broadcast %and3A_776 : i32 to vector<16xi32>
        %and3A_778 = arith.andi %add3A_775, %and3A_777 : vector<16xi32>
        %add3A_779 = arith.addi %get3A_621, %and3A_778 : vector<16xi32>
        %gather3A_780 = tpu.vector_load_idx %arg11[%add3A_617, %add3A_779] : memref<256x128xf32, #tpu.memory_space<vmem>>[vector<16xi32>, vector<16xi32>], vector<16xf32>,
        tpu.vector_store_idx %arg13[%and3A_778, %add3A_617], %gather3A_780 : memref<32x256xf32, #tpu.memory_space<vmem>>[vector<16xi32>, vector<16xi32>], vector<16xf32>,
        %add3A_781 = arith.constant 20 : i32
        %add3A_782 = vector.broadcast %add3A_781 : i32 to vector<16xi32>
        %add3A_783 = arith.addi %iota3A, %add3A_782 : vector<16xi32>
        %and3A_784 = arith.constant 31 : i32
        %and3A_785 = vector.broadcast %and3A_784 : i32 to vector<16xi32>
        %and3A_786 = arith.andi %add3A_783, %and3A_785 : vector<16xi32>
        %add3A_787 = arith.addi %get3A_621, %and3A_786 : vector<16xi32>
        %gather3A_788 = tpu.vector_load_idx %arg11[%add3A_617, %add3A_787] : memref<256x128xf32, #tpu.memory_space<vmem>>[vector<16xi32>, vector<16xi32>], vector<16xf32>,
        tpu.vector_store_idx %arg13[%and3A_786, %add3A_617], %gather3A_788 : memref<32x256xf32, #tpu.memory_space<vmem>>[vector<16xi32>, vector<16xi32>], vector<16xf32>,
        %add3A_789 = arith.constant 21 : i32
        %add3A_790 = vector.broadcast %add3A_789 : i32 to vector<16xi32>
        %add3A_791 = arith.addi %iota3A, %add3A_790 : vector<16xi32>
        %and3A_792 = arith.constant 31 : i32
        %and3A_793 = vector.broadcast %and3A_792 : i32 to vector<16xi32>
        %and3A_794 = arith.andi %add3A_791, %and3A_793 : vector<16xi32>
        %add3A_795 = arith.addi %get3A_621, %and3A_794 : vector<16xi32>
        %gather3A_796 = tpu.vector_load_idx %arg11[%add3A_617, %add3A_795] : memref<256x128xf32, #tpu.memory_space<vmem>>[vector<16xi32>, vector<16xi32>], vector<16xf32>,
        tpu.vector_store_idx %arg13[%and3A_794, %add3A_617], %gather3A_796 : memref<32x256xf32, #tpu.memory_space<vmem>>[vector<16xi32>, vector<16xi32>], vector<16xf32>,
        %add3A_797 = arith.constant 22 : i32
        %add3A_798 = vector.broadcast %add3A_797 : i32 to vector<16xi32>
        %add3A_799 = arith.addi %iota3A, %add3A_798 : vector<16xi32>
        %and3A_800 = arith.constant 31 : i32
        %and3A_801 = vector.broadcast %and3A_800 : i32 to vector<16xi32>
        %and3A_802 = arith.andi %add3A_799, %and3A_801 : vector<16xi32>
        %add3A_803 = arith.addi %get3A_621, %and3A_802 : vector<16xi32>
        %gather3A_804 = tpu.vector_load_idx %arg11[%add3A_617, %add3A_803] : memref<256x128xf32, #tpu.memory_space<vmem>>[vector<16xi32>, vector<16xi32>], vector<16xf32>,
        tpu.vector_store_idx %arg13[%and3A_802, %add3A_617], %gather3A_804 : memref<32x256xf32, #tpu.memory_space<vmem>>[vector<16xi32>, vector<16xi32>], vector<16xf32>,
        %add3A_805 = arith.constant 23 : i32
        %add3A_806 = vector.broadcast %add3A_805 : i32 to vector<16xi32>
        %add3A_807 = arith.addi %iota3A, %add3A_806 : vector<16xi32>
        %and3A_808 = arith.constant 31 : i32
        %and3A_809 = vector.broadcast %and3A_808 : i32 to vector<16xi32>
        %and3A_810 = arith.andi %add3A_807, %and3A_809 : vector<16xi32>
        %add3A_811 = arith.addi %get3A_621, %and3A_810 : vector<16xi32>
        %gather3A_812 = tpu.vector_load_idx %arg11[%add3A_617, %add3A_811] : memref<256x128xf32, #tpu.memory_space<vmem>>[vector<16xi32>, vector<16xi32>], vector<16xf32>,
        tpu.vector_store_idx %arg13[%and3A_810, %add3A_617], %gather3A_812 : memref<32x256xf32, #tpu.memory_space<vmem>>[vector<16xi32>, vector<16xi32>], vector<16xf32>,
        %add3A_813 = arith.constant 24 : i32
        %add3A_814 = vector.broadcast %add3A_813 : i32 to vector<16xi32>
        %add3A_815 = arith.addi %iota3A, %add3A_814 : vector<16xi32>
        %and3A_816 = arith.constant 31 : i32
        %and3A_817 = vector.broadcast %and3A_816 : i32 to vector<16xi32>
        %and3A_818 = arith.andi %add3A_815, %and3A_817 : vector<16xi32>
        %add3A_819 = arith.addi %get3A_621, %and3A_818 : vector<16xi32>
        %gather3A_820 = tpu.vector_load_idx %arg11[%add3A_617, %add3A_819] : memref<256x128xf32, #tpu.memory_space<vmem>>[vector<16xi32>, vector<16xi32>], vector<16xf32>,
        tpu.vector_store_idx %arg13[%and3A_818, %add3A_617], %gather3A_820 : memref<32x256xf32, #tpu.memory_space<vmem>>[vector<16xi32>, vector<16xi32>], vector<16xf32>,
        %add3A_821 = arith.constant 25 : i32
        %add3A_822 = vector.broadcast %add3A_821 : i32 to vector<16xi32>
        %add3A_823 = arith.addi %iota3A, %add3A_822 : vector<16xi32>
        %and3A_824 = arith.constant 31 : i32
        %and3A_825 = vector.broadcast %and3A_824 : i32 to vector<16xi32>
        %and3A_826 = arith.andi %add3A_823, %and3A_825 : vector<16xi32>
        %add3A_827 = arith.addi %get3A_621, %and3A_826 : vector<16xi32>
        %gather3A_828 = tpu.vector_load_idx %arg11[%add3A_617, %add3A_827] : memref<256x128xf32, #tpu.memory_space<vmem>>[vector<16xi32>, vector<16xi32>], vector<16xf32>,
        tpu.vector_store_idx %arg13[%and3A_826, %add3A_617], %gather3A_828 : memref<32x256xf32, #tpu.memory_space<vmem>>[vector<16xi32>, vector<16xi32>], vector<16xf32>,
        %add3A_829 = arith.constant 26 : i32
        %add3A_830 = vector.broadcast %add3A_829 : i32 to vector<16xi32>
        %add3A_831 = arith.addi %iota3A, %add3A_830 : vector<16xi32>
        %and3A_832 = arith.constant 31 : i32
        %and3A_833 = vector.broadcast %and3A_832 : i32 to vector<16xi32>
        %and3A_834 = arith.andi %add3A_831, %and3A_833 : vector<16xi32>
        %add3A_835 = arith.addi %get3A_621, %and3A_834 : vector<16xi32>
        %gather3A_836 = tpu.vector_load_idx %arg11[%add3A_617, %add3A_835] : memref<256x128xf32, #tpu.memory_space<vmem>>[vector<16xi32>, vector<16xi32>], vector<16xf32>,
        tpu.vector_store_idx %arg13[%and3A_834, %add3A_617], %gather3A_836 : memref<32x256xf32, #tpu.memory_space<vmem>>[vector<16xi32>, vector<16xi32>], vector<16xf32>,
        %add3A_837 = arith.constant 27 : i32
        %add3A_838 = vector.broadcast %add3A_837 : i32 to vector<16xi32>
        %add3A_839 = arith.addi %iota3A, %add3A_838 : vector<16xi32>
        %and3A_840 = arith.constant 31 : i32
        %and3A_841 = vector.broadcast %and3A_840 : i32 to vector<16xi32>
        %and3A_842 = arith.andi %add3A_839, %and3A_841 : vector<16xi32>
        %add3A_843 = arith.addi %get3A_621, %and3A_842 : vector<16xi32>
        %gather3A_844 = tpu.vector_load_idx %arg11[%add3A_617, %add3A_843] : memref<256x128xf32, #tpu.memory_space<vmem>>[vector<16xi32>, vector<16xi32>], vector<16xf32>,
        tpu.vector_store_idx %arg13[%and3A_842, %add3A_617], %gather3A_844 : memref<32x256xf32, #tpu.memory_space<vmem>>[vector<16xi32>, vector<16xi32>], vector<16xf32>,
        %add3A_845 = arith.constant 28 : i32
        %add3A_846 = vector.broadcast %add3A_845 : i32 to vector<16xi32>
        %add3A_847 = arith.addi %iota3A, %add3A_846 : vector<16xi32>
        %and3A_848 = arith.constant 31 : i32
        %and3A_849 = vector.broadcast %and3A_848 : i32 to vector<16xi32>
        %and3A_850 = arith.andi %add3A_847, %and3A_849 : vector<16xi32>
        %add3A_851 = arith.addi %get3A_621, %and3A_850 : vector<16xi32>
        %gather3A_852 = tpu.vector_load_idx %arg11[%add3A_617, %add3A_851] : memref<256x128xf32, #tpu.memory_space<vmem>>[vector<16xi32>, vector<16xi32>], vector<16xf32>,
        tpu.vector_store_idx %arg13[%and3A_850, %add3A_617], %gather3A_852 : memref<32x256xf32, #tpu.memory_space<vmem>>[vector<16xi32>, vector<16xi32>], vector<16xf32>,
        %add3A_853 = arith.constant 29 : i32
        %add3A_854 = vector.broadcast %add3A_853 : i32 to vector<16xi32>
        %add3A_855 = arith.addi %iota3A, %add3A_854 : vector<16xi32>
        %and3A_856 = arith.constant 31 : i32
        %and3A_857 = vector.broadcast %and3A_856 : i32 to vector<16xi32>
        %and3A_858 = arith.andi %add3A_855, %and3A_857 : vector<16xi32>
        %add3A_859 = arith.addi %get3A_621, %and3A_858 : vector<16xi32>
        %gather3A_860 = tpu.vector_load_idx %arg11[%add3A_617, %add3A_859] : memref<256x128xf32, #tpu.memory_space<vmem>>[vector<16xi32>, vector<16xi32>], vector<16xf32>,
        tpu.vector_store_idx %arg13[%and3A_858, %add3A_617], %gather3A_860 : memref<32x256xf32, #tpu.memory_space<vmem>>[vector<16xi32>, vector<16xi32>], vector<16xf32>,
        %add3A_861 = arith.constant 30 : i32
        %add3A_862 = vector.broadcast %add3A_861 : i32 to vector<16xi32>
        %add3A_863 = arith.addi %iota3A, %add3A_862 : vector<16xi32>
        %and3A_864 = arith.constant 31 : i32
        %and3A_865 = vector.broadcast %and3A_864 : i32 to vector<16xi32>
        %and3A_866 = arith.andi %add3A_863, %and3A_865 : vector<16xi32>
        %add3A_867 = arith.addi %get3A_621, %and3A_866 : vector<16xi32>
        %gather3A_868 = tpu.vector_load_idx %arg11[%add3A_617, %add3A_867] : memref<256x128xf32, #tpu.memory_space<vmem>>[vector<16xi32>, vector<16xi32>], vector<16xf32>,
        tpu.vector_store_idx %arg13[%and3A_866, %add3A_617], %gather3A_868 : memref<32x256xf32, #tpu.memory_space<vmem>>[vector<16xi32>, vector<16xi32>], vector<16xf32>,
        %add3A_869 = arith.constant 31 : i32
        %add3A_870 = vector.broadcast %add3A_869 : i32 to vector<16xi32>
        %add3A_871 = arith.addi %iota3A, %add3A_870 : vector<16xi32>
        %and3A_872 = arith.constant 31 : i32
        %and3A_873 = vector.broadcast %and3A_872 : i32 to vector<16xi32>
        %and3A_874 = arith.andi %add3A_871, %and3A_873 : vector<16xi32>
        %add3A_875 = arith.addi %get3A_621, %and3A_874 : vector<16xi32>
        %gather3A_876 = tpu.vector_load_idx %arg11[%add3A_617, %add3A_875] : memref<256x128xf32, #tpu.memory_space<vmem>>[vector<16xi32>, vector<16xi32>], vector<16xf32>,
        tpu.vector_store_idx %arg13[%and3A_874, %add3A_617], %gather3A_876 : memref<32x256xf32, #tpu.memory_space<vmem>>[vector<16xi32>, vector<16xi32>], vector<16xf32>,
      }
      %scan3A_557 = arith.constant 16 : i32
      %mul3A_558 = arith.constant 100 : i32
      %mul3A_559 = arith.muli %add3A, %mul3A_558 : i32
      %add3A_560 = arith.addi %mul3A_559, %mul3A_540 : i32
      %div3A_561 = arith.constant 64 : i32
      %div3A_562 = arith.divsi %add3A_560, %div3A_561 : i32
      %rem3A_563 = arith.constant 64 : i32
      %rem3A_564 = arith.remsi %add3A_560, %rem3A_563 : i32
      %mul3A_565 = arith.constant 256 : i32
      %mul3A_566 = arith.muli %rem3A_564, %mul3A_565 : i32
      %dma_start3A_567 = arith.constant 0 : i32
      %dma_start3A_568 = tpu.memref_slice %arg4[%div3A_562, %dma_start3A_567, %mul3A_566] : memref<50x32x16384xf32, #tpu.memory_space<hbm>> -> memref<1x32x256xf32, #tpu.memory_space<hbm>>
      %dma_start3A_569 = tpu.memref_squeeze %dma_start3A_568 : memref<1x32x256xf32, #tpu.memory_space<hbm>> -> memref<32x256xf32, #tpu.memory_space<hbm>>
      %dma_start3A_570 = arith.constant 0 : i32
      %dma_start3A_571 = tpu.memref_slice %arg4[%div3A_562, %dma_start3A_570, %mul3A_566] : memref<50x32x16384xf32, #tpu.memory_space<hbm>> -> memref<1x32x256xf32, #tpu.memory_space<hbm>>
      %dma_start3A_572 = tpu.memref_squeeze %dma_start3A_571 : memref<1x32x256xf32, #tpu.memory_space<hbm>> -> memref<32x256xf32, #tpu.memory_space<hbm>>
      tpu.enqueue_dma source(%arg13 : memref<32x256xf32, #tpu.memory_space<vmem>>) target(%dma_start3A_572 : memref<32x256xf32, #tpu.memory_space<hbm>>) target_semaphore(%arg17 : memref<!tpu.dma_semaphore, #tpu.memory_space<semaphore_mem>>)
      %convert_element_type3A_573 = arith.extui %lt3A_543 : i1 to i32
      %cond3A_574 = arith.constant 0 : i32
      %cond3A_575 = arith.cmpi ne, %convert_element_type3A_573, %cond3A_574 : i32
      scf.if %cond3A_575 {
        %dma_wait3A_613 = arith.constant 0 : i32
        %dma_wait3A_614 = arith.constant 0 : i32
        %dma_wait3A_615 = tpu.memref_slice %arg2[%dma_wait3A_613, %dma_wait3A_614] : memref<50x16384xi32, #tpu.memory_space<hbm>> -> memref<1x256xi32, #tpu.memory_space<hbm>>
        %dma_wait3A_616 = tpu.memref_squeeze %dma_wait3A_615 : memref<1x256xi32, #tpu.memory_space<hbm>> -> memref<256xi32, #tpu.memory_space<hbm>>
        %dma_wait3A_617 = arith.constant 0 : i32
        %dma_wait3A_618 = tpu.memref_slice %arg2[%dma_wait3A_613, %dma_wait3A_617] : memref<50x16384xi32, #tpu.memory_space<hbm>> -> memref<1x256xi32, #tpu.memory_space<hbm>>
        %dma_wait3A_619 = tpu.memref_squeeze %dma_wait3A_618 : memref<1x256xi32, #tpu.memory_space<hbm>> -> memref<256xi32, #tpu.memory_space<hbm>>
        tpu.wait_dma2 semaphore(%arg19 : memref<!tpu.dma_semaphore, #tpu.memory_space<semaphore_mem>>) src(%dma_wait3A_619 : memref<256xi32, #tpu.memory_space<hbm>>) dst(%arg5 : memref<256xi32, #tpu.memory_space<vmem>>)
        %get3A_620 = arith.constant 0 : index
        %get3A_621 = tpu.vector_load %arg5[%get3A_620] {strides = array<i32>} : memref<256xi32, #tpu.memory_space<vmem>>, vector<16xi32>,
        %shift_right_logical3A_622 = arith.constant 2 : i32
        %shift_right_logical3A_623 = vector.broadcast %shift_right_logical3A_622 : i32 to vector<16xi32>
        %shift_right_logical3A_624 = arith.shrui %get3A_621, %shift_right_logical3A_623 : vector<16xi32>
        %swap3A_625 = arith.constant 0 : index
        %swap3A_626 = tpu.vector_load %arg7[%swap3A_625] {strides = array<i32>} : memref<256xi32, #tpu.memory_space<vmem>>, vector<16xi32>,
        tpu.vector_store %arg7[%swap3A_625], %shift_right_logical3A_624 {strides = array<i32>} : memref<256xi32, #tpu.memory_space<vmem>>, vector<16xi32>,
        %and3A_627 = arith.constant 3 : i32
        %and3A_628 = vector.broadcast %and3A_627 : i32 to vector<16xi32>
        %and3A_629 = arith.andi %get3A_621, %and3A_628 : vector<16xi32>
        %mul3A_630 = arith.constant 32 : i32
        %mul3A_631 = vector.broadcast %mul3A_630 : i32 to vector<16xi32>
        %mul3A_632 = arith.muli %and3A_629, %mul3A_631 : vector<16xi32>
        %swap3A_633 = arith.constant 0 : index
        %swap3A_634 = tpu.vector_load %arg9[%swap3A_633] {strides = array<i32>} : memref<256xi32, #tpu.memory_space<vmem>>, vector<16xi32>,
        tpu.vector_store %arg9[%swap3A_633], %mul3A_632 {strides = array<i32>} : memref<256xi32, #tpu.memory_space<vmem>>, vector<16xi32>,
        %get3A_635 = arith.constant 16 : index
        %get3A_636 = tpu.vector_load %arg5[%get3A_635] {strides = array<i32>} : memref<256xi32, #tpu.memory_space<vmem>>, vector<16xi32>,
        %shift_right_logical3A_637 = arith.constant 2 : i32
        %shift_right_logical3A_638 = vector.broadcast %shift_right_logical3A_637 : i32 to vector<16xi32>
        %shift_right_logical3A_639 = arith.shrui %get3A_636, %shift_right_logical3A_638 : vector<16xi32>
        %swap3A_640 = arith.constant 16 : index
        %swap3A_641 = tpu.vector_load %arg7[%swap3A_640] {strides = array<i32>} : memref<256xi32, #tpu.memory_space<vmem>>, vector<16xi32>,
        tpu.vector_store %arg7[%swap3A_640], %shift_right_logical3A_639 {strides = array<i32>} : memref<256xi32, #tpu.memory_space<vmem>>, vector<16xi32>,
        %and3A_642 = arith.constant 3 : i32
        %and3A_643 = vector.broadcast %and3A_642 : i32 to vector<16xi32>
        %and3A_644 = arith.andi %get3A_636, %and3A_643 : vector<16xi32>
        %mul3A_645 = arith.constant 32 : i32
        %mul3A_646 = vector.broadcast %mul3A_645 : i32 to vector<16xi32>
        %mul3A_647 = arith.muli %and3A_644, %mul3A_646 : vector<16xi32>
        %swap3A_648 = arith.constant 16 : index
        %swap3A_649 = tpu.vector_load %arg9[%swap3A_648] {strides = array<i32>} : memref<256xi32, #tpu.memory_space<vmem>>, vector<16xi32>,
        tpu.vector_store %arg9[%swap3A_648], %mul3A_647 {strides = array<i32>} : memref<256xi32, #tpu.memory_space<vmem>>, vector<16xi32>,
        %get3A_650 = arith.constant 32 : index
        %get3A_651 = tpu.vector_load %arg5[%get3A_650] {strides = array<i32>} : memref<256xi32, #tpu.memory_space<vmem>>, vector<16xi32>,
        %shift_right_logical3A_652 = arith.constant 2 : i32
        %shift_right_logical3A_653 = vector.broadcast %shift_right_logical3A_652 : i32 to vector<16xi32>
        %shift_right_logical3A_654 = arith.shrui %get3A_651, %shift_right_logical3A_653 : vector<16xi32>
        %swap3A_655 = arith.constant 32 : index
        %swap3A_656 = tpu.vector_load %arg7[%swap3A_655] {strides = array<i32>} : memref<256xi32, #tpu.memory_space<vmem>>, vector<16xi32>,
        tpu.vector_store %arg7[%swap3A_655], %shift_right_logical3A_654 {strides = array<i32>} : memref<256xi32, #tpu.memory_space<vmem>>, vector<16xi32>,
        %and3A_657 = arith.constant 3 : i32
        %and3A_658 = vector.broadcast %and3A_657 : i32 to vector<16xi32>
        %and3A_659 = arith.andi %get3A_651, %and3A_658 : vector<16xi32>
        %mul3A_660 = arith.constant 32 : i32
        %mul3A_661 = vector.broadcast %mul3A_660 : i32 to vector<16xi32>
        %mul3A_662 = arith.muli %and3A_659, %mul3A_661 : vector<16xi32>
        %swap3A_663 = arith.constant 32 : index
        %swap3A_664 = tpu.vector_load %arg9[%swap3A_663] {strides = array<i32>} : memref<256xi32, #tpu.memory_space<vmem>>, vector<16xi32>,
        tpu.vector_store %arg9[%swap3A_663], %mul3A_662 {strides = array<i32>} : memref<256xi32, #tpu.memory_space<vmem>>, vector<16xi32>,
        %get3A_665 = arith.constant 48 : index
        %get3A_666 = tpu.vector_load %arg5[%get3A_665] {strides = array<i32>} : memref<256xi32, #tpu.memory_space<vmem>>, vector<16xi32>,
        %shift_right_logical3A_667 = arith.constant 2 : i32
        %shift_right_logical3A_668 = vector.broadcast %shift_right_logical3A_667 : i32 to vector<16xi32>
        %shift_right_logical3A_669 = arith.shrui %get3A_666, %shift_right_logical3A_668 : vector<16xi32>
        %swap3A_670 = arith.constant 48 : index
        %swap3A_671 = tpu.vector_load %arg7[%swap3A_670] {strides = array<i32>} : memref<256xi32, #tpu.memory_space<vmem>>, vector<16xi32>,
        tpu.vector_store %arg7[%swap3A_670], %shift_right_logical3A_669 {strides = array<i32>} : memref<256xi32, #tpu.memory_space<vmem>>, vector<16xi32>,
        %and3A_672 = arith.constant 3 : i32
        %and3A_673 = vector.broadcast %and3A_672 : i32 to vector<16xi32>
        %and3A_674 = arith.andi %get3A_666, %and3A_673 : vector<16xi32>
        %mul3A_675 = arith.constant 32 : i32
        %mul3A_676 = vector.broadcast %mul3A_675 : i32 to vector<16xi32>
        %mul3A_677 = arith.muli %and3A_674, %mul3A_676 : vector<16xi32>
        %swap3A_678 = arith.constant 48 : index
        %swap3A_679 = tpu.vector_load %arg9[%swap3A_678] {strides = array<i32>} : memref<256xi32, #tpu.memory_space<vmem>>, vector<16xi32>,
        tpu.vector_store %arg9[%swap3A_678], %mul3A_677 {strides = array<i32>} : memref<256xi32, #tpu.memory_space<vmem>>, vector<16xi32>,
        %get3A_680 = arith.constant 64 : index
        %get3A_681 = tpu.vector_load %arg5[%get3A_680] {strides = array<i32>} : memref<256xi32, #tpu.memory_space<vmem>>, vector<16xi32>,
        %shift_right_logical3A_682 = arith.constant 2 : i32
        %shift_right_logical3A_683 = vector.broadcast %shift_right_logical3A_682 : i32 to vector<16xi32>
        %shift_right_logical3A_684 = arith.shrui %get3A_681, %shift_right_logical3A_683 : vector<16xi32>
        %swap3A_685 = arith.constant 64 : index
        %swap3A_686 = tpu.vector_load %arg7[%swap3A_685] {strides = array<i32>} : memref<256xi32, #tpu.memory_space<vmem>>, vector<16xi32>,
        tpu.vector_store %arg7[%swap3A_685], %shift_right_logical3A_684 {strides = array<i32>} : memref<256xi32, #tpu.memory_space<vmem>>, vector<16xi32>,
        %and3A_687 = arith.constant 3 : i32
        %and3A_688 = vector.broadcast %and3A_687 : i32 to vector<16xi32>
        %and3A_689 = arith.andi %get3A_681, %and3A_688 : vector<16xi32>
        %mul3A_690 = arith.constant 32 : i32
        %mul3A_691 = vector.broadcast %mul3A_690 : i32 to vector<16xi32>
        %mul3A_692 = arith.muli %and3A_689, %mul3A_691 : vector<16xi32>
        %swap3A_693 = arith.constant 64 : index
        %swap3A_694 = tpu.vector_load %arg9[%swap3A_693] {strides = array<i32>} : memref<256xi32, #tpu.memory_space<vmem>>, vector<16xi32>,
        tpu.vector_store %arg9[%swap3A_693], %mul3A_692 {strides = array<i32>} : memref<256xi32, #tpu.memory_space<vmem>>, vector<16xi32>,
        %get3A_695 = arith.constant 80 : index
        %get3A_696 = tpu.vector_load %arg5[%get3A_695] {strides = array<i32>} : memref<256xi32, #tpu.memory_space<vmem>>, vector<16xi32>,
        %shift_right_logical3A_697 = arith.constant 2 : i32
        %shift_right_logical3A_698 = vector.broadcast %shift_right_logical3A_697 : i32 to vector<16xi32>
        %shift_right_logical3A_699 = arith.shrui %get3A_696, %shift_right_logical3A_698 : vector<16xi32>
        %swap3A_700 = arith.constant 80 : index
        %swap3A_701 = tpu.vector_load %arg7[%swap3A_700] {strides = array<i32>} : memref<256xi32, #tpu.memory_space<vmem>>, vector<16xi32>,
        tpu.vector_store %arg7[%swap3A_700], %shift_right_logical3A_699 {strides = array<i32>} : memref<256xi32, #tpu.memory_space<vmem>>, vector<16xi32>,
        %and3A_702 = arith.constant 3 : i32
        %and3A_703 = vector.broadcast %and3A_702 : i32 to vector<16xi32>
        %and3A_704 = arith.andi %get3A_696, %and3A_703 : vector<16xi32>
        %mul3A_705 = arith.constant 32 : i32
        %mul3A_706 = vector.broadcast %mul3A_705 : i32 to vector<16xi32>
        %mul3A_707 = arith.muli %and3A_704, %mul3A_706 : vector<16xi32>
        %swap3A_708 = arith.constant 80 : index
        %swap3A_709 = tpu.vector_load %arg9[%swap3A_708] {strides = array<i32>} : memref<256xi32, #tpu.memory_space<vmem>>, vector<16xi32>,
        tpu.vector_store %arg9[%swap3A_708], %mul3A_707 {strides = array<i32>} : memref<256xi32, #tpu.memory_space<vmem>>, vector<16xi32>,
        %get3A_710 = arith.constant 96 : index
        %get3A_711 = tpu.vector_load %arg5[%get3A_710] {strides = array<i32>} : memref<256xi32, #tpu.memory_space<vmem>>, vector<16xi32>,
        %shift_right_logical3A_712 = arith.constant 2 : i32
        %shift_right_logical3A_713 = vector.broadcast %shift_right_logical3A_712 : i32 to vector<16xi32>
        %shift_right_logical3A_714 = arith.shrui %get3A_711, %shift_right_logical3A_713 : vector<16xi32>
        %swap3A_715 = arith.constant 96 : index
        %swap3A_716 = tpu.vector_load %arg7[%swap3A_715] {strides = array<i32>} : memref<256xi32, #tpu.memory_space<vmem>>, vector<16xi32>,
        tpu.vector_store %arg7[%swap3A_715], %shift_right_logical3A_714 {strides = array<i32>} : memref<256xi32, #tpu.memory_space<vmem>>, vector<16xi32>,
        %and3A_717 = arith.constant 3 : i32
        %and3A_718 = vector.broadcast %and3A_717 : i32 to vector<16xi32>
        %and3A_719 = arith.andi %get3A_711, %and3A_718 : vector<16xi32>
        %mul3A_720 = arith.constant 32 : i32
        %mul3A_721 = vector.broadcast %mul3A_720 : i32 to vector<16xi32>
        %mul3A_722 = arith.muli %and3A_719, %mul3A_721 : vector<16xi32>
        %swap3A_723 = arith.constant 96 : index
        %swap3A_724 = tpu.vector_load %arg9[%swap3A_723] {strides = array<i32>} : memref<256xi32, #tpu.memory_space<vmem>>, vector<16xi32>,
        tpu.vector_store %arg9[%swap3A_723], %mul3A_722 {strides = array<i32>} : memref<256xi32, #tpu.memory_space<vmem>>, vector<16xi32>,
        %get3A_725 = arith.constant 112 : index
        %get3A_726 = tpu.vector_load %arg5[%get3A_725] {strides = array<i32>} : memref<256xi32, #tpu.memory_space<vmem>>, vector<16xi32>,
        %shift_right_logical3A_727 = arith.constant 2 : i32
        %shift_right_logical3A_728 = vector.broadcast %shift_right_logical3A_727 : i32 to vector<16xi32>
        %shift_right_logical3A_729 = arith.shrui %get3A_726, %shift_right_logical3A_728 : vector<16xi32>
        %swap3A_730 = arith.constant 112 : index
        %swap3A_731 = tpu.vector_load %arg7[%swap3A_730] {strides = array<i32>} : memref<256xi32, #tpu.memory_space<vmem>>, vector<16xi32>,
        tpu.vector_store %arg7[%swap3A_730], %shift_right_logical3A_729 {strides = array<i32>} : memref<256xi32, #tpu.memory_space<vmem>>, vector<16xi32>,
        %and3A_732 = arith.constant 3 : i32
        %and3A_733 = vector.broadcast %and3A_732 : i32 to vector<16xi32>
        %and3A_734 = arith.andi %get3A_726, %and3A_733 : vector<16xi32>
        %mul3A_735 = arith.constant 32 : i32
        %mul3A_736 = vector.broadcast %mul3A_735 : i32 to vector<16xi32>
        %mul3A_737 = arith.muli %and3A_734, %mul3A_736 : vector<16xi32>
        %swap3A_738 = arith.constant 112 : index
        %swap3A_739 = tpu.vector_load %arg9[%swap3A_738] {strides = array<i32>} : memref<256xi32, #tpu.memory_space<vmem>>, vector<16xi32>,
        tpu.vector_store %arg9[%swap3A_738], %mul3A_737 {strides = array<i32>} : memref<256xi32, #tpu.memory_space<vmem>>, vector<16xi32>,
        %get3A_740 = arith.constant 128 : index
        %get3A_741 = tpu.vector_load %arg5[%get3A_740] {strides = array<i32>} : memref<256xi32, #tpu.memory_space<vmem>>, vector<16xi32>,
        %shift_right_logical3A_742 = arith.constant 2 : i32
        %shift_right_logical3A_743 = vector.broadcast %shift_right_logical3A_742 : i32 to vector<16xi32>
        %shift_right_logical3A_744 = arith.shrui %get3A_741, %shift_right_logical3A_743 : vector<16xi32>
        %swap3A_745 = arith.constant 128 : index
        %swap3A_746 = tpu.vector_load %arg7[%swap3A_745] {strides = array<i32>} : memref<256xi32, #tpu.memory_space<vmem>>, vector<16xi32>,
        tpu.vector_store %arg7[%swap3A_745], %shift_right_logical3A_744 {strides = array<i32>} : memref<256xi32, #tpu.memory_space<vmem>>, vector<16xi32>,
        %and3A_747 = arith.constant 3 : i32
        %and3A_748 = vector.broadcast %and3A_747 : i32 to vector<16xi32>
        %and3A_749 = arith.andi %get3A_741, %and3A_748 : vector<16xi32>
        %mul3A_750 = arith.constant 32 : i32
        %mul3A_751 = vector.broadcast %mul3A_750 : i32 to vector<16xi32>
        %mul3A_752 = arith.muli %and3A_749, %mul3A_751 : vector<16xi32>
        %swap3A_753 = arith.constant 128 : index
        %swap3A_754 = tpu.vector_load %arg9[%swap3A_753] {strides = array<i32>} : memref<256xi32, #tpu.memory_space<vmem>>, vector<16xi32>,
        tpu.vector_store %arg9[%swap3A_753], %mul3A_752 {strides = array<i32>} : memref<256xi32, #tpu.memory_space<vmem>>, vector<16xi32>,
        %get3A_755 = arith.constant 144 : index
        %get3A_756 = tpu.vector_load %arg5[%get3A_755] {strides = array<i32>} : memref<256xi32, #tpu.memory_space<vmem>>, vector<16xi32>,
        %shift_right_logical3A_757 = arith.constant 2 : i32
        %shift_right_logical3A_758 = vector.broadcast %shift_right_logical3A_757 : i32 to vector<16xi32>
        %shift_right_logical3A_759 = arith.shrui %get3A_756, %shift_right_logical3A_758 : vector<16xi32>
        %swap3A_760 = arith.constant 144 : index
        %swap3A_761 = tpu.vector_load %arg7[%swap3A_760] {strides = array<i32>} : memref<256xi32, #tpu.memory_space<vmem>>, vector<16xi32>,
        tpu.vector_store %arg7[%swap3A_760], %shift_right_logical3A_759 {strides = array<i32>} : memref<256xi32, #tpu.memory_space<vmem>>, vector<16xi32>,
        %and3A_762 = arith.constant 3 : i32
        %and3A_763 = vector.broadcast %and3A_762 : i32 to vector<16xi32>
        %and3A_764 = arith.andi %get3A_756, %and3A_763 : vector<16xi32>
        %mul3A_765 = arith.constant 32 : i32
        %mul3A_766 = vector.broadcast %mul3A_765 : i32 to vector<16xi32>
        %mul3A_767 = arith.muli %and3A_764, %mul3A_766 : vector<16xi32>
        %swap3A_768 = arith.constant 144 : index
        %swap3A_769 = tpu.vector_load %arg9[%swap3A_768] {strides = array<i32>} : memref<256xi32, #tpu.memory_space<vmem>>, vector<16xi32>,
        tpu.vector_store %arg9[%swap3A_768], %mul3A_767 {strides = array<i32>} : memref<256xi32, #tpu.memory_space<vmem>>, vector<16xi32>,
        %get3A_770 = arith.constant 160 : index
        %get3A_771 = tpu.vector_load %arg5[%get3A_770] {strides = array<i32>} : memref<256xi32, #tpu.memory_space<vmem>>, vector<16xi32>,
        %shift_right_logical3A_772 = arith.constant 2 : i32
        %shift_right_logical3A_773 = vector.broadcast %shift_right_logical3A_772 : i32 to vector<16xi32>
        %shift_right_logical3A_774 = arith.shrui %get3A_771, %shift_right_logical3A_773 : vector<16xi32>
        %swap3A_775 = arith.constant 160 : index
        %swap3A_776 = tpu.vector_load %arg7[%swap3A_775] {strides = array<i32>} : memref<256xi32, #tpu.memory_space<vmem>>, vector<16xi32>,
        tpu.vector_store %arg7[%swap3A_775], %shift_right_logical3A_774 {strides = array<i32>} : memref<256xi32, #tpu.memory_space<vmem>>, vector<16xi32>,
        %and3A_777 = arith.constant 3 : i32
        %and3A_778 = vector.broadcast %and3A_777 : i32 to vector<16xi32>
        %and3A_779 = arith.andi %get3A_771, %and3A_778 : vector<16xi32>
        %mul3A_780 = arith.constant 32 : i32
        %mul3A_781 = vector.broadcast %mul3A_780 : i32 to vector<16xi32>
        %mul3A_782 = arith.muli %and3A_779, %mul3A_781 : vector<16xi32>
        %swap3A_783 = arith.constant 160 : index
        %swap3A_784 = tpu.vector_load %arg9[%swap3A_783] {strides = array<i32>} : memref<256xi32, #tpu.memory_space<vmem>>, vector<16xi32>,
        tpu.vector_store %arg9[%swap3A_783], %mul3A_782 {strides = array<i32>} : memref<256xi32, #tpu.memory_space<vmem>>, vector<16xi32>,
        %get3A_785 = arith.constant 176 : index
        %get3A_786 = tpu.vector_load %arg5[%get3A_785] {strides = array<i32>} : memref<256xi32, #tpu.memory_space<vmem>>, vector<16xi32>,
        %shift_right_logical3A_787 = arith.constant 2 : i32
        %shift_right_logical3A_788 = vector.broadcast %shift_right_logical3A_787 : i32 to vector<16xi32>
        %shift_right_logical3A_789 = arith.shrui %get3A_786, %shift_right_logical3A_788 : vector<16xi32>
        %swap3A_790 = arith.constant 176 : index
        %swap3A_791 = tpu.vector_load %arg7[%swap3A_790] {strides = array<i32>} : memref<256xi32, #tpu.memory_space<vmem>>, vector<16xi32>,
        tpu.vector_store %arg7[%swap3A_790], %shift_right_logical3A_789 {strides = array<i32>} : memref<256xi32, #tpu.memory_space<vmem>>, vector<16xi32>,
        %and3A_792 = arith.constant 3 : i32
        %and3A_793 = vector.broadcast %and3A_792 : i32 to vector<16xi32>
        %and3A_794 = arith.andi %get3A_786, %and3A_793 : vector<16xi32>
        %mul3A_795 = arith.constant 32 : i32
        %mul3A_796 = vector.broadcast %mul3A_795 : i32 to vector<16xi32>
        %mul3A_797 = arith.muli %and3A_794, %mul3A_796 : vector<16xi32>
        %swap3A_798 = arith.constant 176 : index
        %swap3A_799 = tpu.vector_load %arg9[%swap3A_798] {strides = array<i32>} : memref<256xi32, #tpu.memory_space<vmem>>, vector<16xi32>,
        tpu.vector_store %arg9[%swap3A_798], %mul3A_797 {strides = array<i32>} : memref<256xi32, #tpu.memory_space<vmem>>, vector<16xi32>,
        %get3A_800 = arith.constant 192 : index
        %get3A_801 = tpu.vector_load %arg5[%get3A_800] {strides = array<i32>} : memref<256xi32, #tpu.memory_space<vmem>>, vector<16xi32>,
        %shift_right_logical3A_802 = arith.constant 2 : i32
        %shift_right_logical3A_803 = vector.broadcast %shift_right_logical3A_802 : i32 to vector<16xi32>
        %shift_right_logical3A_804 = arith.shrui %get3A_801, %shift_right_logical3A_803 : vector<16xi32>
        %swap3A_805 = arith.constant 192 : index
        %swap3A_806 = tpu.vector_load %arg7[%swap3A_805] {strides = array<i32>} : memref<256xi32, #tpu.memory_space<vmem>>, vector<16xi32>,
        tpu.vector_store %arg7[%swap3A_805], %shift_right_logical3A_804 {strides = array<i32>} : memref<256xi32, #tpu.memory_space<vmem>>, vector<16xi32>,
        %and3A_807 = arith.constant 3 : i32
        %and3A_808 = vector.broadcast %and3A_807 : i32 to vector<16xi32>
        %and3A_809 = arith.andi %get3A_801, %and3A_808 : vector<16xi32>
        %mul3A_810 = arith.constant 32 : i32
        %mul3A_811 = vector.broadcast %mul3A_810 : i32 to vector<16xi32>
        %mul3A_812 = arith.muli %and3A_809, %mul3A_811 : vector<16xi32>
        %swap3A_813 = arith.constant 192 : index
        %swap3A_814 = tpu.vector_load %arg9[%swap3A_813] {strides = array<i32>} : memref<256xi32, #tpu.memory_space<vmem>>, vector<16xi32>,
        tpu.vector_store %arg9[%swap3A_813], %mul3A_812 {strides = array<i32>} : memref<256xi32, #tpu.memory_space<vmem>>, vector<16xi32>,
        %get3A_815 = arith.constant 208 : index
        %get3A_816 = tpu.vector_load %arg5[%get3A_815] {strides = array<i32>} : memref<256xi32, #tpu.memory_space<vmem>>, vector<16xi32>,
        %shift_right_logical3A_817 = arith.constant 2 : i32
        %shift_right_logical3A_818 = vector.broadcast %shift_right_logical3A_817 : i32 to vector<16xi32>
        %shift_right_logical3A_819 = arith.shrui %get3A_816, %shift_right_logical3A_818 : vector<16xi32>
        %swap3A_820 = arith.constant 208 : index
        %swap3A_821 = tpu.vector_load %arg7[%swap3A_820] {strides = array<i32>} : memref<256xi32, #tpu.memory_space<vmem>>, vector<16xi32>,
        tpu.vector_store %arg7[%swap3A_820], %shift_right_logical3A_819 {strides = array<i32>} : memref<256xi32, #tpu.memory_space<vmem>>, vector<16xi32>,
        %and3A_822 = arith.constant 3 : i32
        %and3A_823 = vector.broadcast %and3A_822 : i32 to vector<16xi32>
        %and3A_824 = arith.andi %get3A_816, %and3A_823 : vector<16xi32>
        %mul3A_825 = arith.constant 32 : i32
        %mul3A_826 = vector.broadcast %mul3A_825 : i32 to vector<16xi32>
        %mul3A_827 = arith.muli %and3A_824, %mul3A_826 : vector<16xi32>
        %swap3A_828 = arith.constant 208 : index
        %swap3A_829 = tpu.vector_load %arg9[%swap3A_828] {strides = array<i32>} : memref<256xi32, #tpu.memory_space<vmem>>, vector<16xi32>,
        tpu.vector_store %arg9[%swap3A_828], %mul3A_827 {strides = array<i32>} : memref<256xi32, #tpu.memory_space<vmem>>, vector<16xi32>,
        %get3A_830 = arith.constant 224 : index
        %get3A_831 = tpu.vector_load %arg5[%get3A_830] {strides = array<i32>} : memref<256xi32, #tpu.memory_space<vmem>>, vector<16xi32>,
        %shift_right_logical3A_832 = arith.constant 2 : i32
        %shift_right_logical3A_833 = vector.broadcast %shift_right_logical3A_832 : i32 to vector<16xi32>
        %shift_right_logical3A_834 = arith.shrui %get3A_831, %shift_right_logical3A_833 : vector<16xi32>
        %swap3A_835 = arith.constant 224 : index
        %swap3A_836 = tpu.vector_load %arg7[%swap3A_835] {strides = array<i32>} : memref<256xi32, #tpu.memory_space<vmem>>, vector<16xi32>,
        tpu.vector_store %arg7[%swap3A_835], %shift_right_logical3A_834 {strides = array<i32>} : memref<256xi32, #tpu.memory_space<vmem>>, vector<16xi32>,
        %and3A_837 = arith.constant 3 : i32
        %and3A_838 = vector.broadcast %and3A_837 : i32 to vector<16xi32>
        %and3A_839 = arith.andi %get3A_831, %and3A_838 : vector<16xi32>
        %mul3A_840 = arith.constant 32 : i32
        %mul3A_841 = vector.broadcast %mul3A_840 : i32 to vector<16xi32>
        %mul3A_842 = arith.muli %and3A_839, %mul3A_841 : vector<16xi32>
        %swap3A_843 = arith.constant 224 : index
        %swap3A_844 = tpu.vector_load %arg9[%swap3A_843] {strides = array<i32>} : memref<256xi32, #tpu.memory_space<vmem>>, vector<16xi32>,
        tpu.vector_store %arg9[%swap3A_843], %mul3A_842 {strides = array<i32>} : memref<256xi32, #tpu.memory_space<vmem>>, vector<16xi32>,
        %get3A_845 = arith.constant 240 : index
        %get3A_846 = tpu.vector_load %arg5[%get3A_845] {strides = array<i32>} : memref<256xi32, #tpu.memory_space<vmem>>, vector<16xi32>,
        %shift_right_logical3A_847 = arith.constant 2 : i32
        %shift_right_logical3A_848 = vector.broadcast %shift_right_logical3A_847 : i32 to vector<16xi32>
        %shift_right_logical3A_849 = arith.shrui %get3A_846, %shift_right_logical3A_848 : vector<16xi32>
        %swap3A_850 = arith.constant 240 : index
        %swap3A_851 = tpu.vector_load %arg7[%swap3A_850] {strides = array<i32>} : memref<256xi32, #tpu.memory_space<vmem>>, vector<16xi32>,
        tpu.vector_store %arg7[%swap3A_850], %shift_right_logical3A_849 {strides = array<i32>} : memref<256xi32, #tpu.memory_space<vmem>>, vector<16xi32>,
        %and3A_852 = arith.constant 3 : i32
        %and3A_853 = vector.broadcast %and3A_852 : i32 to vector<16xi32>
        %and3A_854 = arith.andi %get3A_846, %and3A_853 : vector<16xi32>
        %mul3A_855 = arith.constant 32 : i32
        %mul3A_856 = vector.broadcast %mul3A_855 : i32 to vector<16xi32>
        %mul3A_857 = arith.muli %and3A_854, %mul3A_856 : vector<16xi32>
        %swap3A_858 = arith.constant 240 : index
        %swap3A_859 = tpu.vector_load %arg9[%swap3A_858] {strides = array<i32>} : memref<256xi32, #tpu.memory_space<vmem>>, vector<16xi32>,
        tpu.vector_store %arg9[%swap3A_858], %mul3A_857 {strides = array<i32>} : memref<256xi32, #tpu.memory_space<vmem>>, vector<16xi32>,
        %dma_start3A_860 = arith.constant 0 : i32
        %dma_start3A_861 = arith.constant 0 : i32
        %dma_start3A_862 = tpu.memref_slice %arg3[%dma_start3A_860, %dma_start3A_861] : memref<250000x128xf32, #tpu.memory_space<hbm>> -> memref<250000x128xf32, #tpu.memory_space<hbm>>
        tpu.enqueue_indirect_dma source(%dma_start3A_862 : memref<250000x128xf32, #tpu.memory_space<hbm>>) target(%arg11 : memref<256x128xf32, #tpu.memory_space<vmem>>) offsets(%arg7 : memref<256xi32, #tpu.memory_space<vmem>>) semaphore(%arg15 : memref<!tpu.dma_semaphore, #tpu.memory_space<semaphore_mem>>)
      } else {
      }
      %convert_element_type3A_576 = arith.extui %lt3A_543 : i1 to i32
      %cond3A_577 = arith.constant 0 : i32
      %cond3A_578 = arith.cmpi ne, %convert_element_type3A_576, %cond3A_577 : i32
      scf.if %cond3A_578 {
        %add3A_613 = arith.constant 3 : i32
        %add3A_614 = arith.addi %mul3A_540, %add3A_613 : i32
        %mul3A_615 = arith.constant 100 : i32
        %mul3A_616 = arith.muli %add3A, %mul3A_615 : i32
        %add3A_617 = arith.addi %mul3A_616, %add3A_614 : i32
        %div3A_618 = arith.constant 64 : i32
        %div3A_619 = arith.divsi %add3A_617, %div3A_618 : i32
        %rem3A_620 = arith.constant 64 : i32
        %rem3A_621 = arith.remsi %add3A_617, %rem3A_620 : i32
        %mul3A_622 = arith.constant 256 : i32
        %mul3A_623 = arith.muli %rem3A_621, %mul3A_622 : i32
        %dma_start3A_624 = tpu.memref_slice %arg2[%div3A_619, %mul3A_623] : memref<50x16384xi32, #tpu.memory_space<hbm>> -> memref<1x256xi32, #tpu.memory_space<hbm>>
        %dma_start3A_625 = tpu.memref_squeeze %dma_start3A_624 : memref<1x256xi32, #tpu.memory_space<hbm>> -> memref<256xi32, #tpu.memory_space<hbm>>
        %dma_start3A_626 = tpu.memref_slice %arg2[%div3A_619, %mul3A_623] : memref<50x16384xi32, #tpu.memory_space<hbm>> -> memref<1x256xi32, #tpu.memory_space<hbm>>
        %dma_start3A_627 = tpu.memref_squeeze %dma_start3A_626 : memref<1x256xi32, #tpu.memory_space<hbm>> -> memref<256xi32, #tpu.memory_space<hbm>>
        tpu.enqueue_dma source(%dma_start3A_627 : memref<256xi32, #tpu.memory_space<hbm>>) target(%arg6 : memref<256xi32, #tpu.memory_space<vmem>>) target_semaphore(%arg20 : memref<!tpu.dma_semaphore, #tpu.memory_space<semaphore_mem>>)
      } else {
      }
      %add3A_579 = arith.constant 1 : i32
      %add3A_580 = arith.addi %mul3A_540, %add3A_579 : i32
      %dma_wait3A_581 = arith.constant 0 : i32
      %dma_wait3A_582 = arith.constant 0 : i32
      %dma_wait3A_583 = tpu.memref_slice %arg3[%dma_wait3A_581, %dma_wait3A_582] : memref<250000x128xf32, #tpu.memory_space<hbm>> -> memref<250000x128xf32, #tpu.memory_space<hbm>>
      tpu.wait_indirect_dma semaphore(%arg16 : memref<!tpu.dma_semaphore, #tpu.memory_space<semaphore_mem>>) src(%dma_wait3A_583 : memref<250000x128xf32, #tpu.memory_space<hbm>>) dst(%arg12 : memref<256x128xf32, #tpu.memory_space<vmem>>)
      %ge3A_584 = arith.constant 1 : i32
      %ge3A_585 = arith.cmpi sge, %scan3A_538, %ge3A_584 : i32
      %convert_element_type3A_586 = arith.extui %ge3A_585 : i1 to i32
      %cond3A_587 = arith.constant 0 : i32
      %cond3A_588 = arith.cmpi ne, %convert_element_type3A_586, %cond3A_587 : i32
      scf.if %cond3A_588 {
        %dma_wait3A_613 = arith.constant 0 : i32
        %dma_wait3A_614 = arith.constant 0 : i32
        %dma_wait3A_615 = arith.constant 0 : i32
        %dma_wait3A_616 = tpu.memref_slice %arg4[%dma_wait3A_613, %dma_wait3A_614, %dma_wait3A_615] : memref<50x32x16384xf32, #tpu.memory_space<hbm>> -> memref<1x32x256xf32, #tpu.memory_space<hbm>>
        %dma_wait3A_617 = tpu.memref_squeeze %dma_wait3A_616 : memref<1x32x256xf32, #tpu.memory_space<hbm>> -> memref<32x256xf32, #tpu.memory_space<hbm>>
        %dma_wait3A_618 = arith.constant 0 : i32
        %dma_wait3A_619 = arith.constant 0 : i32
        %dma_wait3A_620 = tpu.memref_slice %arg4[%dma_wait3A_613, %dma_wait3A_618, %dma_wait3A_619] : memref<50x32x16384xf32, #tpu.memory_space<hbm>> -> memref<1x32x256xf32, #tpu.memory_space<hbm>>
        %dma_wait3A_621 = tpu.memref_squeeze %dma_wait3A_620 : memref<1x32x256xf32, #tpu.memory_space<hbm>> -> memref<32x256xf32, #tpu.memory_space<hbm>>
        tpu.wait_dma2 semaphore(%arg18 : memref<!tpu.dma_semaphore, #tpu.memory_space<semaphore_mem>>) src(%arg14 : memref<32x256xf32, #tpu.memory_space<vmem>>) dst(%dma_wait3A_621 : memref<32x256xf32, #tpu.memory_space<hbm>>)
      } else {
      }
      %scan3A_589 = arith.constant 0 : i32
      %scan3A_590 = arith.constant 0 : i32
      %scan3A_591 = arith.constant 16 : i32
      %scan3A_592 = arith.addi %scan3A_590, %scan3A_591 : i32
      %scan3A_593 = arith.constant 1 : i32
      scf.for %scan3A_613 = %scan3A_590 to %scan3A_592 step %scan3A_593  : i32 {
        %mul3A_614 = arith.constant 16 : i32
        %mul3A_615 = arith.muli %scan3A_613, %mul3A_614 : i32
        %add3A_616 = vector.broadcast %mul3A_615 : i32 to vector<16xi32>
        %add3A_617 = arith.addi %iota3A, %add3A_616 : vector<16xi32>
        %mul3A_618 = arith.constant 16 : i32
        %mul3A_619 = arith.muli %scan3A_613, %mul3A_618 : i32
        %get3A_620 = arith.index_cast %mul3A_619 : i32 to index
        %get3A_621 = tpu.vector_load %arg10[%get3A_620] {strides = array<i32>} : memref<256xi32, #tpu.memory_space<vmem>>, vector<16xi32>,
        %add3A_622 = arith.constant 0 : i32
        %add3A_623 = vector.broadcast %add3A_622 : i32 to vector<16xi32>
        %add3A_624 = arith.addi %iota3A, %add3A_623 : vector<16xi32>
        %and3A_625 = arith.constant 31 : i32
        %and3A_626 = vector.broadcast %and3A_625 : i32 to vector<16xi32>
        %and3A_627 = arith.andi %add3A_624, %and3A_626 : vector<16xi32>
        %add3A_628 = arith.addi %get3A_621, %and3A_627 : vector<16xi32>
        %gather3A = tpu.vector_load_idx %arg12[%add3A_617, %add3A_628] : memref<256x128xf32, #tpu.memory_space<vmem>>[vector<16xi32>, vector<16xi32>], vector<16xf32>,
        tpu.vector_store_idx %arg14[%and3A_627, %add3A_617], %gather3A : memref<32x256xf32, #tpu.memory_space<vmem>>[vector<16xi32>, vector<16xi32>], vector<16xf32>,
        %add3A_629 = arith.constant 1 : i32
        %add3A_630 = vector.broadcast %add3A_629 : i32 to vector<16xi32>
        %add3A_631 = arith.addi %iota3A, %add3A_630 : vector<16xi32>
        %and3A_632 = arith.constant 31 : i32
        %and3A_633 = vector.broadcast %and3A_632 : i32 to vector<16xi32>
        %and3A_634 = arith.andi %add3A_631, %and3A_633 : vector<16xi32>
        %add3A_635 = arith.addi %get3A_621, %and3A_634 : vector<16xi32>
        %gather3A_636 = tpu.vector_load_idx %arg12[%add3A_617, %add3A_635] : memref<256x128xf32, #tpu.memory_space<vmem>>[vector<16xi32>, vector<16xi32>], vector<16xf32>,
        tpu.vector_store_idx %arg14[%and3A_634, %add3A_617], %gather3A_636 : memref<32x256xf32, #tpu.memory_space<vmem>>[vector<16xi32>, vector<16xi32>], vector<16xf32>,
        %add3A_637 = arith.constant 2 : i32
        %add3A_638 = vector.broadcast %add3A_637 : i32 to vector<16xi32>
        %add3A_639 = arith.addi %iota3A, %add3A_638 : vector<16xi32>
        %and3A_640 = arith.constant 31 : i32
        %and3A_641 = vector.broadcast %and3A_640 : i32 to vector<16xi32>
        %and3A_642 = arith.andi %add3A_639, %and3A_641 : vector<16xi32>
        %add3A_643 = arith.addi %get3A_621, %and3A_642 : vector<16xi32>
        %gather3A_644 = tpu.vector_load_idx %arg12[%add3A_617, %add3A_643] : memref<256x128xf32, #tpu.memory_space<vmem>>[vector<16xi32>, vector<16xi32>], vector<16xf32>,
        tpu.vector_store_idx %arg14[%and3A_642, %add3A_617], %gather3A_644 : memref<32x256xf32, #tpu.memory_space<vmem>>[vector<16xi32>, vector<16xi32>], vector<16xf32>,
        %add3A_645 = arith.constant 3 : i32
        %add3A_646 = vector.broadcast %add3A_645 : i32 to vector<16xi32>
        %add3A_647 = arith.addi %iota3A, %add3A_646 : vector<16xi32>
        %and3A_648 = arith.constant 31 : i32
        %and3A_649 = vector.broadcast %and3A_648 : i32 to vector<16xi32>
        %and3A_650 = arith.andi %add3A_647, %and3A_649 : vector<16xi32>
        %add3A_651 = arith.addi %get3A_621, %and3A_650 : vector<16xi32>
        %gather3A_652 = tpu.vector_load_idx %arg12[%add3A_617, %add3A_651] : memref<256x128xf32, #tpu.memory_space<vmem>>[vector<16xi32>, vector<16xi32>], vector<16xf32>,
        tpu.vector_store_idx %arg14[%and3A_650, %add3A_617], %gather3A_652 : memref<32x256xf32, #tpu.memory_space<vmem>>[vector<16xi32>, vector<16xi32>], vector<16xf32>,
        %add3A_653 = arith.constant 4 : i32
        %add3A_654 = vector.broadcast %add3A_653 : i32 to vector<16xi32>
        %add3A_655 = arith.addi %iota3A, %add3A_654 : vector<16xi32>
        %and3A_656 = arith.constant 31 : i32
        %and3A_657 = vector.broadcast %and3A_656 : i32 to vector<16xi32>
        %and3A_658 = arith.andi %add3A_655, %and3A_657 : vector<16xi32>
        %add3A_659 = arith.addi %get3A_621, %and3A_658 : vector<16xi32>
        %gather3A_660 = tpu.vector_load_idx %arg12[%add3A_617, %add3A_659] : memref<256x128xf32, #tpu.memory_space<vmem>>[vector<16xi32>, vector<16xi32>], vector<16xf32>,
        tpu.vector_store_idx %arg14[%and3A_658, %add3A_617], %gather3A_660 : memref<32x256xf32, #tpu.memory_space<vmem>>[vector<16xi32>, vector<16xi32>], vector<16xf32>,
        %add3A_661 = arith.constant 5 : i32
        %add3A_662 = vector.broadcast %add3A_661 : i32 to vector<16xi32>
        %add3A_663 = arith.addi %iota3A, %add3A_662 : vector<16xi32>
        %and3A_664 = arith.constant 31 : i32
        %and3A_665 = vector.broadcast %and3A_664 : i32 to vector<16xi32>
        %and3A_666 = arith.andi %add3A_663, %and3A_665 : vector<16xi32>
        %add3A_667 = arith.addi %get3A_621, %and3A_666 : vector<16xi32>
        %gather3A_668 = tpu.vector_load_idx %arg12[%add3A_617, %add3A_667] : memref<256x128xf32, #tpu.memory_space<vmem>>[vector<16xi32>, vector<16xi32>], vector<16xf32>,
        tpu.vector_store_idx %arg14[%and3A_666, %add3A_617], %gather3A_668 : memref<32x256xf32, #tpu.memory_space<vmem>>[vector<16xi32>, vector<16xi32>], vector<16xf32>,
        %add3A_669 = arith.constant 6 : i32
        %add3A_670 = vector.broadcast %add3A_669 : i32 to vector<16xi32>
        %add3A_671 = arith.addi %iota3A, %add3A_670 : vector<16xi32>
        %and3A_672 = arith.constant 31 : i32
        %and3A_673 = vector.broadcast %and3A_672 : i32 to vector<16xi32>
        %and3A_674 = arith.andi %add3A_671, %and3A_673 : vector<16xi32>
        %add3A_675 = arith.addi %get3A_621, %and3A_674 : vector<16xi32>
        %gather3A_676 = tpu.vector_load_idx %arg12[%add3A_617, %add3A_675] : memref<256x128xf32, #tpu.memory_space<vmem>>[vector<16xi32>, vector<16xi32>], vector<16xf32>,
        tpu.vector_store_idx %arg14[%and3A_674, %add3A_617], %gather3A_676 : memref<32x256xf32, #tpu.memory_space<vmem>>[vector<16xi32>, vector<16xi32>], vector<16xf32>,
        %add3A_677 = arith.constant 7 : i32
        %add3A_678 = vector.broadcast %add3A_677 : i32 to vector<16xi32>
        %add3A_679 = arith.addi %iota3A, %add3A_678 : vector<16xi32>
        %and3A_680 = arith.constant 31 : i32
        %and3A_681 = vector.broadcast %and3A_680 : i32 to vector<16xi32>
        %and3A_682 = arith.andi %add3A_679, %and3A_681 : vector<16xi32>
        %add3A_683 = arith.addi %get3A_621, %and3A_682 : vector<16xi32>
        %gather3A_684 = tpu.vector_load_idx %arg12[%add3A_617, %add3A_683] : memref<256x128xf32, #tpu.memory_space<vmem>>[vector<16xi32>, vector<16xi32>], vector<16xf32>,
        tpu.vector_store_idx %arg14[%and3A_682, %add3A_617], %gather3A_684 : memref<32x256xf32, #tpu.memory_space<vmem>>[vector<16xi32>, vector<16xi32>], vector<16xf32>,
        %add3A_685 = arith.constant 8 : i32
        %add3A_686 = vector.broadcast %add3A_685 : i32 to vector<16xi32>
        %add3A_687 = arith.addi %iota3A, %add3A_686 : vector<16xi32>
        %and3A_688 = arith.constant 31 : i32
        %and3A_689 = vector.broadcast %and3A_688 : i32 to vector<16xi32>
        %and3A_690 = arith.andi %add3A_687, %and3A_689 : vector<16xi32>
        %add3A_691 = arith.addi %get3A_621, %and3A_690 : vector<16xi32>
        %gather3A_692 = tpu.vector_load_idx %arg12[%add3A_617, %add3A_691] : memref<256x128xf32, #tpu.memory_space<vmem>>[vector<16xi32>, vector<16xi32>], vector<16xf32>,
        tpu.vector_store_idx %arg14[%and3A_690, %add3A_617], %gather3A_692 : memref<32x256xf32, #tpu.memory_space<vmem>>[vector<16xi32>, vector<16xi32>], vector<16xf32>,
        %add3A_693 = arith.constant 9 : i32
        %add3A_694 = vector.broadcast %add3A_693 : i32 to vector<16xi32>
        %add3A_695 = arith.addi %iota3A, %add3A_694 : vector<16xi32>
        %and3A_696 = arith.constant 31 : i32
        %and3A_697 = vector.broadcast %and3A_696 : i32 to vector<16xi32>
        %and3A_698 = arith.andi %add3A_695, %and3A_697 : vector<16xi32>
        %add3A_699 = arith.addi %get3A_621, %and3A_698 : vector<16xi32>
        %gather3A_700 = tpu.vector_load_idx %arg12[%add3A_617, %add3A_699] : memref<256x128xf32, #tpu.memory_space<vmem>>[vector<16xi32>, vector<16xi32>], vector<16xf32>,
        tpu.vector_store_idx %arg14[%and3A_698, %add3A_617], %gather3A_700 : memref<32x256xf32, #tpu.memory_space<vmem>>[vector<16xi32>, vector<16xi32>], vector<16xf32>,
        %add3A_701 = arith.constant 10 : i32
        %add3A_702 = vector.broadcast %add3A_701 : i32 to vector<16xi32>
        %add3A_703 = arith.addi %iota3A, %add3A_702 : vector<16xi32>
        %and3A_704 = arith.constant 31 : i32
        %and3A_705 = vector.broadcast %and3A_704 : i32 to vector<16xi32>
        %and3A_706 = arith.andi %add3A_703, %and3A_705 : vector<16xi32>
        %add3A_707 = arith.addi %get3A_621, %and3A_706 : vector<16xi32>
        %gather3A_708 = tpu.vector_load_idx %arg12[%add3A_617, %add3A_707] : memref<256x128xf32, #tpu.memory_space<vmem>>[vector<16xi32>, vector<16xi32>], vector<16xf32>,
        tpu.vector_store_idx %arg14[%and3A_706, %add3A_617], %gather3A_708 : memref<32x256xf32, #tpu.memory_space<vmem>>[vector<16xi32>, vector<16xi32>], vector<16xf32>,
        %add3A_709 = arith.constant 11 : i32
        %add3A_710 = vector.broadcast %add3A_709 : i32 to vector<16xi32>
        %add3A_711 = arith.addi %iota3A, %add3A_710 : vector<16xi32>
        %and3A_712 = arith.constant 31 : i32
        %and3A_713 = vector.broadcast %and3A_712 : i32 to vector<16xi32>
        %and3A_714 = arith.andi %add3A_711, %and3A_713 : vector<16xi32>
        %add3A_715 = arith.addi %get3A_621, %and3A_714 : vector<16xi32>
        %gather3A_716 = tpu.vector_load_idx %arg12[%add3A_617, %add3A_715] : memref<256x128xf32, #tpu.memory_space<vmem>>[vector<16xi32>, vector<16xi32>], vector<16xf32>,
        tpu.vector_store_idx %arg14[%and3A_714, %add3A_617], %gather3A_716 : memref<32x256xf32, #tpu.memory_space<vmem>>[vector<16xi32>, vector<16xi32>], vector<16xf32>,
        %add3A_717 = arith.constant 12 : i32
        %add3A_718 = vector.broadcast %add3A_717 : i32 to vector<16xi32>
        %add3A_719 = arith.addi %iota3A, %add3A_718 : vector<16xi32>
        %and3A_720 = arith.constant 31 : i32
        %and3A_721 = vector.broadcast %and3A_720 : i32 to vector<16xi32>
        %and3A_722 = arith.andi %add3A_719, %and3A_721 : vector<16xi32>
        %add3A_723 = arith.addi %get3A_621, %and3A_722 : vector<16xi32>
        %gather3A_724 = tpu.vector_load_idx %arg12[%add3A_617, %add3A_723] : memref<256x128xf32, #tpu.memory_space<vmem>>[vector<16xi32>, vector<16xi32>], vector<16xf32>,
        tpu.vector_store_idx %arg14[%and3A_722, %add3A_617], %gather3A_724 : memref<32x256xf32, #tpu.memory_space<vmem>>[vector<16xi32>, vector<16xi32>], vector<16xf32>,
        %add3A_725 = arith.constant 13 : i32
        %add3A_726 = vector.broadcast %add3A_725 : i32 to vector<16xi32>
        %add3A_727 = arith.addi %iota3A, %add3A_726 : vector<16xi32>
        %and3A_728 = arith.constant 31 : i32
        %and3A_729 = vector.broadcast %and3A_728 : i32 to vector<16xi32>
        %and3A_730 = arith.andi %add3A_727, %and3A_729 : vector<16xi32>
        %add3A_731 = arith.addi %get3A_621, %and3A_730 : vector<16xi32>
        %gather3A_732 = tpu.vector_load_idx %arg12[%add3A_617, %add3A_731] : memref<256x128xf32, #tpu.memory_space<vmem>>[vector<16xi32>, vector<16xi32>], vector<16xf32>,
        tpu.vector_store_idx %arg14[%and3A_730, %add3A_617], %gather3A_732 : memref<32x256xf32, #tpu.memory_space<vmem>>[vector<16xi32>, vector<16xi32>], vector<16xf32>,
        %add3A_733 = arith.constant 14 : i32
        %add3A_734 = vector.broadcast %add3A_733 : i32 to vector<16xi32>
        %add3A_735 = arith.addi %iota3A, %add3A_734 : vector<16xi32>
        %and3A_736 = arith.constant 31 : i32
        %and3A_737 = vector.broadcast %and3A_736 : i32 to vector<16xi32>
        %and3A_738 = arith.andi %add3A_735, %and3A_737 : vector<16xi32>
        %add3A_739 = arith.addi %get3A_621, %and3A_738 : vector<16xi32>
        %gather3A_740 = tpu.vector_load_idx %arg12[%add3A_617, %add3A_739] : memref<256x128xf32, #tpu.memory_space<vmem>>[vector<16xi32>, vector<16xi32>], vector<16xf32>,
        tpu.vector_store_idx %arg14[%and3A_738, %add3A_617], %gather3A_740 : memref<32x256xf32, #tpu.memory_space<vmem>>[vector<16xi32>, vector<16xi32>], vector<16xf32>,
        %add3A_741 = arith.constant 15 : i32
        %add3A_742 = vector.broadcast %add3A_741 : i32 to vector<16xi32>
        %add3A_743 = arith.addi %iota3A, %add3A_742 : vector<16xi32>
        %and3A_744 = arith.constant 31 : i32
        %and3A_745 = vector.broadcast %and3A_744 : i32 to vector<16xi32>
        %and3A_746 = arith.andi %add3A_743, %and3A_745 : vector<16xi32>
        %add3A_747 = arith.addi %get3A_621, %and3A_746 : vector<16xi32>
        %gather3A_748 = tpu.vector_load_idx %arg12[%add3A_617, %add3A_747] : memref<256x128xf32, #tpu.memory_space<vmem>>[vector<16xi32>, vector<16xi32>], vector<16xf32>,
        tpu.vector_store_idx %arg14[%and3A_746, %add3A_617], %gather3A_748 : memref<32x256xf32, #tpu.memory_space<vmem>>[vector<16xi32>, vector<16xi32>], vector<16xf32>,
        %add3A_749 = arith.constant 16 : i32
        %add3A_750 = vector.broadcast %add3A_749 : i32 to vector<16xi32>
        %add3A_751 = arith.addi %iota3A, %add3A_750 : vector<16xi32>
        %and3A_752 = arith.constant 31 : i32
        %and3A_753 = vector.broadcast %and3A_752 : i32 to vector<16xi32>
        %and3A_754 = arith.andi %add3A_751, %and3A_753 : vector<16xi32>
        %add3A_755 = arith.addi %get3A_621, %and3A_754 : vector<16xi32>
        %gather3A_756 = tpu.vector_load_idx %arg12[%add3A_617, %add3A_755] : memref<256x128xf32, #tpu.memory_space<vmem>>[vector<16xi32>, vector<16xi32>], vector<16xf32>,
        tpu.vector_store_idx %arg14[%and3A_754, %add3A_617], %gather3A_756 : memref<32x256xf32, #tpu.memory_space<vmem>>[vector<16xi32>, vector<16xi32>], vector<16xf32>,
        %add3A_757 = arith.constant 17 : i32
        %add3A_758 = vector.broadcast %add3A_757 : i32 to vector<16xi32>
        %add3A_759 = arith.addi %iota3A, %add3A_758 : vector<16xi32>
        %and3A_760 = arith.constant 31 : i32
        %and3A_761 = vector.broadcast %and3A_760 : i32 to vector<16xi32>
        %and3A_762 = arith.andi %add3A_759, %and3A_761 : vector<16xi32>
        %add3A_763 = arith.addi %get3A_621, %and3A_762 : vector<16xi32>
        %gather3A_764 = tpu.vector_load_idx %arg12[%add3A_617, %add3A_763] : memref<256x128xf32, #tpu.memory_space<vmem>>[vector<16xi32>, vector<16xi32>], vector<16xf32>,
        tpu.vector_store_idx %arg14[%and3A_762, %add3A_617], %gather3A_764 : memref<32x256xf32, #tpu.memory_space<vmem>>[vector<16xi32>, vector<16xi32>], vector<16xf32>,
        %add3A_765 = arith.constant 18 : i32
        %add3A_766 = vector.broadcast %add3A_765 : i32 to vector<16xi32>
        %add3A_767 = arith.addi %iota3A, %add3A_766 : vector<16xi32>
        %and3A_768 = arith.constant 31 : i32
        %and3A_769 = vector.broadcast %and3A_768 : i32 to vector<16xi32>
        %and3A_770 = arith.andi %add3A_767, %and3A_769 : vector<16xi32>
        %add3A_771 = arith.addi %get3A_621, %and3A_770 : vector<16xi32>
        %gather3A_772 = tpu.vector_load_idx %arg12[%add3A_617, %add3A_771] : memref<256x128xf32, #tpu.memory_space<vmem>>[vector<16xi32>, vector<16xi32>], vector<16xf32>,
        tpu.vector_store_idx %arg14[%and3A_770, %add3A_617], %gather3A_772 : memref<32x256xf32, #tpu.memory_space<vmem>>[vector<16xi32>, vector<16xi32>], vector<16xf32>,
        %add3A_773 = arith.constant 19 : i32
        %add3A_774 = vector.broadcast %add3A_773 : i32 to vector<16xi32>
        %add3A_775 = arith.addi %iota3A, %add3A_774 : vector<16xi32>
        %and3A_776 = arith.constant 31 : i32
        %and3A_777 = vector.broadcast %and3A_776 : i32 to vector<16xi32>
        %and3A_778 = arith.andi %add3A_775, %and3A_777 : vector<16xi32>
        %add3A_779 = arith.addi %get3A_621, %and3A_778 : vector<16xi32>
        %gather3A_780 = tpu.vector_load_idx %arg12[%add3A_617, %add3A_779] : memref<256x128xf32, #tpu.memory_space<vmem>>[vector<16xi32>, vector<16xi32>], vector<16xf32>,
        tpu.vector_store_idx %arg14[%and3A_778, %add3A_617], %gather3A_780 : memref<32x256xf32, #tpu.memory_space<vmem>>[vector<16xi32>, vector<16xi32>], vector<16xf32>,
        %add3A_781 = arith.constant 20 : i32
        %add3A_782 = vector.broadcast %add3A_781 : i32 to vector<16xi32>
        %add3A_783 = arith.addi %iota3A, %add3A_782 : vector<16xi32>
        %and3A_784 = arith.constant 31 : i32
        %and3A_785 = vector.broadcast %and3A_784 : i32 to vector<16xi32>
        %and3A_786 = arith.andi %add3A_783, %and3A_785 : vector<16xi32>
        %add3A_787 = arith.addi %get3A_621, %and3A_786 : vector<16xi32>
        %gather3A_788 = tpu.vector_load_idx %arg12[%add3A_617, %add3A_787] : memref<256x128xf32, #tpu.memory_space<vmem>>[vector<16xi32>, vector<16xi32>], vector<16xf32>,
        tpu.vector_store_idx %arg14[%and3A_786, %add3A_617], %gather3A_788 : memref<32x256xf32, #tpu.memory_space<vmem>>[vector<16xi32>, vector<16xi32>], vector<16xf32>,
        %add3A_789 = arith.constant 21 : i32
        %add3A_790 = vector.broadcast %add3A_789 : i32 to vector<16xi32>
        %add3A_791 = arith.addi %iota3A, %add3A_790 : vector<16xi32>
        %and3A_792 = arith.constant 31 : i32
        %and3A_793 = vector.broadcast %and3A_792 : i32 to vector<16xi32>
        %and3A_794 = arith.andi %add3A_791, %and3A_793 : vector<16xi32>
        %add3A_795 = arith.addi %get3A_621, %and3A_794 : vector<16xi32>
        %gather3A_796 = tpu.vector_load_idx %arg12[%add3A_617, %add3A_795] : memref<256x128xf32, #tpu.memory_space<vmem>>[vector<16xi32>, vector<16xi32>], vector<16xf32>,
        tpu.vector_store_idx %arg14[%and3A_794, %add3A_617], %gather3A_796 : memref<32x256xf32, #tpu.memory_space<vmem>>[vector<16xi32>, vector<16xi32>], vector<16xf32>,
        %add3A_797 = arith.constant 22 : i32
        %add3A_798 = vector.broadcast %add3A_797 : i32 to vector<16xi32>
        %add3A_799 = arith.addi %iota3A, %add3A_798 : vector<16xi32>
        %and3A_800 = arith.constant 31 : i32
        %and3A_801 = vector.broadcast %and3A_800 : i32 to vector<16xi32>
        %and3A_802 = arith.andi %add3A_799, %and3A_801 : vector<16xi32>
        %add3A_803 = arith.addi %get3A_621, %and3A_802 : vector<16xi32>
        %gather3A_804 = tpu.vector_load_idx %arg12[%add3A_617, %add3A_803] : memref<256x128xf32, #tpu.memory_space<vmem>>[vector<16xi32>, vector<16xi32>], vector<16xf32>,
        tpu.vector_store_idx %arg14[%and3A_802, %add3A_617], %gather3A_804 : memref<32x256xf32, #tpu.memory_space<vmem>>[vector<16xi32>, vector<16xi32>], vector<16xf32>,
        %add3A_805 = arith.constant 23 : i32
        %add3A_806 = vector.broadcast %add3A_805 : i32 to vector<16xi32>
        %add3A_807 = arith.addi %iota3A, %add3A_806 : vector<16xi32>
        %and3A_808 = arith.constant 31 : i32
        %and3A_809 = vector.broadcast %and3A_808 : i32 to vector<16xi32>
        %and3A_810 = arith.andi %add3A_807, %and3A_809 : vector<16xi32>
        %add3A_811 = arith.addi %get3A_621, %and3A_810 : vector<16xi32>
        %gather3A_812 = tpu.vector_load_idx %arg12[%add3A_617, %add3A_811] : memref<256x128xf32, #tpu.memory_space<vmem>>[vector<16xi32>, vector<16xi32>], vector<16xf32>,
        tpu.vector_store_idx %arg14[%and3A_810, %add3A_617], %gather3A_812 : memref<32x256xf32, #tpu.memory_space<vmem>>[vector<16xi32>, vector<16xi32>], vector<16xf32>,
        %add3A_813 = arith.constant 24 : i32
        %add3A_814 = vector.broadcast %add3A_813 : i32 to vector<16xi32>
        %add3A_815 = arith.addi %iota3A, %add3A_814 : vector<16xi32>
        %and3A_816 = arith.constant 31 : i32
        %and3A_817 = vector.broadcast %and3A_816 : i32 to vector<16xi32>
        %and3A_818 = arith.andi %add3A_815, %and3A_817 : vector<16xi32>
        %add3A_819 = arith.addi %get3A_621, %and3A_818 : vector<16xi32>
        %gather3A_820 = tpu.vector_load_idx %arg12[%add3A_617, %add3A_819] : memref<256x128xf32, #tpu.memory_space<vmem>>[vector<16xi32>, vector<16xi32>], vector<16xf32>,
        tpu.vector_store_idx %arg14[%and3A_818, %add3A_617], %gather3A_820 : memref<32x256xf32, #tpu.memory_space<vmem>>[vector<16xi32>, vector<16xi32>], vector<16xf32>,
        %add3A_821 = arith.constant 25 : i32
        %add3A_822 = vector.broadcast %add3A_821 : i32 to vector<16xi32>
        %add3A_823 = arith.addi %iota3A, %add3A_822 : vector<16xi32>
        %and3A_824 = arith.constant 31 : i32
        %and3A_825 = vector.broadcast %and3A_824 : i32 to vector<16xi32>
        %and3A_826 = arith.andi %add3A_823, %and3A_825 : vector<16xi32>
        %add3A_827 = arith.addi %get3A_621, %and3A_826 : vector<16xi32>
        %gather3A_828 = tpu.vector_load_idx %arg12[%add3A_617, %add3A_827] : memref<256x128xf32, #tpu.memory_space<vmem>>[vector<16xi32>, vector<16xi32>], vector<16xf32>,
        tpu.vector_store_idx %arg14[%and3A_826, %add3A_617], %gather3A_828 : memref<32x256xf32, #tpu.memory_space<vmem>>[vector<16xi32>, vector<16xi32>], vector<16xf32>,
        %add3A_829 = arith.constant 26 : i32
        %add3A_830 = vector.broadcast %add3A_829 : i32 to vector<16xi32>
        %add3A_831 = arith.addi %iota3A, %add3A_830 : vector<16xi32>
        %and3A_832 = arith.constant 31 : i32
        %and3A_833 = vector.broadcast %and3A_832 : i32 to vector<16xi32>
        %and3A_834 = arith.andi %add3A_831, %and3A_833 : vector<16xi32>
        %add3A_835 = arith.addi %get3A_621, %and3A_834 : vector<16xi32>
        %gather3A_836 = tpu.vector_load_idx %arg12[%add3A_617, %add3A_835] : memref<256x128xf32, #tpu.memory_space<vmem>>[vector<16xi32>, vector<16xi32>], vector<16xf32>,
        tpu.vector_store_idx %arg14[%and3A_834, %add3A_617], %gather3A_836 : memref<32x256xf32, #tpu.memory_space<vmem>>[vector<16xi32>, vector<16xi32>], vector<16xf32>,
        %add3A_837 = arith.constant 27 : i32
        %add3A_838 = vector.broadcast %add3A_837 : i32 to vector<16xi32>
        %add3A_839 = arith.addi %iota3A, %add3A_838 : vector<16xi32>
        %and3A_840 = arith.constant 31 : i32
        %and3A_841 = vector.broadcast %and3A_840 : i32 to vector<16xi32>
        %and3A_842 = arith.andi %add3A_839, %and3A_841 : vector<16xi32>
        %add3A_843 = arith.addi %get3A_621, %and3A_842 : vector<16xi32>
        %gather3A_844 = tpu.vector_load_idx %arg12[%add3A_617, %add3A_843] : memref<256x128xf32, #tpu.memory_space<vmem>>[vector<16xi32>, vector<16xi32>], vector<16xf32>,
        tpu.vector_store_idx %arg14[%and3A_842, %add3A_617], %gather3A_844 : memref<32x256xf32, #tpu.memory_space<vmem>>[vector<16xi32>, vector<16xi32>], vector<16xf32>,
        %add3A_845 = arith.constant 28 : i32
        %add3A_846 = vector.broadcast %add3A_845 : i32 to vector<16xi32>
        %add3A_847 = arith.addi %iota3A, %add3A_846 : vector<16xi32>
        %and3A_848 = arith.constant 31 : i32
        %and3A_849 = vector.broadcast %and3A_848 : i32 to vector<16xi32>
        %and3A_850 = arith.andi %add3A_847, %and3A_849 : vector<16xi32>
        %add3A_851 = arith.addi %get3A_621, %and3A_850 : vector<16xi32>
        %gather3A_852 = tpu.vector_load_idx %arg12[%add3A_617, %add3A_851] : memref<256x128xf32, #tpu.memory_space<vmem>>[vector<16xi32>, vector<16xi32>], vector<16xf32>,
        tpu.vector_store_idx %arg14[%and3A_850, %add3A_617], %gather3A_852 : memref<32x256xf32, #tpu.memory_space<vmem>>[vector<16xi32>, vector<16xi32>], vector<16xf32>,
        %add3A_853 = arith.constant 29 : i32
        %add3A_854 = vector.broadcast %add3A_853 : i32 to vector<16xi32>
        %add3A_855 = arith.addi %iota3A, %add3A_854 : vector<16xi32>
        %and3A_856 = arith.constant 31 : i32
        %and3A_857 = vector.broadcast %and3A_856 : i32 to vector<16xi32>
        %and3A_858 = arith.andi %add3A_855, %and3A_857 : vector<16xi32>
        %add3A_859 = arith.addi %get3A_621, %and3A_858 : vector<16xi32>
        %gather3A_860 = tpu.vector_load_idx %arg12[%add3A_617, %add3A_859] : memref<256x128xf32, #tpu.memory_space<vmem>>[vector<16xi32>, vector<16xi32>], vector<16xf32>,
        tpu.vector_store_idx %arg14[%and3A_858, %add3A_617], %gather3A_860 : memref<32x256xf32, #tpu.memory_space<vmem>>[vector<16xi32>, vector<16xi32>], vector<16xf32>,
        %add3A_861 = arith.constant 30 : i32
        %add3A_862 = vector.broadcast %add3A_861 : i32 to vector<16xi32>
        %add3A_863 = arith.addi %iota3A, %add3A_862 : vector<16xi32>
        %and3A_864 = arith.constant 31 : i32
        %and3A_865 = vector.broadcast %and3A_864 : i32 to vector<16xi32>
        %and3A_866 = arith.andi %add3A_863, %and3A_865 : vector<16xi32>
        %add3A_867 = arith.addi %get3A_621, %and3A_866 : vector<16xi32>
        %gather3A_868 = tpu.vector_load_idx %arg12[%add3A_617, %add3A_867] : memref<256x128xf32, #tpu.memory_space<vmem>>[vector<16xi32>, vector<16xi32>], vector<16xf32>,
        tpu.vector_store_idx %arg14[%and3A_866, %add3A_617], %gather3A_868 : memref<32x256xf32, #tpu.memory_space<vmem>>[vector<16xi32>, vector<16xi32>], vector<16xf32>,
        %add3A_869 = arith.constant 31 : i32
        %add3A_870 = vector.broadcast %add3A_869 : i32 to vector<16xi32>
        %add3A_871 = arith.addi %iota3A, %add3A_870 : vector<16xi32>
        %and3A_872 = arith.constant 31 : i32
        %and3A_873 = vector.broadcast %and3A_872 : i32 to vector<16xi32>
        %and3A_874 = arith.andi %add3A_871, %and3A_873 : vector<16xi32>
        %add3A_875 = arith.addi %get3A_621, %and3A_874 : vector<16xi32>
        %gather3A_876 = tpu.vector_load_idx %arg12[%add3A_617, %add3A_875] : memref<256x128xf32, #tpu.memory_space<vmem>>[vector<16xi32>, vector<16xi32>], vector<16xf32>,
        tpu.vector_store_idx %arg14[%and3A_874, %add3A_617], %gather3A_876 : memref<32x256xf32, #tpu.memory_space<vmem>>[vector<16xi32>, vector<16xi32>], vector<16xf32>,
      }
      %scan3A_594 = arith.constant 16 : i32
      %mul3A_595 = arith.constant 100 : i32
      %mul3A_596 = arith.muli %add3A, %mul3A_595 : i32
      %add3A_597 = arith.addi %mul3A_596, %add3A_580 : i32
      %div3A_598 = arith.constant 64 : i32
      %div3A_599 = arith.divsi %add3A_597, %div3A_598 : i32
      %rem3A_600 = arith.constant 64 : i32
      %rem3A_601 = arith.remsi %add3A_597, %rem3A_600 : i32
      %mul3A_602 = arith.constant 256 : i32
      %mul3A_603 = arith.muli %rem3A_601, %mul3A_602 : i32
      %dma_start3A_604 = arith.constant 0 : i32
      %dma_start3A_605 = tpu.memref_slice %arg4[%div3A_599, %dma_start3A_604, %mul3A_603] : memref<50x32x16384xf32, #tpu.memory_space<hbm>> -> memref<1x32x256xf32, #tpu.memory_space<hbm>>
      %dma_start3A_606 = tpu.memref_squeeze %dma_start3A_605 : memref<1x32x256xf32, #tpu.memory_space<hbm>> -> memref<32x256xf32, #tpu.memory_space<hbm>>
      %dma_start3A_607 = arith.constant 0 : i32
      %dma_start3A_608 = tpu.memref_slice %arg4[%div3A_599, %dma_start3A_607, %mul3A_603] : memref<50x32x16384xf32, #tpu.memory_space<hbm>> -> memref<1x32x256xf32, #tpu.memory_space<hbm>>
      %dma_start3A_609 = tpu.memref_squeeze %dma_start3A_608 : memref<1x32x256xf32, #tpu.memory_space<hbm>> -> memref<32x256xf32, #tpu.memory_space<hbm>>
      tpu.enqueue_dma source(%arg14 : memref<32x256xf32, #tpu.memory_space<vmem>>) target(%dma_start3A_609 : memref<32x256xf32, #tpu.memory_space<hbm>>) target_semaphore(%arg18 : memref<!tpu.dma_semaphore, #tpu.memory_space<semaphore_mem>>)
      %convert_element_type3A_610 = arith.extui %lt3A_543 : i1 to i32
      %cond3A_611 = arith.constant 0 : i32
      %cond3A_612 = arith.cmpi ne, %convert_element_type3A_610, %cond3A_611 : i32
      scf.if %cond3A_612 {
        %dma_wait3A_613 = arith.constant 0 : i32
        %dma_wait3A_614 = arith.constant 0 : i32
        %dma_wait3A_615 = tpu.memref_slice %arg2[%dma_wait3A_613, %dma_wait3A_614] : memref<50x16384xi32, #tpu.memory_space<hbm>> -> memref<1x256xi32, #tpu.memory_space<hbm>>
        %dma_wait3A_616 = tpu.memref_squeeze %dma_wait3A_615 : memref<1x256xi32, #tpu.memory_space<hbm>> -> memref<256xi32, #tpu.memory_space<hbm>>
        %dma_wait3A_617 = arith.constant 0 : i32
        %dma_wait3A_618 = tpu.memref_slice %arg2[%dma_wait3A_613, %dma_wait3A_617] : memref<50x16384xi32, #tpu.memory_space<hbm>> -> memref<1x256xi32, #tpu.memory_space<hbm>>
        %dma_wait3A_619 = tpu.memref_squeeze %dma_wait3A_618 : memref<1x256xi32, #tpu.memory_space<hbm>> -> memref<256xi32, #tpu.memory_space<hbm>>
        tpu.wait_dma2 semaphore(%arg20 : memref<!tpu.dma_semaphore, #tpu.memory_space<semaphore_mem>>) src(%dma_wait3A_619 : memref<256xi32, #tpu.memory_space<hbm>>) dst(%arg6 : memref<256xi32, #tpu.memory_space<vmem>>)
        %get3A_620 = arith.constant 0 : index
        %get3A_621 = tpu.vector_load %arg6[%get3A_620] {strides = array<i32>} : memref<256xi32, #tpu.memory_space<vmem>>, vector<16xi32>,
        %shift_right_logical3A_622 = arith.constant 2 : i32
        %shift_right_logical3A_623 = vector.broadcast %shift_right_logical3A_622 : i32 to vector<16xi32>
        %shift_right_logical3A_624 = arith.shrui %get3A_621, %shift_right_logical3A_623 : vector<16xi32>
        %swap3A_625 = arith.constant 0 : index
        %swap3A_626 = tpu.vector_load %arg8[%swap3A_625] {strides = array<i32>} : memref<256xi32, #tpu.memory_space<vmem>>, vector<16xi32>,
        tpu.vector_store %arg8[%swap3A_625], %shift_right_logical3A_624 {strides = array<i32>} : memref<256xi32, #tpu.memory_space<vmem>>, vector<16xi32>,
        %and3A_627 = arith.constant 3 : i32
        %and3A_628 = vector.broadcast %and3A_627 : i32 to vector<16xi32>
        %and3A_629 = arith.andi %get3A_621, %and3A_628 : vector<16xi32>
        %mul3A_630 = arith.constant 32 : i32
        %mul3A_631 = vector.broadcast %mul3A_630 : i32 to vector<16xi32>
        %mul3A_632 = arith.muli %and3A_629, %mul3A_631 : vector<16xi32>
        %swap3A_633 = arith.constant 0 : index
        %swap3A_634 = tpu.vector_load %arg10[%swap3A_633] {strides = array<i32>} : memref<256xi32, #tpu.memory_space<vmem>>, vector<16xi32>,
        tpu.vector_store %arg10[%swap3A_633], %mul3A_632 {strides = array<i32>} : memref<256xi32, #tpu.memory_space<vmem>>, vector<16xi32>,
        %get3A_635 = arith.constant 16 : index
        %get3A_636 = tpu.vector_load %arg6[%get3A_635] {strides = array<i32>} : memref<256xi32, #tpu.memory_space<vmem>>, vector<16xi32>,
        %shift_right_logical3A_637 = arith.constant 2 : i32
        %shift_right_logical3A_638 = vector.broadcast %shift_right_logical3A_637 : i32 to vector<16xi32>
        %shift_right_logical3A_639 = arith.shrui %get3A_636, %shift_right_logical3A_638 : vector<16xi32>
        %swap3A_640 = arith.constant 16 : index
        %swap3A_641 = tpu.vector_load %arg8[%swap3A_640] {strides = array<i32>} : memref<256xi32, #tpu.memory_space<vmem>>, vector<16xi32>,
        tpu.vector_store %arg8[%swap3A_640], %shift_right_logical3A_639 {strides = array<i32>} : memref<256xi32, #tpu.memory_space<vmem>>, vector<16xi32>,
        %and3A_642 = arith.constant 3 : i32
        %and3A_643 = vector.broadcast %and3A_642 : i32 to vector<16xi32>
        %and3A_644 = arith.andi %get3A_636, %and3A_643 : vector<16xi32>
        %mul3A_645 = arith.constant 32 : i32
        %mul3A_646 = vector.broadcast %mul3A_645 : i32 to vector<16xi32>
        %mul3A_647 = arith.muli %and3A_644, %mul3A_646 : vector<16xi32>
        %swap3A_648 = arith.constant 16 : index
        %swap3A_649 = tpu.vector_load %arg10[%swap3A_648] {strides = array<i32>} : memref<256xi32, #tpu.memory_space<vmem>>, vector<16xi32>,
        tpu.vector_store %arg10[%swap3A_648], %mul3A_647 {strides = array<i32>} : memref<256xi32, #tpu.memory_space<vmem>>, vector<16xi32>,
        %get3A_650 = arith.constant 32 : index
        %get3A_651 = tpu.vector_load %arg6[%get3A_650] {strides = array<i32>} : memref<256xi32, #tpu.memory_space<vmem>>, vector<16xi32>,
        %shift_right_logical3A_652 = arith.constant 2 : i32
        %shift_right_logical3A_653 = vector.broadcast %shift_right_logical3A_652 : i32 to vector<16xi32>
        %shift_right_logical3A_654 = arith.shrui %get3A_651, %shift_right_logical3A_653 : vector<16xi32>
        %swap3A_655 = arith.constant 32 : index
        %swap3A_656 = tpu.vector_load %arg8[%swap3A_655] {strides = array<i32>} : memref<256xi32, #tpu.memory_space<vmem>>, vector<16xi32>,
        tpu.vector_store %arg8[%swap3A_655], %shift_right_logical3A_654 {strides = array<i32>} : memref<256xi32, #tpu.memory_space<vmem>>, vector<16xi32>,
        %and3A_657 = arith.constant 3 : i32
        %and3A_658 = vector.broadcast %and3A_657 : i32 to vector<16xi32>
        %and3A_659 = arith.andi %get3A_651, %and3A_658 : vector<16xi32>
        %mul3A_660 = arith.constant 32 : i32
        %mul3A_661 = vector.broadcast %mul3A_660 : i32 to vector<16xi32>
        %mul3A_662 = arith.muli %and3A_659, %mul3A_661 : vector<16xi32>
        %swap3A_663 = arith.constant 32 : index
        %swap3A_664 = tpu.vector_load %arg10[%swap3A_663] {strides = array<i32>} : memref<256xi32, #tpu.memory_space<vmem>>, vector<16xi32>,
        tpu.vector_store %arg10[%swap3A_663], %mul3A_662 {strides = array<i32>} : memref<256xi32, #tpu.memory_space<vmem>>, vector<16xi32>,
        %get3A_665 = arith.constant 48 : index
        %get3A_666 = tpu.vector_load %arg6[%get3A_665] {strides = array<i32>} : memref<256xi32, #tpu.memory_space<vmem>>, vector<16xi32>,
        %shift_right_logical3A_667 = arith.constant 2 : i32
        %shift_right_logical3A_668 = vector.broadcast %shift_right_logical3A_667 : i32 to vector<16xi32>
        %shift_right_logical3A_669 = arith.shrui %get3A_666, %shift_right_logical3A_668 : vector<16xi32>
        %swap3A_670 = arith.constant 48 : index
        %swap3A_671 = tpu.vector_load %arg8[%swap3A_670] {strides = array<i32>} : memref<256xi32, #tpu.memory_space<vmem>>, vector<16xi32>,
        tpu.vector_store %arg8[%swap3A_670], %shift_right_logical3A_669 {strides = array<i32>} : memref<256xi32, #tpu.memory_space<vmem>>, vector<16xi32>,
        %and3A_672 = arith.constant 3 : i32
        %and3A_673 = vector.broadcast %and3A_672 : i32 to vector<16xi32>
        %and3A_674 = arith.andi %get3A_666, %and3A_673 : vector<16xi32>
        %mul3A_675 = arith.constant 32 : i32
        %mul3A_676 = vector.broadcast %mul3A_675 : i32 to vector<16xi32>
        %mul3A_677 = arith.muli %and3A_674, %mul3A_676 : vector<16xi32>
        %swap3A_678 = arith.constant 48 : index
        %swap3A_679 = tpu.vector_load %arg10[%swap3A_678] {strides = array<i32>} : memref<256xi32, #tpu.memory_space<vmem>>, vector<16xi32>,
        tpu.vector_store %arg10[%swap3A_678], %mul3A_677 {strides = array<i32>} : memref<256xi32, #tpu.memory_space<vmem>>, vector<16xi32>,
        %get3A_680 = arith.constant 64 : index
        %get3A_681 = tpu.vector_load %arg6[%get3A_680] {strides = array<i32>} : memref<256xi32, #tpu.memory_space<vmem>>, vector<16xi32>,
        %shift_right_logical3A_682 = arith.constant 2 : i32
        %shift_right_logical3A_683 = vector.broadcast %shift_right_logical3A_682 : i32 to vector<16xi32>
        %shift_right_logical3A_684 = arith.shrui %get3A_681, %shift_right_logical3A_683 : vector<16xi32>
        %swap3A_685 = arith.constant 64 : index
        %swap3A_686 = tpu.vector_load %arg8[%swap3A_685] {strides = array<i32>} : memref<256xi32, #tpu.memory_space<vmem>>, vector<16xi32>,
        tpu.vector_store %arg8[%swap3A_685], %shift_right_logical3A_684 {strides = array<i32>} : memref<256xi32, #tpu.memory_space<vmem>>, vector<16xi32>,
        %and3A_687 = arith.constant 3 : i32
        %and3A_688 = vector.broadcast %and3A_687 : i32 to vector<16xi32>
        %and3A_689 = arith.andi %get3A_681, %and3A_688 : vector<16xi32>
        %mul3A_690 = arith.constant 32 : i32
        %mul3A_691 = vector.broadcast %mul3A_690 : i32 to vector<16xi32>
        %mul3A_692 = arith.muli %and3A_689, %mul3A_691 : vector<16xi32>
        %swap3A_693 = arith.constant 64 : index
        %swap3A_694 = tpu.vector_load %arg10[%swap3A_693] {strides = array<i32>} : memref<256xi32, #tpu.memory_space<vmem>>, vector<16xi32>,
        tpu.vector_store %arg10[%swap3A_693], %mul3A_692 {strides = array<i32>} : memref<256xi32, #tpu.memory_space<vmem>>, vector<16xi32>,
        %get3A_695 = arith.constant 80 : index
        %get3A_696 = tpu.vector_load %arg6[%get3A_695] {strides = array<i32>} : memref<256xi32, #tpu.memory_space<vmem>>, vector<16xi32>,
        %shift_right_logical3A_697 = arith.constant 2 : i32
        %shift_right_logical3A_698 = vector.broadcast %shift_right_logical3A_697 : i32 to vector<16xi32>
        %shift_right_logical3A_699 = arith.shrui %get3A_696, %shift_right_logical3A_698 : vector<16xi32>
        %swap3A_700 = arith.constant 80 : index
        %swap3A_701 = tpu.vector_load %arg8[%swap3A_700] {strides = array<i32>} : memref<256xi32, #tpu.memory_space<vmem>>, vector<16xi32>,
        tpu.vector_store %arg8[%swap3A_700], %shift_right_logical3A_699 {strides = array<i32>} : memref<256xi32, #tpu.memory_space<vmem>>, vector<16xi32>,
        %and3A_702 = arith.constant 3 : i32
        %and3A_703 = vector.broadcast %and3A_702 : i32 to vector<16xi32>
        %and3A_704 = arith.andi %get3A_696, %and3A_703 : vector<16xi32>
        %mul3A_705 = arith.constant 32 : i32
        %mul3A_706 = vector.broadcast %mul3A_705 : i32 to vector<16xi32>
        %mul3A_707 = arith.muli %and3A_704, %mul3A_706 : vector<16xi32>
        %swap3A_708 = arith.constant 80 : index
        %swap3A_709 = tpu.vector_load %arg10[%swap3A_708] {strides = array<i32>} : memref<256xi32, #tpu.memory_space<vmem>>, vector<16xi32>,
        tpu.vector_store %arg10[%swap3A_708], %mul3A_707 {strides = array<i32>} : memref<256xi32, #tpu.memory_space<vmem>>, vector<16xi32>,
        %get3A_710 = arith.constant 96 : index
        %get3A_711 = tpu.vector_load %arg6[%get3A_710] {strides = array<i32>} : memref<256xi32, #tpu.memory_space<vmem>>, vector<16xi32>,
        %shift_right_logical3A_712 = arith.constant 2 : i32
        %shift_right_logical3A_713 = vector.broadcast %shift_right_logical3A_712 : i32 to vector<16xi32>
        %shift_right_logical3A_714 = arith.shrui %get3A_711, %shift_right_logical3A_713 : vector<16xi32>
        %swap3A_715 = arith.constant 96 : index
        %swap3A_716 = tpu.vector_load %arg8[%swap3A_715] {strides = array<i32>} : memref<256xi32, #tpu.memory_space<vmem>>, vector<16xi32>,
        tpu.vector_store %arg8[%swap3A_715], %shift_right_logical3A_714 {strides = array<i32>} : memref<256xi32, #tpu.memory_space<vmem>>, vector<16xi32>,
        %and3A_717 = arith.constant 3 : i32
        %and3A_718 = vector.broadcast %and3A_717 : i32 to vector<16xi32>
        %and3A_719 = arith.andi %get3A_711, %and3A_718 : vector<16xi32>
        %mul3A_720 = arith.constant 32 : i32
        %mul3A_721 = vector.broadcast %mul3A_720 : i32 to vector<16xi32>
        %mul3A_722 = arith.muli %and3A_719, %mul3A_721 : vector<16xi32>
        %swap3A_723 = arith.constant 96 : index
        %swap3A_724 = tpu.vector_load %arg10[%swap3A_723] {strides = array<i32>} : memref<256xi32, #tpu.memory_space<vmem>>, vector<16xi32>,
        tpu.vector_store %arg10[%swap3A_723], %mul3A_722 {strides = array<i32>} : memref<256xi32, #tpu.memory_space<vmem>>, vector<16xi32>,
        %get3A_725 = arith.constant 112 : index
        %get3A_726 = tpu.vector_load %arg6[%get3A_725] {strides = array<i32>} : memref<256xi32, #tpu.memory_space<vmem>>, vector<16xi32>,
        %shift_right_logical3A_727 = arith.constant 2 : i32
        %shift_right_logical3A_728 = vector.broadcast %shift_right_logical3A_727 : i32 to vector<16xi32>
        %shift_right_logical3A_729 = arith.shrui %get3A_726, %shift_right_logical3A_728 : vector<16xi32>
        %swap3A_730 = arith.constant 112 : index
        %swap3A_731 = tpu.vector_load %arg8[%swap3A_730] {strides = array<i32>} : memref<256xi32, #tpu.memory_space<vmem>>, vector<16xi32>,
        tpu.vector_store %arg8[%swap3A_730], %shift_right_logical3A_729 {strides = array<i32>} : memref<256xi32, #tpu.memory_space<vmem>>, vector<16xi32>,
        %and3A_732 = arith.constant 3 : i32
        %and3A_733 = vector.broadcast %and3A_732 : i32 to vector<16xi32>
        %and3A_734 = arith.andi %get3A_726, %and3A_733 : vector<16xi32>
        %mul3A_735 = arith.constant 32 : i32
        %mul3A_736 = vector.broadcast %mul3A_735 : i32 to vector<16xi32>
        %mul3A_737 = arith.muli %and3A_734, %mul3A_736 : vector<16xi32>
        %swap3A_738 = arith.constant 112 : index
        %swap3A_739 = tpu.vector_load %arg10[%swap3A_738] {strides = array<i32>} : memref<256xi32, #tpu.memory_space<vmem>>, vector<16xi32>,
        tpu.vector_store %arg10[%swap3A_738], %mul3A_737 {strides = array<i32>} : memref<256xi32, #tpu.memory_space<vmem>>, vector<16xi32>,
        %get3A_740 = arith.constant 128 : index
        %get3A_741 = tpu.vector_load %arg6[%get3A_740] {strides = array<i32>} : memref<256xi32, #tpu.memory_space<vmem>>, vector<16xi32>,
        %shift_right_logical3A_742 = arith.constant 2 : i32
        %shift_right_logical3A_743 = vector.broadcast %shift_right_logical3A_742 : i32 to vector<16xi32>
        %shift_right_logical3A_744 = arith.shrui %get3A_741, %shift_right_logical3A_743 : vector<16xi32>
        %swap3A_745 = arith.constant 128 : index
        %swap3A_746 = tpu.vector_load %arg8[%swap3A_745] {strides = array<i32>} : memref<256xi32, #tpu.memory_space<vmem>>, vector<16xi32>,
        tpu.vector_store %arg8[%swap3A_745], %shift_right_logical3A_744 {strides = array<i32>} : memref<256xi32, #tpu.memory_space<vmem>>, vector<16xi32>,
        %and3A_747 = arith.constant 3 : i32
        %and3A_748 = vector.broadcast %and3A_747 : i32 to vector<16xi32>
        %and3A_749 = arith.andi %get3A_741, %and3A_748 : vector<16xi32>
        %mul3A_750 = arith.constant 32 : i32
        %mul3A_751 = vector.broadcast %mul3A_750 : i32 to vector<16xi32>
        %mul3A_752 = arith.muli %and3A_749, %mul3A_751 : vector<16xi32>
        %swap3A_753 = arith.constant 128 : index
        %swap3A_754 = tpu.vector_load %arg10[%swap3A_753] {strides = array<i32>} : memref<256xi32, #tpu.memory_space<vmem>>, vector<16xi32>,
        tpu.vector_store %arg10[%swap3A_753], %mul3A_752 {strides = array<i32>} : memref<256xi32, #tpu.memory_space<vmem>>, vector<16xi32>,
        %get3A_755 = arith.constant 144 : index
        %get3A_756 = tpu.vector_load %arg6[%get3A_755] {strides = array<i32>} : memref<256xi32, #tpu.memory_space<vmem>>, vector<16xi32>,
        %shift_right_logical3A_757 = arith.constant 2 : i32
        %shift_right_logical3A_758 = vector.broadcast %shift_right_logical3A_757 : i32 to vector<16xi32>
        %shift_right_logical3A_759 = arith.shrui %get3A_756, %shift_right_logical3A_758 : vector<16xi32>
        %swap3A_760 = arith.constant 144 : index
        %swap3A_761 = tpu.vector_load %arg8[%swap3A_760] {strides = array<i32>} : memref<256xi32, #tpu.memory_space<vmem>>, vector<16xi32>,
        tpu.vector_store %arg8[%swap3A_760], %shift_right_logical3A_759 {strides = array<i32>} : memref<256xi32, #tpu.memory_space<vmem>>, vector<16xi32>,
        %and3A_762 = arith.constant 3 : i32
        %and3A_763 = vector.broadcast %and3A_762 : i32 to vector<16xi32>
        %and3A_764 = arith.andi %get3A_756, %and3A_763 : vector<16xi32>
        %mul3A_765 = arith.constant 32 : i32
        %mul3A_766 = vector.broadcast %mul3A_765 : i32 to vector<16xi32>
        %mul3A_767 = arith.muli %and3A_764, %mul3A_766 : vector<16xi32>
        %swap3A_768 = arith.constant 144 : index
        %swap3A_769 = tpu.vector_load %arg10[%swap3A_768] {strides = array<i32>} : memref<256xi32, #tpu.memory_space<vmem>>, vector<16xi32>,
        tpu.vector_store %arg10[%swap3A_768], %mul3A_767 {strides = array<i32>} : memref<256xi32, #tpu.memory_space<vmem>>, vector<16xi32>,
        %get3A_770 = arith.constant 160 : index
        %get3A_771 = tpu.vector_load %arg6[%get3A_770] {strides = array<i32>} : memref<256xi32, #tpu.memory_space<vmem>>, vector<16xi32>,
        %shift_right_logical3A_772 = arith.constant 2 : i32
        %shift_right_logical3A_773 = vector.broadcast %shift_right_logical3A_772 : i32 to vector<16xi32>
        %shift_right_logical3A_774 = arith.shrui %get3A_771, %shift_right_logical3A_773 : vector<16xi32>
        %swap3A_775 = arith.constant 160 : index
        %swap3A_776 = tpu.vector_load %arg8[%swap3A_775] {strides = array<i32>} : memref<256xi32, #tpu.memory_space<vmem>>, vector<16xi32>,
        tpu.vector_store %arg8[%swap3A_775], %shift_right_logical3A_774 {strides = array<i32>} : memref<256xi32, #tpu.memory_space<vmem>>, vector<16xi32>,
        %and3A_777 = arith.constant 3 : i32
        %and3A_778 = vector.broadcast %and3A_777 : i32 to vector<16xi32>
        %and3A_779 = arith.andi %get3A_771, %and3A_778 : vector<16xi32>
        %mul3A_780 = arith.constant 32 : i32
        %mul3A_781 = vector.broadcast %mul3A_780 : i32 to vector<16xi32>
        %mul3A_782 = arith.muli %and3A_779, %mul3A_781 : vector<16xi32>
        %swap3A_783 = arith.constant 160 : index
        %swap3A_784 = tpu.vector_load %arg10[%swap3A_783] {strides = array<i32>} : memref<256xi32, #tpu.memory_space<vmem>>, vector<16xi32>,
        tpu.vector_store %arg10[%swap3A_783], %mul3A_782 {strides = array<i32>} : memref<256xi32, #tpu.memory_space<vmem>>, vector<16xi32>,
        %get3A_785 = arith.constant 176 : index
        %get3A_786 = tpu.vector_load %arg6[%get3A_785] {strides = array<i32>} : memref<256xi32, #tpu.memory_space<vmem>>, vector<16xi32>,
        %shift_right_logical3A_787 = arith.constant 2 : i32
        %shift_right_logical3A_788 = vector.broadcast %shift_right_logical3A_787 : i32 to vector<16xi32>
        %shift_right_logical3A_789 = arith.shrui %get3A_786, %shift_right_logical3A_788 : vector<16xi32>
        %swap3A_790 = arith.constant 176 : index
        %swap3A_791 = tpu.vector_load %arg8[%swap3A_790] {strides = array<i32>} : memref<256xi32, #tpu.memory_space<vmem>>, vector<16xi32>,
        tpu.vector_store %arg8[%swap3A_790], %shift_right_logical3A_789 {strides = array<i32>} : memref<256xi32, #tpu.memory_space<vmem>>, vector<16xi32>,
        %and3A_792 = arith.constant 3 : i32
        %and3A_793 = vector.broadcast %and3A_792 : i32 to vector<16xi32>
        %and3A_794 = arith.andi %get3A_786, %and3A_793 : vector<16xi32>
        %mul3A_795 = arith.constant 32 : i32
        %mul3A_796 = vector.broadcast %mul3A_795 : i32 to vector<16xi32>
        %mul3A_797 = arith.muli %and3A_794, %mul3A_796 : vector<16xi32>
        %swap3A_798 = arith.constant 176 : index
        %swap3A_799 = tpu.vector_load %arg10[%swap3A_798] {strides = array<i32>} : memref<256xi32, #tpu.memory_space<vmem>>, vector<16xi32>,
        tpu.vector_store %arg10[%swap3A_798], %mul3A_797 {strides = array<i32>} : memref<256xi32, #tpu.memory_space<vmem>>, vector<16xi32>,
        %get3A_800 = arith.constant 192 : index
        %get3A_801 = tpu.vector_load %arg6[%get3A_800] {strides = array<i32>} : memref<256xi32, #tpu.memory_space<vmem>>, vector<16xi32>,
        %shift_right_logical3A_802 = arith.constant 2 : i32
        %shift_right_logical3A_803 = vector.broadcast %shift_right_logical3A_802 : i32 to vector<16xi32>
        %shift_right_logical3A_804 = arith.shrui %get3A_801, %shift_right_logical3A_803 : vector<16xi32>
        %swap3A_805 = arith.constant 192 : index
        %swap3A_806 = tpu.vector_load %arg8[%swap3A_805] {strides = array<i32>} : memref<256xi32, #tpu.memory_space<vmem>>, vector<16xi32>,
        tpu.vector_store %arg8[%swap3A_805], %shift_right_logical3A_804 {strides = array<i32>} : memref<256xi32, #tpu.memory_space<vmem>>, vector<16xi32>,
        %and3A_807 = arith.constant 3 : i32
        %and3A_808 = vector.broadcast %and3A_807 : i32 to vector<16xi32>
        %and3A_809 = arith.andi %get3A_801, %and3A_808 : vector<16xi32>
        %mul3A_810 = arith.constant 32 : i32
        %mul3A_811 = vector.broadcast %mul3A_810 : i32 to vector<16xi32>
        %mul3A_812 = arith.muli %and3A_809, %mul3A_811 : vector<16xi32>
        %swap3A_813 = arith.constant 192 : index
        %swap3A_814 = tpu.vector_load %arg10[%swap3A_813] {strides = array<i32>} : memref<256xi32, #tpu.memory_space<vmem>>, vector<16xi32>,
        tpu.vector_store %arg10[%swap3A_813], %mul3A_812 {strides = array<i32>} : memref<256xi32, #tpu.memory_space<vmem>>, vector<16xi32>,
        %get3A_815 = arith.constant 208 : index
        %get3A_816 = tpu.vector_load %arg6[%get3A_815] {strides = array<i32>} : memref<256xi32, #tpu.memory_space<vmem>>, vector<16xi32>,
        %shift_right_logical3A_817 = arith.constant 2 : i32
        %shift_right_logical3A_818 = vector.broadcast %shift_right_logical3A_817 : i32 to vector<16xi32>
        %shift_right_logical3A_819 = arith.shrui %get3A_816, %shift_right_logical3A_818 : vector<16xi32>
        %swap3A_820 = arith.constant 208 : index
        %swap3A_821 = tpu.vector_load %arg8[%swap3A_820] {strides = array<i32>} : memref<256xi32, #tpu.memory_space<vmem>>, vector<16xi32>,
        tpu.vector_store %arg8[%swap3A_820], %shift_right_logical3A_819 {strides = array<i32>} : memref<256xi32, #tpu.memory_space<vmem>>, vector<16xi32>,
        %and3A_822 = arith.constant 3 : i32
        %and3A_823 = vector.broadcast %and3A_822 : i32 to vector<16xi32>
        %and3A_824 = arith.andi %get3A_816, %and3A_823 : vector<16xi32>
        %mul3A_825 = arith.constant 32 : i32
        %mul3A_826 = vector.broadcast %mul3A_825 : i32 to vector<16xi32>
        %mul3A_827 = arith.muli %and3A_824, %mul3A_826 : vector<16xi32>
        %swap3A_828 = arith.constant 208 : index
        %swap3A_829 = tpu.vector_load %arg10[%swap3A_828] {strides = array<i32>} : memref<256xi32, #tpu.memory_space<vmem>>, vector<16xi32>,
        tpu.vector_store %arg10[%swap3A_828], %mul3A_827 {strides = array<i32>} : memref<256xi32, #tpu.memory_space<vmem>>, vector<16xi32>,
        %get3A_830 = arith.constant 224 : index
        %get3A_831 = tpu.vector_load %arg6[%get3A_830] {strides = array<i32>} : memref<256xi32, #tpu.memory_space<vmem>>, vector<16xi32>,
        %shift_right_logical3A_832 = arith.constant 2 : i32
        %shift_right_logical3A_833 = vector.broadcast %shift_right_logical3A_832 : i32 to vector<16xi32>
        %shift_right_logical3A_834 = arith.shrui %get3A_831, %shift_right_logical3A_833 : vector<16xi32>
        %swap3A_835 = arith.constant 224 : index
        %swap3A_836 = tpu.vector_load %arg8[%swap3A_835] {strides = array<i32>} : memref<256xi32, #tpu.memory_space<vmem>>, vector<16xi32>,
        tpu.vector_store %arg8[%swap3A_835], %shift_right_logical3A_834 {strides = array<i32>} : memref<256xi32, #tpu.memory_space<vmem>>, vector<16xi32>,
        %and3A_837 = arith.constant 3 : i32
        %and3A_838 = vector.broadcast %and3A_837 : i32 to vector<16xi32>
        %and3A_839 = arith.andi %get3A_831, %and3A_838 : vector<16xi32>
        %mul3A_840 = arith.constant 32 : i32
        %mul3A_841 = vector.broadcast %mul3A_840 : i32 to vector<16xi32>
        %mul3A_842 = arith.muli %and3A_839, %mul3A_841 : vector<16xi32>
        %swap3A_843 = arith.constant 224 : index
        %swap3A_844 = tpu.vector_load %arg10[%swap3A_843] {strides = array<i32>} : memref<256xi32, #tpu.memory_space<vmem>>, vector<16xi32>,
        tpu.vector_store %arg10[%swap3A_843], %mul3A_842 {strides = array<i32>} : memref<256xi32, #tpu.memory_space<vmem>>, vector<16xi32>,
        %get3A_845 = arith.constant 240 : index
        %get3A_846 = tpu.vector_load %arg6[%get3A_845] {strides = array<i32>} : memref<256xi32, #tpu.memory_space<vmem>>, vector<16xi32>,
        %shift_right_logical3A_847 = arith.constant 2 : i32
        %shift_right_logical3A_848 = vector.broadcast %shift_right_logical3A_847 : i32 to vector<16xi32>
        %shift_right_logical3A_849 = arith.shrui %get3A_846, %shift_right_logical3A_848 : vector<16xi32>
        %swap3A_850 = arith.constant 240 : index
        %swap3A_851 = tpu.vector_load %arg8[%swap3A_850] {strides = array<i32>} : memref<256xi32, #tpu.memory_space<vmem>>, vector<16xi32>,
        tpu.vector_store %arg8[%swap3A_850], %shift_right_logical3A_849 {strides = array<i32>} : memref<256xi32, #tpu.memory_space<vmem>>, vector<16xi32>,
        %and3A_852 = arith.constant 3 : i32
        %and3A_853 = vector.broadcast %and3A_852 : i32 to vector<16xi32>
        %and3A_854 = arith.andi %get3A_846, %and3A_853 : vector<16xi32>
        %mul3A_855 = arith.constant 32 : i32
        %mul3A_856 = vector.broadcast %mul3A_855 : i32 to vector<16xi32>
        %mul3A_857 = arith.muli %and3A_854, %mul3A_856 : vector<16xi32>
        %swap3A_858 = arith.constant 240 : index
        %swap3A_859 = tpu.vector_load %arg10[%swap3A_858] {strides = array<i32>} : memref<256xi32, #tpu.memory_space<vmem>>, vector<16xi32>,
        tpu.vector_store %arg10[%swap3A_858], %mul3A_857 {strides = array<i32>} : memref<256xi32, #tpu.memory_space<vmem>>, vector<16xi32>,
        %dma_start3A_860 = arith.constant 0 : i32
        %dma_start3A_861 = arith.constant 0 : i32
        %dma_start3A_862 = tpu.memref_slice %arg3[%dma_start3A_860, %dma_start3A_861] : memref<250000x128xf32, #tpu.memory_space<hbm>> -> memref<250000x128xf32, #tpu.memory_space<hbm>>
        tpu.enqueue_indirect_dma source(%dma_start3A_862 : memref<250000x128xf32, #tpu.memory_space<hbm>>) target(%arg12 : memref<256x128xf32, #tpu.memory_space<vmem>>) offsets(%arg8 : memref<256xi32, #tpu.memory_space<vmem>>) semaphore(%arg16 : memref<!tpu.dma_semaphore, #tpu.memory_space<semaphore_mem>>)
      } else {
      }
    }
    %scan3A_519 = arith.constant 50 : i32
    %dma_wait3A_520 = arith.constant 0 : i32
    %dma_wait3A_521 = arith.constant 0 : i32
    %dma_wait3A_522 = arith.constant 0 : i32
    %dma_wait3A_523 = tpu.memref_slice %arg4[%dma_wait3A_520, %dma_wait3A_521, %dma_wait3A_522] : memref<50x32x16384xf32, #tpu.memory_space<hbm>> -> memref<1x32x256xf32, #tpu.memory_space<hbm>>
    %dma_wait3A_524 = tpu.memref_squeeze %dma_wait3A_523 : memref<1x32x256xf32, #tpu.memory_space<hbm>> -> memref<32x256xf32, #tpu.memory_space<hbm>>
    %dma_wait3A_525 = arith.constant 0 : i32
    %dma_wait3A_526 = arith.constant 0 : i32
    %dma_wait3A_527 = tpu.memref_slice %arg4[%dma_wait3A_520, %dma_wait3A_525, %dma_wait3A_526] : memref<50x32x16384xf32, #tpu.memory_space<hbm>> -> memref<1x32x256xf32, #tpu.memory_space<hbm>>
    %dma_wait3A_528 = tpu.memref_squeeze %dma_wait3A_527 : memref<1x32x256xf32, #tpu.memory_space<hbm>> -> memref<32x256xf32, #tpu.memory_space<hbm>>
    tpu.wait_dma2 semaphore(%arg17 : memref<!tpu.dma_semaphore, #tpu.memory_space<semaphore_mem>>) src(%arg13 : memref<32x256xf32, #tpu.memory_space<vmem>>) dst(%dma_wait3A_528 : memref<32x256xf32, #tpu.memory_space<hbm>>)
    %dma_wait3A_529 = arith.constant 0 : i32
    %dma_wait3A_530 = arith.constant 0 : i32
    %dma_wait3A_531 = arith.constant 0 : i32
    %dma_wait3A_532 = tpu.memref_slice %arg4[%dma_wait3A_529, %dma_wait3A_530, %dma_wait3A_531] : memref<50x32x16384xf32, #tpu.memory_space<hbm>> -> memref<1x32x256xf32, #tpu.memory_space<hbm>>
    %dma_wait3A_533 = tpu.memref_squeeze %dma_wait3A_532 : memref<1x32x256xf32, #tpu.memory_space<hbm>> -> memref<32x256xf32, #tpu.memory_space<hbm>>
    %dma_wait3A_534 = arith.constant 0 : i32
    %dma_wait3A_535 = arith.constant 0 : i32
    %dma_wait3A_536 = tpu.memref_slice %arg4[%dma_wait3A_529, %dma_wait3A_534, %dma_wait3A_535] : memref<50x32x16384xf32, #tpu.memory_space<hbm>> -> memref<1x32x256xf32, #tpu.memory_space<hbm>>
    %dma_wait3A_537 = tpu.memref_squeeze %dma_wait3A_536 : memref<1x32x256xf32, #tpu.memory_space<hbm>> -> memref<32x256xf32, #tpu.memory_space<hbm>>
    tpu.wait_dma2 semaphore(%arg18 : memref<!tpu.dma_semaphore, #tpu.memory_space<semaphore_mem>>) src(%arg14 : memref<32x256xf32, #tpu.memory_space<vmem>>) dst(%dma_wait3A_537 : memref<32x256xf32, #tpu.memory_space<hbm>>)
    return
  }
}

</mosaic_0001>

<sc_bundles>
// kernel: kernel.3.cloned.1.call-start
scs
__scs_entry_jumppad:
0x0: {  	(pc) =	sbr.rel $0x88, $3  }
0x1: {  	(tag) =	ssettag $0x0;
	lr =	simm.s32 $0x1  }
0x2: {  	[smem:$0x3F9F] =	sst lr;
	_ =	strace $0xD0000000  }
0x3: {  	_ = 	snop  }
0x4: {  	_ = 	snop  }
0x5: {  	_ = 	snop  }
0x6: {  	_ = 	snop  }
0x7: {  	_ = 	snop  }
__scs_overlays_trampoline_lowered:
0x8: {  	[smem:$0x3FAE] =	sst s0  }
0x9: {  	[smem:$0x3FAF] =	sst s1  }
0xa: {  	[smem:$0x3FB0] =	sst s2  }
0xb: {  	[smem:$0x3FB1] =	sst s3  }
0xc: {  	[smem:$0x3FB2] =	sst s4  }
0xd: {  	[smem:$0x3FB3] =	sst s5  }
0xe: {  	[smem:$0x3FB4] =	sst s6  }
0xf: {  	[smem:$0x3FB5] =	sst s7  }
0x10: {  	[smem:$0x3FB6] =	sst s8  }
0x11: {  	[smem:$0x3FB7] =	sst s9;
	s0 =	simm.s32 @!p0 $0x0  }
0x12: {  	s1 =	sld [smem:$0x3F9D];
	s0 =	simm.s32 @p0 $0x1  }
0x13: {  	[smem:$0x3FB8] =	sst s0;
	s0 =	simm.s32 @!p1 $0x0  }
0x14: {  	s2 =	sld [smem:$0x3F9C];
	s0 =	simm.s32 @p1 $0x1  }
0x15: {  	[smem:$0x3FB9] =	sst s0;
	s0 =	simm.s32 @!p2 $0x0  }
0x16: {  	s3 =	sld [smem:$0x3FDB];
	s0 =	simm.s32 @p2 $0x1  }
0x17: {  	s4 =	simm.s32 $0x1BF5;
	[smem:$0x3FBB] =	sst s0  }
0x18: {  	s0 =	sld [smem:$0x3F9E];
	_ =	swait.ge [sflag:s4], $0x0  }
0x19: {  	s7 =	sld [smem:$0x3F9F]  }
0x1a: {  	s8 =	sadd.s32 $0xFFFFE003, lr  }
0x1b: {  	s9 =	sadd.s32 $0xFFFFFEF7, lr;
	s5 =	simm.s32 $0xFFFFFFFF;
	p2 =	slt.u32 s8, $0xFFFFF086  }
0x1c: {  	p1 =	slt.u32 s9, $0xF7A;
	s5 =	simm.s32 @!p2 $0x0  }
0x1d: {  	s5 =	simm.s32 @p1 $0x1;
	p0 =	seq.s32 s7, s2  }
0x1e: {  	s7 =	smul.u32 @!p0 $0xF7A, s2;
	p2 =	seq.s32 @!p0 s5, $0x0  }
0x1f: {  	s9 =	smul.u32 $0xF7A, s1;
	s8 =	simm.s32 @!p0 $0x1BF5;
	p2 =	por !p2, p0  }
0x20: {  	[sflag:s8] =	ssyncset.s32 @!p0 $0xFFFFF086;
	s6 =	sadd.s32 @!p0 s3, s7;
	s7 =	simm.s32 @!p0 $0x108  }
0x21: {  	s3 =	sadd.s32 s3, s9;
	s6 =	sadd.s32 @!p0 $0x88, s6;
	s7 =	simm.s32 @p2 $0x1082  }
0x22: {  	[simem:s7], [sflag:s8] =	dma.local @!p0 [hbm:s6], $0xF7A  }
0x23: {  	s9 =	sor.u32 $0xD0000000, s2;
	s6 =	simm.s32 $0x108;
	_ =	swait.ge @!p0 [sflag:s8], $0x0  }
0x24: {  	s3 =	sadd.s32 $0x88, s3;
	s6 =	simm.s32 @!p1 $0x1082;
	[sflag:s4] =	ssyncset.s32 $0xFFFFF086  }
0x25: {  	[simem:s6], [sflag:s4] =	dma.local [hbm:s3], $0xF7A  }
0x26: {  	[smem:$0x3F9F] =	sst s1;
	(tag) =	ssettag s2;
	_ =	strace s9  }
0x27: {  	s1 =	sld [smem:$0x3FAF]  }
0x28: {  	s2 =	sld [smem:$0x3FB0]  }
0x29: {  	s4 =	sld [smem:$0x3FB2]  }
0x2a: {  	p0 =	seq.s32 s5, $0x0;
	s5 =	sld [smem:$0x3FB3]  }
0x2b: {  	s6 =	sld [smem:$0x3FB4]  }
0x2c: {  	s7 =	sld [smem:$0x3FB5]  }
0x2d: {  	s3 =	simm.s32 $0x108;
	s8 =	sld [smem:$0x3FB6]  }
0x2e: {  	s3 =	simm.s32 @!p0 $0x1082;
	s9 =	sld [smem:$0x3FB7]  }
0x2f: {  	lr =	sadd.s32 s0, s3;
	s0 =	sld [smem:$0x3FAE]  }
0x30: {  	s3 =	sld [smem:$0x3FB1]  }
0x31: {  	[smem:$0x3FBA] =	sst s10  }
0x32: {  	s10 =	sld [smem:$0x3FB8];
	_ =	sdelay $0x3  }
0x33: {  	p0 =	seq.s32 s10, $0x1;
	s10 =	sld [smem:$0x3FBA];
	_ =	sdelay $0x3  }
0x34: {  	[smem:$0x3FBA] =	sst s10  }
0x35: {  	s10 =	sld [smem:$0x3FB9];
	_ =	sdelay $0x3  }
0x36: {  	p1 =	seq.s32 s10, $0x1;
	s10 =	sld [smem:$0x3FBA];
	_ =	sdelay $0x3  }
0x37: {  	[smem:$0x3FBA] =	sst s10  }
0x38: {  	s10 =	sld [smem:$0x3FBB]  }
0x39: {  	_ = 	snop;
	(pc) =	sbr.ind lr, $3  }
0x3a: {  	_ = 	snop  }
0x3b: {  	_ = 	snop  }
0x3c: {  	p2 =	seq.s32 s10, $0x1;
	s10 =	sld [smem:$0x3FBA]  }
0x3d: {  	_ =	shalt  }
0x3e: {  	_ =	shalt  }
0x3f: {  	_ =	shalt  }
0x40: {  	_ =	shalt  }
0x41: {  	_ =	shalt  }
0x42: {  	_ =	shalt  }
0x43: {  	_ =	shalt  }
0x44: {  	_ =	shalt  }
0x45: {  	_ =	shalt  }
0x46: {  	_ =	shalt  }
0x47: {  	_ =	shalt  }
0x48: {  	_ =	shalt  }
0x49: {  	_ =	shalt  }
0x4a: {  	_ =	shalt  }
0x4b: {  	_ =	shalt  }
0x4c: {  	_ =	shalt  }
0x4d: {  	_ =	shalt  }
0x4e: {  	_ =	shalt  }
0x4f: {  	_ =	shalt  }
0x50: {  	_ =	shalt  }
0x51: {  	_ =	shalt  }
0x52: {  	_ =	shalt  }
0x53: {  	_ =	shalt  }
0x54: {  	_ =	shalt  }
0x55: {  	_ =	shalt  }
0x56: {  	_ =	shalt  }
0x57: {  	_ =	shalt  }
0x58: {  	_ =	shalt  }
0x59: {  	_ =	shalt  }
0x5a: {  	_ =	shalt  }
0x5b: {  	_ =	shalt  }
0x5c: {  	_ =	shalt  }
0x5d: {  	_ =	shalt  }
0x5e: {  	_ =	shalt  }
0x5f: {  	_ =	shalt  }
0x60: {  	_ =	shalt  }
0x61: {  	_ =	shalt  }
0x62: {  	_ =	shalt  }
0x63: {  	_ =	shalt  }
0x64: {  	_ =	shalt  }
0x65: {  	_ =	shalt  }
0x66: {  	_ =	shalt  }
0x67: {  	_ =	shalt  }
0x68: {  	_ =	shalt  }
0x69: {  	_ =	shalt  }
0x6a: {  	_ =	shalt  }
0x6b: {  	_ =	shalt  }
0x6c: {  	_ =	shalt  }
0x6d: {  	_ =	shalt  }
0x6e: {  	_ =	shalt  }
0x6f: {  	_ =	shalt  }
0x70: {  	_ =	shalt  }
0x71: {  	_ =	shalt  }
0x72: {  	_ =	shalt  }
0x73: {  	_ =	shalt  }
0x74: {  	_ =	shalt  }
0x75: {  	_ =	shalt  }
0x76: {  	_ =	shalt  }
0x77: {  	_ =	shalt  }
0x78: {  	_ =	shalt  }
0x79: {  	_ =	shalt  }
0x7a: {  	_ =	shalt  }
0x7b: {  	_ =	shalt  }
0x7c: {  	_ =	shalt  }
0x7d: {  	_ =	shalt  }
0x7e: {  	_ =	shalt  }
0x7f: {  	_ =	shalt  }
0x80: {  	_ =	shalt  }
0x81: {  	_ =	shalt  }
0x82: {  	_ =	shalt  }
0x83: {  	_ =	shalt  }
0x84: {  	_ =	shalt  }
0x85: {  	_ =	shalt  }
0x86: {  	_ =	shalt  }
0x87: {  	_ =	shalt  }
.Lfunc_end0:
.L_simem_size_0:
called_computation_lowered:
.L_overlay_start_0:
0x88: {  	s2 =	sld [smem:$0x3FD9]  }
0x89: {  	s3 =	sld [smem:$0x3FFE];
	_ =	sdelay $0x1  }
0x8a: {  	s1 =	srdreg.scid  }
0x8b: {  	s0 =	sand.u32 $0x1, s1  }
0x8c: {  	s17 =	sshll.u32 s0, $0xA;
	s2 =	sadd.s32 s3, s2  }
0x8d: {  	s2 =	sadd.s32 s2, s17  }
0x8e: {  	[smem:$0x3FC6] =	sst s2  }
0x8f: {  	_ = 	snop  }
0x90: {  	s2 =	sld [smem:$0x3FC9]  }
0x91: {  	s18 =	sld [smem:$0x3FD0];
	(tm) =	ssettm $0x1  }
0x92: {  	s4 =	sld [smem:$0x3FFB];
	_ =	sdelay $0x3  }
0x93: {  	_ =	strace s4  }
0x94: {  	s4 =	sld [smem:$0x3FFC];
	_ =	sdelay $0x3  }
0x95: {  	_ =	strace s4  }
0x96: {  	s4 =	sld [smem:$0x3FFD];
	_ =	sdelay $0x3  }
0x97: {  	_ =	strace s4  }
0x98: {  	_ =	strace $0x8FFFFFFF  }
0x99: {  	s19 =	sld [smem:$0x3FDB];
	_ =	sdelay $0x1  }
0x9a: {  	s5 =	simm.s32 $_scs_section_size  }
0x9b: {  	s6 =	simm.s32 $_size__tile_overlayer_lowered;
	s7 =	simm.s32 $_tile_overlayer_lowered  }
0x9c: {  	s22 =	simm.s32 $0x1BFF;
	s21 =	sshll.u32 s7, $0x1;
	s4 =	sadd.s32 s5, s19  }
0x9d: {  	s8 =	simm.s32 $0x0;
	s20 =	sshll.u32 s6, $0x1;
	s6 =	sadd.s32 s21, s4  }
0x9e: {  	[timem:s8], [sflag:s22] =	dma.local [hbm:s6], s20  }
0x9f: {  	_ =	swait.ge [sflag:s22], s20  }
0xa0: {  	s5 =	ssub.s32 $0x0, s20;
	[sflag:s22] =	ssyncset.done $0x0  }
0xa1: {  	[sflag:s22] =	ssyncadd.s32 s5;
	_ =	sdelay $0x1  }
0xa2: {  	s23 =	simm.s32 $0x1B8B  }
0xa3: {  	_ =	swait.ge [sflag:s23], $0x1  }
0xa4: {  	[sflag:s23] =	ssyncset.done $0x0  }
0xa5: {  	s25 =	simm.s32 $0x1B8E;
	s24 =	sld [smem:$0x3FFE];
	[sflag:s23] =	ssyncadd.s32 $0xFFFFFFFF  }
0xa6: {  	s26 =	simm.s32 $execute0_lowered;
	[smem:$0x3FD2] =	sst s25  }
0xa7: {  	s6 =	sshll.u32 s26, $0x1;
	_ =	strace $0x80000046;
	[dreg:$0x1] =	wrdreg $0xFFFFFFFF  }
0xa8: {  	s28 =	simm.s32 $_size_execute0_lowered;
	s4 =	sadd.s32 s4, s6;
	[dreg:$0x0] =	wrdreg $0x0  }
0xa9: {  	s6 =	sshll.u32 s28, $0x1;
	[dreg:$0x2] =	wrdreg s4  }
0xaa: {  	[dreg:$0x3] =	wrdreg s6  }
0xab: {  	[dreg:$0x4] =	wrdreg $0xC0  }
0xac: {  	_ =	task [dreg:s8], $0x5FFFF  }
0xad: {  	[dreg:$0x1] =	wrdreg $0xFFFFFFFF  }
0xae: {  	[dreg:$0x0] =	wrdreg $0x60  }
0xaf: {  	[dreg:$0x2] =	wrdreg s2  }
0xb0: {  	[dreg:$0x3] =	wrdreg s24  }
0xb1: {  	[dreg:$0x4] =	wrdreg s18  }
0xb2: {  	[dreg:$0x5] =	wrdreg $0x9  }
0xb3: {  	_ =	task.clear_ibuf [dreg:s8], $0x6FFFF;
	_ =	strace $0x90000046  }
0xb4: {  	s29 =	simm.s32 $0x9;
	_ =	strace $0x80000048  }
0xb5: {  	_ =	swait.ge [sflag:s29], $0x1  }
0xb6: {  	[sflag:s29] =	ssyncadd.s32 $0xFFFFFFFF  }
0xb7: {  	_ =	strace $0x90000048  }
0xb8: {  	_ =	sfence  }
0xb9: {  	s30 =	sld [smem:$0x0];
	_ =	sdelay $0x2  }
0xba: {  	s31 =	sshll.u32 s1, $0xD;
	s1 =	sshrl.u32 s1, $0x2  }
0xbb: {  	s3 =	sand.u32 $0x4000, s31;
	s1 =	sadd.s32 s1, s30  }
0xbc: {  	s0 =	sor.u32 s3, s0;
	s1 =	sshll.u32 s1, $0x11  }
0xbd: {  	s0 =	sor.u32 s1, s0  }
0xbe: {  	s0 =	sadd.s32 $0x8F2B, s0  }
0xbf: {  	[sflag:s0] =	ssyncadd.remote.s32 $0x1  }
0xc0: {  	_ =	sfence.sel $0xFFFF  }
0xc1: {  	[dreg:$0x0] =	wrdreg $0xFFFFFFFF;
	(pc) =	sbr.abs _section_cstart, $3  }
0xc2: {  	[dreg:$0x1] =	wrdreg $0xFFFFFFFF  }
0xc3: {  	_ =	task.clear_ibuf [dreg:s8], $0x2FFFF;
	_ =	strace $0x9FFFFFFF  }
0xc4: {  	(tm) =	ssettm $0x7FFFFFFF  }
0xc5: {  	_ =	shalt  }
tec
execute0_lowered:
.L_overlay_start_1:
0x0: {  	(tag) =	ssettag $0x1  }
0x1: {  	v0 =	vimm.s32 $0x32107654;
	v1 =	vimm.s32 $0x1F1E1D  }
0x2: {  	v2 =	vimm.s32 $0x1001F1E;
	v50 =	vimm.s32 $0x201001F;
	v51 =	vimm.s32 $0x1F1E1D1C  }
0x3: {  	v3 =	vimm.s32 $0x43218765;
	vm0 =	vcmask $0x2F10;
	v53 =	vimm.s32 $0x54329876  }
0x4: {  	v54 =	vimm.s32 $0xB0A0908;
	v4 =	vimm.s32 $0x6543A987;
	vm1 =	vcmask $0x3F30  }
0x5: {  	v5 =	vimm.s32 $0xC0B0A09;
	v6 =	vimm.s32 $0xD0C0B0A;
	v7 =	vimm.s32 $0xE0D0C0B  }
0x6: {  	v55 =	vimm.s32 $0xB80;
	v56 =	vimm.s32 $0x1000;
	v57 =	vimm.s32 $0x1080  }
0x7: {  	v58 =	vimm.s32 $0x1100;
	v61 =	vimm.s32 $0x1180;
	v62 =	vimm.s32 $0x1200  }
0x8: {  	v8 =	vimm.s32 $0x1380;
	v9 =	vimm.s32 $0x1800;
	v10 =	vimm.s32 $0x1880  }
0x9: {  	v11 =	vimm.s32 $0x1900;
	v12 =	vimm.s32 $0x1980;
	v13 =	vimm.s32 $0x1A00  }
0xa: {  	v14 =	vimm.s32 $0x1A80;
	v15 =	vimm.s32 $0x1B00;
	v16 =	vimm.s32 $0x1B80  }
0xb: {  	v17 =	vimm.s32 $0x0;
	v18 =	vimm.s32 $0x80;
	v19 =	vimm.s32 $0x100  }
0xc: {  	v20 =	vimm.s32 $0x180;
	v21 =	vimm.s32 $0x200;
	v22 =	vimm.s32 $0x280  }
0xd: {  	v23 =	vimm.s32 $0x300;
	v24 =	vimm.s32 $0x380;
	v25 =	vimm.s32 $0x800  }
0xe: {  	v26 =	vimm.s32 $0x880;
	v27 =	vimm.s32 $0x900;
	v28 =	vimm.s32 $0x980  }
0xf: {  	v29 =	vimm.s32 $0xA00;
	v30 =	vimm.s32 $0xA80;
	v31 =	vimm.s32 $0xB00  }
0x10: {  	v49 =	vimm.s32 $0x15141312;
	v0 =	vunpack.c.l.s4.s8 v0;
	v32 =	vunpack.c.0.s8.s32 v1  }
0x11: {  	v33 =	vunpack.c.0.s8.s32 v2;
	v34 =	vunpack.c.0.s8.s32 v50;
	v35 =	vunpack.c.0.s8.s32 v51  }
0x12: {  	v52 =	vunpack.c.l.s4.s8 v3;
	v2 =	vunpack.c.l.s4.s8 v53;
	v4 =	vunpack.c.l.s4.s8 v4  }
0x13: {  	v3 =	vunpack.c.0.s8.s32 v54;
	v5 =	vunpack.c.0.s8.s32 v5;
	v0 =	vunpack.c.0.s8.s32 v0  }
0x14: {  	v1 =	vunpack.c.0.s8.s32 v52;
	v2 =	vunpack.c.0.s8.s32 v2;
	v4 =	vunpack.c.0.s8.s32 v4  }
0x15: {  	v6 =	vunpack.c.0.s8.s32 v6;
	v7 =	vunpack.c.0.s8.s32 v7;
	v0 =	vand.u32 $0xF, v0  }
0x16: {  	v1 =	vand.u32 $0xF, v1;
	v2 =	vand.u32 $0xF, v2;
	v4 =	vand.u32 $0xF, v4  }
0x17: {  	v0 =	vsel vm0, v0, v35;
	v1 =	vsel vm0, v1, v32;
	v2 =	vsel vm0, v2, v33  }
0x18: {  	v4 =	vsel vm0, v4, v34;
	vm0 =	vcmask $0x300;
	v59 =	vsel vm1, v3, v0  }
0x19: {  	v60 =	vsel vm1, v5, v1;
	v37 =	vsel vm1, v6, v2;
	v38 =	vsel vm1, v7, v4  }
0x1a: {  	v0 =	vsel vm0, $0x0, v55;
	v1 =	vsel vm0, $0x80, v56;
	v2 =	vsel vm0, $0x100, v57  }
0x1b: {  	v3 =	vsel vm0, $0x180, v58;
	v4 =	vsel vm0, $0x200, v61;
	v5 =	vsel vm0, $0x280, v62  }
0x1c: {  	v6 =	vimm.s32 $0x1280;
	v7 =	vimm.s32 $0x1300;
	v8 =	vsel vm0, $0x800, v8  }
0x1d: {  	v9 =	vsel vm0, $0x880, v9;
	v10 =	vsel vm0, $0x900, v10;
	v11 =	vsel vm0, $0x980, v11  }
0x1e: {  	v12 =	vsel vm0, $0xA00, v12;
	v13 =	vsel vm0, $0xA80, v13;
	v14 =	vsel vm0, $0xB00, v14  }
0x1f: {  	v15 =	vsel vm0, $0xB80, v15;
	v16 =	vsel vm0, $0x1000, v16;
	v17 =	vsel vm0, $0x1080, v17  }
0x20: {  	v18 =	vsel vm0, $0x1100, v18;
	v19 =	vsel vm0, $0x1180, v19;
	v20 =	vsel vm0, $0x1200, v20  }
0x21: {  	v21 =	vsel vm0, $0x1280, v21;
	v22 =	vsel vm0, $0x1300, v22;
	v23 =	vsel vm0, $0x1380, v23  }
0x22: {  	v24 =	vsel vm0, $0x1800, v24;
	v25 =	vsel vm0, $0x1880, v25;
	v26 =	vsel vm0, $0x1900, v26  }
0x23: {  	v27 =	vsel vm0, $0x1980, v27;
	v28 =	vsel vm0, $0x1A00, v28;
	v29 =	vsel vm0, $0x1A80, v29  }
0x24: {  	v30 =	vsel vm0, $0x1B00, v30;
	v31 =	vsel vm0, $0x1B80, v31;
	v61 =	vimm.s32 $0x14131211  }
0x25: {  	v6 =	vsel vm0, $0x300, v6;
	v7 =	vsel vm0, $0x380, v7;
	vm0 =	vcmask $0x704  }
0x26: {  	v0 =	vsel vm0, $0x80, v0;
	v1 =	vsel vm0, $0x100, v1;
	v2 =	vsel vm0, $0x180, v2  }
0x27: {  	v3 =	vsel vm0, $0x200, v3;
	v4 =	vsel vm0, $0x280, v4;
	v5 =	vsel vm0, $0x300, v5  }
0x28: {  	v6 =	vsel vm0, $0x380, v6;
	v7 =	vsel vm0, $0x800, v7;
	v8 =	vsel vm0, $0x880, v8  }
0x29: {  	v9 =	vsel vm0, $0x900, v9;
	v10 =	vsel vm0, $0x980, v10;
	v11 =	vsel vm0, $0xA00, v11  }
0x2a: {  	v12 =	vsel vm0, $0xA80, v12;
	v13 =	vsel vm0, $0xB00, v13;
	v14 =	vsel vm0, $0xB80, v14  }
0x2b: {  	v15 =	vsel vm0, $0x1000, v15;
	v16 =	vsel vm0, $0x1080, v16;
	v17 =	vsel vm0, $0x1100, v17  }
0x2c: {  	v18 =	vsel vm0, $0x1180, v18;
	v19 =	vsel vm0, $0x1200, v19;
	v20 =	vsel vm0, $0x1280, v20  }
0x2d: {  	v21 =	vsel vm0, $0x1300, v21;
	v22 =	vsel vm0, $0x1380, v22;
	v23 =	vsel vm0, $0x1800, v23  }
0x2e: {  	v24 =	vsel vm0, $0x1880, v24;
	v25 =	vsel vm0, $0x1900, v25;
	v26 =	vsel vm0, $0x1980, v26  }
0x2f: {  	v27 =	vsel vm0, $0x1A00, v27;
	v28 =	vsel vm0, $0x1A80, v28;
	v29 =	vsel vm0, $0x1B00, v29  }
0x30: {  	v30 =	vsel vm0, $0x1B80, v30;
	v31 =	vsel vm0, $0x0, v31;
	vm0 =	vcmask $0xB08  }
0x31: {  	v0 =	vsel vm0, $0x100, v0;
	v1 =	vsel vm0, $0x180, v1;
	v2 =	vsel vm0, $0x200, v2  }
0x32: {  	v3 =	vsel vm0, $0x280, v3;
	v4 =	vsel vm0, $0x300, v4;
	v5 =	vsel vm0, $0x380, v5  }
0x33: {  	v6 =	vsel vm0, $0x800, v6;
	v7 =	vsel vm0, $0x880, v7;
	v8 =	vsel vm0, $0x900, v8  }
0x34: {  	v9 =	vsel vm0, $0x980, v9;
	v10 =	vsel vm0, $0xA00, v10;
	v11 =	vsel vm0, $0xA80, v11  }
0x35: {  	v12 =	vsel vm0, $0xB00, v12;
	v13 =	vsel vm0, $0xB80, v13;
	v14 =	vsel vm0, $0x1000, v14  }
0x36: {  	v15 =	vsel vm0, $0x1080, v15;
	v16 =	vsel vm0, $0x1100, v16;
	v17 =	vsel vm0, $0x1180, v17  }
0x37: {  	v18 =	vsel vm0, $0x1200, v18;
	v19 =	vsel vm0, $0x1280, v19;
	v20 =	vsel vm0, $0x1300, v20  }
0x38: {  	v21 =	vsel vm0, $0x1380, v21;
	v22 =	vsel vm0, $0x1800, v22;
	v23 =	vsel vm0, $0x1880, v23  }
0x39: {  	v24 =	vsel vm0, $0x1900, v24;
	v25 =	vsel vm0, $0x1980, v25;
	v26 =	vsel vm0, $0x1A00, v26  }
0x3a: {  	v27 =	vsel vm0, $0x1A80, v27;
	v28 =	vsel vm0, $0x1B00, v28;
	v29 =	vsel vm0, $0x1B80, v29  }
0x3b: {  	v30 =	vsel vm0, $0x0, v30;
	v31 =	vsel vm0, $0x80, v31;
	vm0 =	vcmask $0xF0C  }
0x3c: {  	v0 =	vsel vm0, $0x180, v0;
	v1 =	vsel vm0, $0x200, v1;
	v2 =	vsel vm0, $0x280, v2  }
0x3d: {  	v3 =	vsel vm0, $0x300, v3;
	v4 =	vsel vm0, $0x380, v4;
	v5 =	vsel vm0, $0x800, v5  }
0x3e: {  	v6 =	vsel vm0, $0x880, v6;
	v7 =	vsel vm0, $0x900, v7;
	v8 =	vsel vm0, $0x980, v8  }
0x3f: {  	v9 =	vsel vm0, $0xA00, v9;
	v10 =	vsel vm0, $0xA80, v10;
	v11 =	vsel vm0, $0xB00, v11  }
0x40: {  	v12 =	vsel vm0, $0xB80, v12;
	v13 =	vsel vm0, $0x1000, v13;
	v14 =	vsel vm0, $0x1080, v14  }
0x41: {  	v15 =	vsel vm0, $0x1100, v15;
	v16 =	vsel vm0, $0x1180, v16;
	v17 =	vsel vm0, $0x1200, v17  }
0x42: {  	v18 =	vsel vm0, $0x1280, v18;
	v19 =	vsel vm0, $0x1300, v19;
	v20 =	vsel vm0, $0x1380, v20  }
0x43: {  	v21 =	vsel vm0, $0x1800, v21;
	v22 =	vsel vm0, $0x1880, v22;
	v23 =	vsel vm0, $0x1900, v23  }
0x44: {  	v24 =	vsel vm0, $0x1980, v24;
	v25 =	vsel vm0, $0x1A00, v25;
	v26 =	vsel vm0, $0x1A80, v26  }
0x45: {  	v27 =	vsel vm0, $0x1B00, v27;
	v28 =	vsel vm0, $0x1B80, v28;
	v29 =	vsel vm0, $0x0, v29  }
0x46: {  	v30 =	vsel vm0, $0x80, v30;
	v31 =	vsel vm0, $0x100, v31;
	vm0 =	vcmask $0x1310  }
0x47: {  	v0 =	vsel vm0, $0x200, v0;
	v1 =	vsel vm0, $0x280, v1;
	v2 =	vsel vm0, $0x300, v2  }
0x48: {  	v3 =	vsel vm0, $0x380, v3;
	v4 =	vsel vm0, $0x800, v4;
	v5 =	vsel vm0, $0x880, v5  }
0x49: {  	v6 =	vsel vm0, $0x900, v6;
	v7 =	vsel vm0, $0x980, v7;
	v8 =	vsel vm0, $0xA00, v8  }
0x4a: {  	v9 =	vsel vm0, $0xA80, v9;
	v10 =	vsel vm0, $0xB00, v10;
	v11 =	vsel vm0, $0xB80, v11  }
0x4b: {  	v12 =	vsel vm0, $0x1000, v12;
	v13 =	vsel vm0, $0x1080, v13;
	v14 =	vsel vm0, $0x1100, v14  }
0x4c: {  	v15 =	vsel vm0, $0x1180, v15;
	v16 =	vsel vm0, $0x1200, v16;
	v17 =	vsel vm0, $0x1280, v17  }
0x4d: {  	v18 =	vsel vm0, $0x1300, v18;
	v19 =	vsel vm0, $0x1380, v19;
	v20 =	vsel vm0, $0x1800, v20  }
0x4e: {  	v21 =	vsel vm0, $0x1880, v21;
	v22 =	vsel vm0, $0x1900, v22;
	v23 =	vsel vm0, $0x1980, v23  }
0x4f: {  	v24 =	vsel vm0, $0x1A00, v24;
	v25 =	vsel vm0, $0x1A80, v25;
	v26 =	vsel vm0, $0x1B00, v26  }
0x50: {  	v27 =	vsel vm0, $0x1B80, v27;
	v28 =	vsel vm0, $0x0, v28;
	v29 =	vsel vm0, $0x80, v29  }
0x51: {  	v30 =	vsel vm0, $0x100, v30;
	v31 =	vsel vm0, $0x180, v31;
	vm0 =	vcmask $0x1714  }
0x52: {  	v0 =	vsel vm0, $0x280, v0;
	v1 =	vsel vm0, $0x300, v1;
	v2 =	vsel vm0, $0x380, v2  }
0x53: {  	v3 =	vsel vm0, $0x800, v3;
	v4 =	vsel vm0, $0x880, v4;
	v5 =	vsel vm0, $0x900, v5  }
0x54: {  	v6 =	vsel vm0, $0x980, v6;
	v7 =	vsel vm0, $0xA00, v7;
	v8 =	vsel vm0, $0xA80, v8  }
0x55: {  	v9 =	vsel vm0, $0xB00, v9;
	v10 =	vsel vm0, $0xB80, v10;
	v11 =	vsel vm0, $0x1000, v11  }
0x56: {  	v12 =	vsel vm0, $0x1080, v12;
	v13 =	vsel vm0, $0x1100, v13;
	v14 =	vsel vm0, $0x1180, v14  }
0x57: {  	v15 =	vsel vm0, $0x1200, v15;
	v16 =	vsel vm0, $0x1280, v16;
	v17 =	vsel vm0, $0x1300, v17  }
0x58: {  	v18 =	vsel vm0, $0x1380, v18;
	v19 =	vsel vm0, $0x1800, v19;
	v20 =	vsel vm0, $0x1880, v20  }
0x59: {  	v21 =	vsel vm0, $0x1900, v21;
	v22 =	vsel vm0, $0x1980, v22;
	v23 =	vsel vm0, $0x1A00, v23  }
0x5a: {  	v24 =	vsel vm0, $0x1A80, v24;
	v25 =	vsel vm0, $0x1B00, v25;
	v26 =	vsel vm0, $0x1B80, v26  }
0x5b: {  	v27 =	vsel vm0, $0x0, v27;
	v28 =	vsel vm0, $0x80, v28;
	v29 =	vsel vm0, $0x100, v29  }
0x5c: {  	v30 =	vsel vm0, $0x180, v30;
	v31 =	vsel vm0, $0x200, v31;
	vm0 =	vcmask $0x1B18  }
0x5d: {  	v0 =	vsel vm0, $0x300, v0;
	v1 =	vsel vm0, $0x380, v1;
	v2 =	vsel vm0, $0x800, v2  }
0x5e: {  	v3 =	vsel vm0, $0x880, v3;
	v4 =	vsel vm0, $0x900, v4;
	v5 =	vsel vm0, $0x980, v5  }
0x5f: {  	v6 =	vsel vm0, $0xA00, v6;
	v7 =	vsel vm0, $0xA80, v7;
	v8 =	vsel vm0, $0xB00, v8  }
0x60: {  	v9 =	vsel vm0, $0xB80, v9;
	v10 =	vsel vm0, $0x1000, v10;
	v11 =	vsel vm0, $0x1080, v11  }
0x61: {  	v12 =	vsel vm0, $0x1100, v12;
	v13 =	vsel vm0, $0x1180, v13;
	v14 =	vsel vm0, $0x1200, v14  }
0x62: {  	v15 =	vsel vm0, $0x1280, v15;
	v16 =	vsel vm0, $0x1300, v16;
	v17 =	vsel vm0, $0x1380, v17  }
0x63: {  	v18 =	vsel vm0, $0x1800, v18;
	v19 =	vsel vm0, $0x1880, v19;
	v20 =	vsel vm0, $0x1900, v20  }
0x64: {  	v21 =	vsel vm0, $0x1980, v21;
	v22 =	vsel vm0, $0x1A00, v22;
	v23 =	vsel vm0, $0x1A80, v23  }
0x65: {  	v24 =	vsel vm0, $0x1B00, v24;
	v25 =	vsel vm0, $0x1B80, v25;
	v26 =	vsel vm0, $0x0, v26  }
0x66: {  	v27 =	vsel vm0, $0x80, v27;
	v28 =	vsel vm0, $0x100, v28;
	v29 =	vsel vm0, $0x180, v29  }
0x67: {  	v30 =	vsel vm0, $0x200, v30;
	v31 =	vsel vm0, $0x280, v31;
	vm0 =	vcmask $0x1F1C  }
0x68: {  	v0 =	vsel vm0, $0x380, v0;
	v1 =	vsel vm0, $0x800, v1;
	v2 =	vsel vm0, $0x880, v2  }
0x69: {  	v3 =	vsel vm0, $0x900, v3;
	v4 =	vsel vm0, $0x980, v4;
	v5 =	vsel vm0, $0xA00, v5  }
0x6a: {  	v6 =	vsel vm0, $0xA80, v6;
	v7 =	vsel vm0, $0xB00, v7;
	v8 =	vsel vm0, $0xB80, v8  }
0x6b: {  	v9 =	vsel vm0, $0x1000, v9;
	v10 =	vsel vm0, $0x1080, v10;
	v11 =	vsel vm0, $0x1100, v11  }
0x6c: {  	v12 =	vsel vm0, $0x1180, v12;
	v13 =	vsel vm0, $0x1200, v13;
	v14 =	vsel vm0, $0x1280, v14  }
0x6d: {  	v15 =	vsel vm0, $0x1300, v15;
	v16 =	vsel vm0, $0x1380, v16;
	v17 =	vsel vm0, $0x1800, v17  }
0x6e: {  	v18 =	vsel vm0, $0x1880, v18;
	v19 =	vsel vm0, $0x1900, v19;
	v20 =	vsel vm0, $0x1980, v20  }
0x6f: {  	v21 =	vsel vm0, $0x1A00, v21;
	v22 =	vsel vm0, $0x1A80, v22;
	v23 =	vsel vm0, $0x1B00, v23  }
0x70: {  	v24 =	vsel vm0, $0x1B80, v24;
	v25 =	vsel vm0, $0x0, v25;
	v26 =	vsel vm0, $0x80, v26  }
0x71: {  	v27 =	vsel vm0, $0x100, v27;
	v28 =	vsel vm0, $0x180, v28;
	v29 =	vsel vm0, $0x200, v29  }
0x72: {  	v30 =	vsel vm0, $0x280, v30;
	v31 =	vsel vm0, $0x300, v31;
	vm0 =	vcmask $0x2320  }
0x73: {  	v0 =	vsel vm0, $0x800, v0;
	v1 =	vsel vm0, $0x880, v1;
	v2 =	vsel vm0, $0x900, v2  }
0x74: {  	v3 =	vsel vm0, $0x980, v3;
	v4 =	vsel vm0, $0xA00, v4;
	v5 =	vsel vm0, $0xA80, v5  }
0x75: {  	v6 =	vsel vm0, $0xB00, v6;
	v7 =	vsel vm0, $0xB80, v7;
	v8 =	vsel vm0, $0x1000, v8  }
0x76: {  	v9 =	vsel vm0, $0x1080, v9;
	v10 =	vsel vm0, $0x1100, v10;
	v11 =	vsel vm0, $0x1180, v11  }
0x77: {  	v12 =	vsel vm0, $0x1200, v12;
	v13 =	vsel vm0, $0x1280, v13;
	v14 =	vsel vm0, $0x1300, v14  }
0x78: {  	v15 =	vsel vm0, $0x1380, v15;
	v16 =	vsel vm0, $0x1800, v16;
	v17 =	vsel vm0, $0x1880, v17  }
0x79: {  	v18 =	vsel vm0, $0x1900, v18;
	v19 =	vsel vm0, $0x1980, v19;
	v20 =	vsel vm0, $0x1A00, v20  }
0x7a: {  	v21 =	vsel vm0, $0x1A80, v21;
	v22 =	vsel vm0, $0x1B00, v22;
	v23 =	vsel vm0, $0x1B80, v23  }
0x7b: {  	v24 =	vsel vm0, $0x0, v24;
	v25 =	vsel vm0, $0x80, v25;
	v26 =	vsel vm0, $0x100, v26  }
0x7c: {  	v27 =	vsel vm0, $0x180, v27;
	v28 =	vsel vm0, $0x200, v28;
	v29 =	vsel vm0, $0x280, v29  }
0x7d: {  	v30 =	vsel vm0, $0x300, v30;
	v31 =	vsel vm0, $0x380, v31;
	vm0 =	vcmask $0x2724  }
0x7e: {  	v0 =	vsel vm0, $0x880, v0;
	v1 =	vsel vm0, $0x900, v1;
	v2 =	vsel vm0, $0x980, v2  }
0x7f: {  	v3 =	vsel vm0, $0xA00, v3;
	v4 =	vsel vm0, $0xA80, v4;
	v5 =	vsel vm0, $0xB00, v5  }
0x80: {  	v6 =	vsel vm0, $0xB80, v6;
	v7 =	vsel vm0, $0x1000, v7;
	v8 =	vsel vm0, $0x1080, v8  }
0x81: {  	v9 =	vsel vm0, $0x1100, v9;
	v10 =	vsel vm0, $0x1180, v10;
	v11 =	vsel vm0, $0x1200, v11  }
0x82: {  	v12 =	vsel vm0, $0x1280, v12;
	v13 =	vsel vm0, $0x1300, v13;
	v14 =	vsel vm0, $0x1380, v14  }
0x83: {  	v15 =	vsel vm0, $0x1800, v15;
	v16 =	vsel vm0, $0x1880, v16;
	v17 =	vsel vm0, $0x1900, v17  }
0x84: {  	v18 =	vsel vm0, $0x1980, v18;
	v19 =	vsel vm0, $0x1A00, v19;
	v20 =	vsel vm0, $0x1A80, v20  }
0x85: {  	v21 =	vsel vm0, $0x1B00, v21;
	v22 =	vsel vm0, $0x1B80, v22;
	v23 =	vsel vm0, $0x0, v23  }
0x86: {  	v24 =	vsel vm0, $0x80, v24;
	v25 =	vsel vm0, $0x100, v25;
	v26 =	vsel vm0, $0x180, v26  }
0x87: {  	v27 =	vsel vm0, $0x200, v27;
	v28 =	vsel vm0, $0x280, v28;
	v29 =	vsel vm0, $0x300, v29  }
0x88: {  	v30 =	vsel vm0, $0x380, v30;
	v31 =	vsel vm0, $0x800, v31;
	vm0 =	vcmask $0x2B28  }
0x89: {  	v0 =	vsel vm0, $0x900, v0;
	v1 =	vsel vm0, $0x980, v1;
	v2 =	vsel vm0, $0xA00, v2  }
0x8a: {  	v3 =	vsel vm0, $0xA80, v3;
	v4 =	vsel vm0, $0xB00, v4;
	v5 =	vsel vm0, $0xB80, v5  }
0x8b: {  	v6 =	vsel vm0, $0x1000, v6;
	v7 =	vsel vm0, $0x1080, v7;
	v8 =	vsel vm0, $0x1100, v8  }
0x8c: {  	v9 =	vsel vm0, $0x1180, v9;
	v10 =	vsel vm0, $0x1200, v10;
	v11 =	vsel vm0, $0x1280, v11  }
0x8d: {  	v12 =	vsel vm0, $0x1300, v12;
	v13 =	vsel vm0, $0x1380, v13;
	v14 =	vsel vm0, $0x1800, v14  }
0x8e: {  	v15 =	vsel vm0, $0x1880, v15;
	v16 =	vsel vm0, $0x1900, v16;
	v17 =	vsel vm0, $0x1980, v17  }
0x8f: {  	v18 =	vsel vm0, $0x1A00, v18;
	v19 =	vsel vm0, $0x1A80, v19;
	v20 =	vsel vm0, $0x1B00, v20  }
0x90: {  	v21 =	vsel vm0, $0x1B80, v21;
	v22 =	vsel vm0, $0x0, v22;
	v23 =	vsel vm0, $0x80, v23  }
0x91: {  	v24 =	vsel vm0, $0x100, v24;
	v25 =	vsel vm0, $0x180, v25;
	v26 =	vsel vm0, $0x200, v26  }
0x92: {  	v27 =	vsel vm0, $0x280, v27;
	v28 =	vsel vm0, $0x300, v28;
	v29 =	vsel vm0, $0x380, v29  }
0x93: {  	v30 =	vsel vm0, $0x800, v30;
	v31 =	vsel vm0, $0x880, v31;
	vm0 =	vcmask $0x2F2C  }
0x94: {  	v0 =	vsel vm0, $0x980, v0;
	v1 =	vsel vm0, $0xA00, v1;
	v2 =	vsel vm0, $0xA80, v2  }
0x95: {  	v3 =	vsel vm0, $0xB00, v3;
	v4 =	vsel vm0, $0xB80, v4;
	v5 =	vsel vm0, $0x1000, v5  }
0x96: {  	v6 =	vsel vm0, $0x1080, v6;
	v7 =	vsel vm0, $0x1100, v7;
	v8 =	vsel vm0, $0x1180, v8  }
0x97: {  	v9 =	vsel vm0, $0x1200, v9;
	v10 =	vsel vm0, $0x1280, v10;
	v11 =	vsel vm0, $0x1300, v11  }
0x98: {  	v12 =	vsel vm0, $0x1380, v12;
	v13 =	vsel vm0, $0x1800, v13;
	v14 =	vsel vm0, $0x1880, v14  }
0x99: {  	v15 =	vsel vm0, $0x1900, v15;
	v16 =	vsel vm0, $0x1980, v16;
	v17 =	vsel vm0, $0x1A00, v17  }
0x9a: {  	v18 =	vsel vm0, $0x1A80, v18;
	v19 =	vsel vm0, $0x1B00, v19;
	v20 =	vsel vm0, $0x1B80, v20  }
0x9b: {  	v21 =	vsel vm0, $0x0, v21;
	v22 =	vsel vm0, $0x80, v22;
	v23 =	vsel vm0, $0x100, v23  }
0x9c: {  	v24 =	vsel vm0, $0x180, v24;
	v25 =	vsel vm0, $0x200, v25;
	v26 =	vsel vm0, $0x280, v26  }
0x9d: {  	v27 =	vsel vm0, $0x300, v27;
	v28 =	vsel vm0, $0x380, v28;
	v29 =	vsel vm0, $0x800, v29  }
0x9e: {  	v30 =	vsel vm0, $0x880, v30;
	v31 =	vsel vm0, $0x900, v31;
	vm0 =	vcmask $0x3330  }
0x9f: {  	v0 =	vsel vm0, $0xA00, v0;
	v1 =	vsel vm0, $0xA80, v1;
	v2 =	vsel vm0, $0xB00, v2  }
0xa0: {  	v3 =	vsel vm0, $0xB80, v3;
	v4 =	vsel vm0, $0x1000, v4;
	v5 =	vsel vm0, $0x1080, v5  }
0xa1: {  	v6 =	vsel vm0, $0x1100, v6;
	v7 =	vsel vm0, $0x1180, v7;
	v8 =	vsel vm0, $0x1200, v8  }
0xa2: {  	v9 =	vsel vm0, $0x1280, v9;
	v10 =	vsel vm0, $0x1300, v10;
	v11 =	vsel vm0, $0x1380, v11  }
0xa3: {  	v12 =	vsel vm0, $0x1800, v12;
	v13 =	vsel vm0, $0x1880, v13;
	v14 =	vsel vm0, $0x1900, v14  }
0xa4: {  	v15 =	vsel vm0, $0x1980, v15;
	v16 =	vsel vm0, $0x1A00, v16;
	v17 =	vsel vm0, $0x1A80, v17  }
0xa5: {  	v18 =	vsel vm0, $0x1B00, v18;
	v19 =	vsel vm0, $0x1B80, v19;
	v20 =	vsel vm0, $0x0, v20  }
0xa6: {  	v21 =	vsel vm0, $0x80, v21;
	v22 =	vsel vm0, $0x100, v22;
	v23 =	vsel vm0, $0x180, v23  }
0xa7: {  	v24 =	vsel vm0, $0x200, v24;
	v25 =	vsel vm0, $0x280, v25;
	v26 =	vsel vm0, $0x300, v26  }
0xa8: {  	v27 =	vsel vm0, $0x380, v27;
	v28 =	vsel vm0, $0x800, v28;
	v29 =	vsel vm0, $0x880, v29  }
0xa9: {  	v30 =	vsel vm0, $0x900, v30;
	v31 =	vsel vm0, $0x980, v31;
	vm0 =	vcmask $0x3734  }
0xaa: {  	v0 =	vsel vm0, $0xA80, v0;
	v1 =	vsel vm0, $0xB00, v1;
	v2 =	vsel vm0, $0xB80, v2  }
0xab: {  	v3 =	vsel vm0, $0x1000, v3;
	v4 =	vsel vm0, $0x1080, v4;
	v5 =	vsel vm0, $0x1100, v5  }
0xac: {  	v6 =	vsel vm0, $0x1180, v6;
	v7 =	vsel vm0, $0x1200, v7;
	v8 =	vsel vm0, $0x1280, v8  }
0xad: {  	v9 =	vsel vm0, $0x1300, v9;
	v10 =	vsel vm0, $0x1380, v10;
	v11 =	vsel vm0, $0x1800, v11  }
0xae: {  	v12 =	vsel vm0, $0x1880, v12;
	v13 =	vsel vm0, $0x1900, v13;
	v14 =	vsel vm0, $0x1980, v14  }
0xaf: {  	v15 =	vsel vm0, $0x1A00, v15;
	v16 =	vsel vm0, $0x1A80, v16;
	v17 =	vsel vm0, $0x1B00, v17  }
0xb0: {  	v18 =	vsel vm0, $0x1B80, v18;
	v19 =	vsel vm0, $0x0, v19;
	v20 =	vsel vm0, $0x80, v20  }
0xb1: {  	v21 =	vsel vm0, $0x100, v21;
	v22 =	vsel vm0, $0x180, v22;
	v23 =	vsel vm0, $0x200, v23  }
0xb2: {  	v24 =	vsel vm0, $0x280, v24;
	v25 =	vsel vm0, $0x300, v25;
	v26 =	vsel vm0, $0x380, v26  }
0xb3: {  	v27 =	vsel vm0, $0x800, v27;
	v28 =	vsel vm0, $0x880, v28;
	v29 =	vsel vm0, $0x900, v29  }
0xb4: {  	v30 =	vsel vm0, $0x980, v30;
	v31 =	vsel vm0, $0xA00, v31;
	vm0 =	vcmask $0x3B38  }
0xb5: {  	v62 =	vimm.s32 $0x18171615;
	v39 =	vsel vm0, $0xB00, v0;
	v58 =	vsel vm0, $0xB80, v1  }
0xb6: {  	v63 =	vsel vm0, $0x1000, v2;
	v2 =	vsel vm0, $0x1080, v3;
	v44 =	vsel vm0, $0x1100, v4  }
0xb7: {  	v45 =	vsel vm0, $0x1180, v5;
	v54 =	vsel vm0, $0x1200, v6;
	v57 =	vsel vm0, $0x1280, v7  }
0xb8: {  	v52 =	vsel vm0, $0x1300, v8;
	v48 =	vsel vm0, $0x1380, v9;
	v50 =	vsel vm0, $0x1800, v10  }
0xb9: {  	v46 =	vsel vm0, $0x1880, v11;
	v47 =	vsel vm0, $0x1900, v12;
	v53 =	vsel vm0, $0x1980, v13  }
0xba: {  	v56 =	vsel vm0, $0x1A00, v14;
	v55 =	vsel vm0, $0x1A80, v15;
	v9 =	vsel vm0, $0x1B00, v16  }
0xbb: {  	v0 =	vunpack.c.0.s8.s32 v61;
	v5 =	vsel vm0, $0x1B80, v17;
	v6 =	vsel vm0, $0x0, v18  }
0xbc: {  	v7 =	vsel vm0, $0x80, v19;
	v8 =	vsel vm0, $0x100, v20;
	v10 =	vsel vm0, $0x180, v21  }
0xbd: {  	v11 =	vsel vm0, $0x200, v22;
	v22 =	vsel vm0, $0x280, v23;
	v21 =	vsel vm0, $0x300, v24  }
0xbe: {  	v18 =	vsel vm0, $0x380, v25;
	v15 =	vsel vm0, $0x800, v26;
	v14 =	vsel vm0, $0x880, v27  }
0xbf: {  	v12 =	vsel vm0, $0x980, v29;
	v13 =	vsel vm0, $0xA00, v30;
	v4 =	vimm.s32 $0x1A191817  }
0xc0: {  	[tilespmem:$0x1FC40] =	vst v35;
	v1 =	vunpack.c.0.s8.s32 v49;
	v49 =	vunpack.c.0.s8.s32 v4;
	v16 =	vmovc v63;
	v63 =	vunpack.c.0.s8.s32 v62  }
0xc1: {  	[tilespmem:$0x1FC60] =	vst v32;
	v19 =	vsel vm0, $0xA80, v31;
	v23 =	vmovc v11;
	v11 =	vsel vm0, $0x900, v28;
	vm0 =	vcmask $0x1F10  }
0xc2: {  	v51 =	vimm.s32 $0x19181716;
	v30 =	vmovc v55;
	v55 =	vimm.s32 $0x1C1B1A19;
	[tilespmem:$0x1FC10] =	vst v49;
	v0 =	vsel vm0, v63, v0  }
0xc3: {  	v17 =	vmov v2;
	v2 =	vunpack.c.0.s8.s32 v51;
	[tilespmem:$0x1FBC0] =	vst v0;
	v0 =	vunpack.c.0.s8.s32 v55  }
0xc4: {  	v62 =	vimm.s32 $0x1D1C1B1A;
	v51 =	vimm.s32 $0x3020100;
	[tilespmem:$0x1FBB0] =	vst v63  }
0xc5: {  	v61 =	vsel vm0, v2, v1;
	v63 =	vimm.s32 $0x16151413;
	[tilespmem:$0x1FBD0] =	vst v0;
	v0 =	vunpack.c.0.s8.s32 v62  }
0xc6: {  	v1 =	vunpack.c.0.s8.s32 v51;
	[tilespmem:$0x1FBF0] =	vst v61;
	v55 =	vimm.s32 $0x17161514;
	v61 =	vimm.s32 $0x1B1A1918  }
0xc7: {  	s0 =	srdreg.scid;
	s1 =	stileid.u32;
	v27 =	vmovc v8;
	v8 =	vunpack.c.0.s8.s32 v61;
	v62 =	vimm.s32 $0x4030201;
	[tilespmem:$0x1FC00] =	vst v0;
	v0 =	vunpack.c.0.s8.s32 v63  }
0xc8: {  	s0 =	sand.u32 $0x1, s0;
	s1 =	sshll.u32 s1, $0x1;
	[tilespmem:$0x1FBE0] =	vst v2;
	v2 =	vunpack.c.0.s8.s32 v55;
	v3 =	vunpack.c.0.s8.s32 v62  }
0xc9: {  	s3 =	sor.u32 s0, s1;
	v4 =	vsel vm0, v1, v35;
	[tilespmem:$0x1FC50] =	vst v8;
	v63 =	vimm.s32 $0x1E1D1C1B;
	v0 =	vsel vm0, v49, v0  }
0xca: {  	s2 =	rddreg [dreg:$0x0];
	s1 =	smul.u32 $0x64, s3;
	v61 =	vimm.s32 $0x87654321;
	v49 =	vsel vm0, v3, v32;
	[tilespmem:$0x1FC20] =	vst v0;
	v0 =	vunpack.c.0.s8.s32 v63  }
0xcb: {  	s5 =	rddreg [dreg:$0x1];
	s31 =	simm.s32 $0x0;
	v35 =	vmovc v5;
	v55 =	vimm.s32 $0x6050403;
	v5 =	vsel vm0, v8, v2;
	v2 =	vunpack.c.l.s4.s8 v61;
	[tilespmem:$0x1FC70] =	vst v49  }
0xcc: {  	[smem:$0x7FF] =	sst s31;
	s4 =	sshll.u32 s1, $0x8;
	v1 =	vunpack.c.0.s8.s32 v55;
	[tilespmem:$0x1FC30] =	vst v0  }
0xcd: {  	s6 =	sand.u32 $0xE0000, s4;
	s4 =	rddreg [dreg:$0x2];
	v2 =	vunpack.c.0.s8.s32 v2;
	_ =	strace $0x80000047;
	[tilespmem:$0x1FC80] =	vst v33  }
0xce: {  	v62 =	vimm.s32 $0x98765432;
	v1 =	vsel vm0, v1, v34;
	[tilespmem:$0x1FCA0] =	vst v34  }
0xcf: {  	v3 =	vunpack.c.l.s4.s8 v62;
	v62 =	vand.u32 $0xF, v2;
	[tilespmem:$0x1FCB0] =	vst v1  }
0xd0: {  	[tilespmem:$0x1FCD0] =	vst v62  }
0xd1: {  	v36 =	vlaneseq.u32;
	[tilespmem:$0x1FD00] =	vst v37  }
0xd2: {  	v41 =	vadd.s32 $0x2, v36;
	[tilespmem:$0x1FD10] =	vst v38  }
0xd3: {  	v42 =	vadd.s32 $0x3, v36;
	[tilespmem:$0x1FD20] =	vst v41  }
0xd4: {  	[tilespmem:$0x1FD30] =	vst v42  }
0xd5: {  	v43 =	vadd.s32 $0x4, v36;
	[tilespmem:$0x1FD40] =	vst v39  }
0xd6: {  	[tilespmem:$0x1FD50] =	vst v43  }
0xd7: {  	[tilespmem:$0x1FD60] =	vst v44  }
0xd8: {  	[tilespmem:$0x1FD70] =	vst v45  }
0xd9: {  	[tilespmem:$0x1FD80] =	vst v54  }
0xda: {  	[tilespmem:$0x1FD90] =	vst v57  }
0xdb: {  	[tilespmem:$0x1FDA0] =	vst v52  }
0xdc: {  	[tilespmem:$0x1FDB0] =	vst v48  }
0xdd: {  	[tilespmem:$0x1FDC0] =	vst v50  }
0xde: {  	[tilespmem:$0x1FDD0] =	vst v46  }
0xdf: {  	[tilespmem:$0x1FDE0] =	vst v47  }
0xe0: {  	[tilespmem:$0x1FDF0] =	vst v53  }
0xe1: {  	[tilespmem:$0x1FE00] =	vst v56  }
0xe2: {  	[tilespmem:$0x1FE10] =	vst v30  }
0xe3: {  	v40 =	vadd.s32 $0x1, v36;
	[tilespmem:$0x1FE20] =	vst v9  }
0xe4: {  	[tilespmem:$0x1FE30] =	vst v40  }
0xe5: {  	[tilespmem:$0x1FE40] =	vst v35  }
0xe6: {  	[tilespmem:$0x1FE50] =	vst v7  }
0xe7: {  	[tilespmem:$0x1FE60] =	vst v27  }
0xe8: {  	v26 =	vmov v10;
	[tilespmem:$0x1FE70] =	vst v6  }
0xe9: {  	[tilespmem:$0x1FE80] =	vst v26  }
0xea: {  	[tilespmem:$0x1FE90] =	vst v23  }
0xeb: {  	[tilespmem:$0x1FEA0] =	vst v22  }
0xec: {  	[tilespmem:$0x1FEB0] =	vst v21  }
0xed: {  	[tilespmem:$0x1FEC0] =	vst v15  }
0xee: {  	[tilespmem:$0x1FED0] =	vst v14  }
0xef: {  	[tilespmem:$0x1FEE0] =	vst v11  }
0xf0: {  	[tilespmem:$0x1FEF0] =	vst v12  }
0xf1: {  	[tilespmem:$0x1FF00] =	vst v13  }
0xf2: {  	v29 =	vcombine.low v5, v4;
	[tilespmem:$0x1FF10] =	vst v19  }
0xf3: {  	[tilespmem:$0x1FF20] =	vst v18  }
0xf4: {  	v31 =	vadd.s32 $0x6, v36;
	[tilespmem:$0x1FF30] =	vst v29  }
0xf5: {  	v24 =	vadd.s32 $0x8, v36;
	[tilespmem:$0x1FF40] =	vst v31  }
0xf6: {  	v25 =	vadd.s32 $0x9, v36;
	[tilespmem:$0x1FF60] =	vst v24  }
0xf7: {  	v28 =	vadd.s32 $0xA, v36;
	[tilespmem:$0x1FF70] =	vst v25  }
0xf8: {  	s12 =	simm.s32 $0x80;
	v8 =	vadd.s32 $0xB, v36;
	[tilespmem:$0x1FF80] =	vst v28  }
0xf9: {  	s13 =	simm.s32 $0x400;
	s14 =	simm.s32 $0x5;
	s15 =	simm.s32 $0x100;
	v10 =	vadd.s32 $0xC, v36;
	v49 =	vimm.s32 $0x76543210;
	[tilespmem:$0x1FF90] =	vst v8  }
0xfa: {  	s16 =	simm.s32 $0x200;
	s17 =	simm.s32 $0x600;
	s18 =	simm.s32 $0x6;
	v51 =	vimm.s32 $0x5040302;
	v5 =	vunpack.c.l.s4.s8 v49;
	v49 =	vadd.s32 $0xD, v36;
	[tilespmem:$0x1FFA0] =	vst v10  }
0xfb: {  	s19 =	simm.s32 $0x300;
	s20 =	simm.s32 $0x8600;
	s3 =	smul.u32 $0x12000, s3;
	v20 =	vadd.s32 $0x5, v36;
	v0 =	vunpack.c.0.s8.s32 v51;
	[tilespmem:$0x1FFB0] =	vst v49  }
0xfc: {  	s21 =	simm.s32 $0x1;
	s22 =	simm.s32 $0x10600;
	s23 =	simm.s32 $0x800;
	v63 =	vimm.s32 $0xA9876543;
	[tilespmem:$0x1FFE0] =	vst v20  }
0xfd: {  	s24 =	simm.s32 $0x20000;
	s3 =	sand.u32 $0x1E000, s3;
	s7 =	sshll.u32 s1, $0x1;
	v4 =	vunpack.c.l.s4.s8 v63;
	v61 =	vunpack.c.0.s8.s32 v5;
	[tilespmem:$0x1FFF0] =	vst v58;
	v0 =	vsel vm0, v0, v33  }
0xfe: {  	s25 =	simm.s32 $0x2;
	s26 =	sand.u32 $0x380, s7;
	s3 =	sor.u32 s3, s6;
	v51 =	vunpack.c.0.s8.s32 v3;
	[tilespmem:$0x1FC90] =	vst v0  }
0xff: {  	s28 =	simm.s32 $0x3;
	s29 =	simm.s32 $0x4;
	s3 =	sor.u32 s26, s3;
	v55 =	vunpack.c.0.s8.s32 v4;
	v33 =	vadd.s32 $0x7, v36;
	[tilespmem:$0x1FCC0] =	vst v61  }
.Ltmp0:
0x100: {  	s0 =	ssub.s32 $0x2, s0;
	s3 =	sshrl.u32 s3, $0x3;
	v0 =	vand.u32 $0xF, v51;
	[tilespmem:$0x1FF50] =	vst v33;
	(pc) =	sbr.rel .LBB2_1-.Ltmp0, $4  }
0x101: {  	s30 =	simm.s32 $0x0;
	s8 =	sshrl.u32 s0, $0x1;
	s6 =	sadd.s32 s2, s3;
	v63 =	vand.u32 $0xF, v55;
	[tilespmem:$0x1FCE0] =	vst v0  }
0x102: {  	s0 =	ssub.s32 s0, s8;
	s9 =	sor.u32 $0x2, s1;
	s3 =	sadd.s32 $0x100, s6;
	v51 =	vadd.s32 $0xE, v36;
	[tilespmem:$0x1FCF0] =	vst v63  }
0x103: {  	s10 =	sor.u32 $0x3, s1;
	s0 =	smax.u32 s0, $0x1;
	[dreg:$0x4] =	wrdreg s3;
	v55 =	vadd.s32 $0xF, v36;
	[tilespmem:$0x1FFC0] =	vst v51  }
0x104: {  	s7 =	sadd.s32 $0xF42800, s5;
	s26 =	simm.s32 $0x12600;
	v32 =	vmov v7;
	[dreg:$0x5] =	wrdreg s0;
	v34 =	vmov v6;
	[tilespmem:$0x1FFD0] =	vst v55  }
.LBB2_10:
0x105: {  	_ =	swait.ge [sflag:s28], $0x2000  }
0x106: {  	[sflag:s28] =	ssyncset.done $0x0  }
0x107: {  	[sflag:s28] =	ssyncadd.s32 $0xFFFFE000  }
0x108: {  	_ =	swait.ge [sflag:s29], $0x2000  }
0x109: {  	v37 =	vld [tilespmem:$0x1FD00]  }
0x10a: {  	v38 =	vld [tilespmem:$0x1FD10]  }
0x10b: {  	v44 =	vld [tilespmem:$0x1FD60]  }
0x10c: {  	s30 =	sadd.s32 $0x1, s30;
	s0 =	rddreg [dreg:$0x5];
	v45 =	vld [tilespmem:$0x1FD70]  }
0x10d: {  	v9 =	vld [tilespmem:$0x1FE20];
	p0 =	sne.s32 s30, s0  }
.Ltmp1:
0x10e: {  	v8 =	vld [tilespmem:$0x1FF90];
	(pc) =	sbr.rel @!p0 .LBB2_11-.Ltmp1, $4  }
0x10f: {  	v10 =	vld [tilespmem:$0x1FFA0]  }
0x110: {  	v49 =	vld [tilespmem:$0x1FFB0]  }
0x111: {  	[sflag:s29] =	ssyncset.done $0x0;
	v51 =	vld [tilespmem:$0x1FFC0]  }
0x112: {  	v55 =	vld [tilespmem:$0x1FFD0];
	[sflag:s29] =	ssyncadd.s32 $0xFFFFE000  }
.LBB2_1:
0x113: {  	s0 =	simm.s32 $0x0  }
0x114: {  	[tilespmem:s0], [sflag:$0x5] =	stream.strided.gather [hbm4b:s6+s12], $0x100, s13, s12, $0x38;
	[tilespmem:$0x14600] =	vst v63  }
0x115: {  	_ =	swait.ge [sflag:s14], $0x100  }
0x116: {  	[sflag:s14] =	ssyncset.done $0x0  }
0x117: {  	[sflag:s14] =	ssyncadd.s32 $0xFFFFFF00  }
0x118: {  	v0 =	vld [tilespmem:$0x0]  }
0x119: {  	v1 =	vld [tilespmem:$0x10]  }
0x11a: {  	v2 =	vld [tilespmem:$0x20];
	_ =	sdelay $0x2  }
0x11b: {  	v3 =	vshrl.u32 v0, $0x2  }
0x11c: {  	v0 =	vshll.u32 v0, $0x5;
	v63 =	vshrl.u32 v1, $0x2;
	v1 =	vshll.u32 v1, $0x5;
	[tilespmem:$0x200] =	vst v3;
	v3 =	vld [tilespmem:$0x30]  }
0x11d: {  	v5 =	vshrl.u32 v2, $0x2;
	v2 =	vshll.u32 v2, $0x5;
	[tilespmem:$0x210] =	vst v63;
	v4 =	vand.u32 $0x60, v1;
	v1 =	vld [tilespmem:$0x40]  }
0x11e: {  	v0 =	vand.u32 $0x60, v0;
	[tilespmem:$0x220] =	vst v5;
	v61 =	vand.u32 $0x60, v2;
	v2 =	vld [tilespmem:$0x50]  }
0x11f: {  	[tilespmem:$0x400] =	vst v0  }
0x120: {  	[tilespmem:$0x410] =	vst v4  }
0x121: {  	[tilespmem:$0x420] =	vst v61;
	v62 =	vshrl.u32 v3, $0x2;
	v3 =	vshll.u32 v3, $0x5  }
0x122: {  	v4 =	vshrl.u32 v1, $0x2;
	v1 =	vshll.u32 v1, $0x5;
	[tilespmem:$0x230] =	vst v62;
	v63 =	vand.u32 $0x60, v3;
	v3 =	vld [tilespmem:$0x60]  }
0x123: {  	v61 =	vshrl.u32 v2, $0x2;
	v2 =	vshll.u32 v2, $0x5;
	[tilespmem:$0x240] =	vst v4;
	v5 =	vand.u32 $0x60, v1;
	v1 =	vld [tilespmem:$0x70]  }
0x124: {  	[tilespmem:$0x250] =	vst v61;
	v62 =	vand.u32 $0x60, v2;
	v2 =	vld [tilespmem:$0x80]  }
0x125: {  	[tilespmem:$0x430] =	vst v63  }
0x126: {  	[tilespmem:$0x440] =	vst v5  }
0x127: {  	[tilespmem:$0x450] =	vst v62;
	v63 =	vshrl.u32 v3, $0x2;
	v3 =	vshll.u32 v3, $0x5  }
0x128: {  	v62 =	vshrl.u32 v1, $0x2;
	v1 =	vshll.u32 v1, $0x5;
	[tilespmem:$0x260] =	vst v63;
	v61 =	vand.u32 $0x60, v3;
	v3 =	vld [tilespmem:$0x90]  }
0x129: {  	v4 =	vshrl.u32 v2, $0x2;
	v2 =	vshll.u32 v2, $0x5;
	[tilespmem:$0x270] =	vst v62;
	v63 =	vand.u32 $0x60, v1;
	v1 =	vld [tilespmem:$0xA0]  }
0x12a: {  	[tilespmem:$0x280] =	vst v4;
	v5 =	vand.u32 $0x60, v2;
	v2 =	vld [tilespmem:$0xB0]  }
0x12b: {  	[tilespmem:$0x460] =	vst v61  }
0x12c: {  	[tilespmem:$0x470] =	vst v63  }
0x12d: {  	[tilespmem:$0x480] =	vst v5;
	v61 =	vshrl.u32 v3, $0x2;
	v3 =	vshll.u32 v3, $0x5  }
0x12e: {  	v63 =	vshrl.u32 v1, $0x2;
	v1 =	vshll.u32 v1, $0x5;
	[tilespmem:$0x290] =	vst v61;
	v62 =	vand.u32 $0x60, v3;
	v3 =	vld [tilespmem:$0xC0]  }
0x12f: {  	v5 =	vshrl.u32 v2, $0x2;
	[tilespmem:$0x2A0] =	vst v63;
	v4 =	vand.u32 $0x60, v1;
	v1 =	vld [tilespmem:$0xD0]  }
0x130: {  	[tilespmem:$0x2B0] =	vst v5  }
0x131: {  	v2 =	vshll.u32 v2, $0x5;
	[tilespmem:$0x490] =	vst v62  }
0x132: {  	v61 =	vand.u32 $0x60, v2;
	v2 =	vld [tilespmem:$0xE0];
	[tilespmem:$0x4A0] =	vst v4  }
0x133: {  	[tilespmem:$0x4B0] =	vst v61;
	v62 =	vshrl.u32 v3, $0x2;
	v3 =	vshll.u32 v3, $0x5  }
0x134: {  	v5 =	vshrl.u32 v1, $0x2;
	[tilespmem:$0x2C0] =	vst v62;
	v63 =	vand.u32 $0x60, v3;
	v3 =	vld [tilespmem:$0xF0]  }
0x135: {  	v1 =	vshll.u32 v1, $0x5;
	[tilespmem:$0x2D0] =	vst v5  }
0x136: {  	v61 =	vand.u32 $0x60, v1;
	[tilespmem:$0x4C0] =	vst v63  }
0x137: {  	v62 =	vshrl.u32 v2, $0x2;
	[tilespmem:$0x4D0] =	vst v61;
	v63 =	vshll.u32 v2, $0x5  }
0x138: {  	[tilespmem:$0x2E0] =	vst v62;
	v4 =	vand.u32 $0x60, v63  }
0x139: {  	[tilespmem:$0x4E0] =	vst v4;
	v5 =	vshrl.u32 v3, $0x2;
	v61 =	vshll.u32 v3, $0x5  }
0x13a: {  	[tilespmem:$0x2F0] =	vst v5;
	v62 =	vand.u32 $0x60, v61  }
0x13b: {  	[tilespmem:$0x4F0] =	vst v62  }
0x13c: {  	[tilespmem:s17], [sflag:$0x1] =	stream.indirect.gather [hbm4b:s7+s15], $0x80, s16, s15, $0xb8;
	[tilespmem:$0x14600] =	vst v63  }
0x13d: {  	s11 =	rddreg [dreg:$0x4]  }
0x13e: {  	[tilespmem:s15], [sflag:$0x6] =	stream.strided.gather [hbm4b:s11+s12], $0x100, s13, s12, $0x38;
	[tilespmem:$0x14600] =	vst v63  }
0x13f: {  	_ =	swait.ge [sflag:s18], $0x100  }
0x140: {  	[sflag:s18] =	ssyncset.done $0x0  }
0x141: {  	[sflag:s18] =	ssyncadd.s32 $0xFFFFFF00  }
0x142: {  	v63 =	vld [tilespmem:$0x100]  }
0x143: {  	v1 =	vld [tilespmem:$0x110]  }
0x144: {  	v61 =	vld [tilespmem:$0x120];
	_ =	sdelay $0x2  }
0x145: {  	v62 =	vshrl.u32 v63, $0x2  }
0x146: {  	v3 =	vld [tilespmem:$0x130];
	v0 =	vshll.u32 v63, $0x5;
	v63 =	vshrl.u32 v1, $0x2;
	[tilespmem:$0x300] =	vst v62  }
0x147: {  	v1 =	vshll.u32 v1, $0x5;
	v5 =	vshrl.u32 v61, $0x2;
	[tilespmem:$0x310] =	vst v63  }
0x148: {  	v2 =	vshll.u32 v61, $0x5;
	v0 =	vand.u32 $0x60, v0;
	v4 =	vand.u32 $0x60, v1;
	v1 =	vld [tilespmem:$0x140];
	[tilespmem:$0x320] =	vst v5  }
0x149: {  	v61 =	vand.u32 $0x60, v2;
	v2 =	vld [tilespmem:$0x150];
	[tilespmem:$0x500] =	vst v0  }
0x14a: {  	[tilespmem:$0x510] =	vst v4  }
0x14b: {  	v62 =	vshrl.u32 v3, $0x2;
	v3 =	vshll.u32 v3, $0x5;
	[tilespmem:$0x520] =	vst v61  }
0x14c: {  	[tilespmem:$0x330] =	vst v62;
	v63 =	vand.u32 $0x60, v3;
	v3 =	vld [tilespmem:$0x160]  }
0x14d: {  	[tilespmem:$0x530] =	vst v63;
	v4 =	vshrl.u32 v1, $0x2;
	v1 =	vshll.u32 v1, $0x5  }
0x14e: {  	v61 =	vshrl.u32 v2, $0x2;
	v2 =	vshll.u32 v2, $0x5;
	[tilespmem:$0x340] =	vst v4;
	v5 =	vand.u32 $0x60, v1;
	v1 =	vld [tilespmem:$0x170]  }
0x14f: {  	[tilespmem:$0x350] =	vst v61;
	v62 =	vand.u32 $0x60, v2;
	v2 =	vld [tilespmem:$0x180]  }
0x150: {  	[tilespmem:$0x540] =	vst v5  }
0x151: {  	v63 =	vshrl.u32 v3, $0x2;
	v3 =	vshll.u32 v3, $0x5;
	[tilespmem:$0x550] =	vst v62  }
0x152: {  	[tilespmem:$0x360] =	vst v63;
	v61 =	vand.u32 $0x60, v3;
	v3 =	vld [tilespmem:$0x190]  }
0x153: {  	[tilespmem:$0x560] =	vst v61;
	v62 =	vshrl.u32 v1, $0x2;
	v1 =	vshll.u32 v1, $0x5  }
0x154: {  	v4 =	vshrl.u32 v2, $0x2;
	v2 =	vshll.u32 v2, $0x5;
	[tilespmem:$0x370] =	vst v62;
	v63 =	vand.u32 $0x60, v1;
	v1 =	vld [tilespmem:$0x1A0]  }
0x155: {  	[tilespmem:$0x380] =	vst v4;
	v5 =	vand.u32 $0x60, v2;
	v2 =	vld [tilespmem:$0x1B0]  }
0x156: {  	[tilespmem:$0x570] =	vst v63  }
0x157: {  	v61 =	vshrl.u32 v3, $0x2;
	v3 =	vshll.u32 v3, $0x5;
	[tilespmem:$0x580] =	vst v5  }
0x158: {  	[tilespmem:$0x390] =	vst v61;
	v62 =	vand.u32 $0x60, v3;
	v3 =	vld [tilespmem:$0x1C0]  }
0x159: {  	[tilespmem:$0x590] =	vst v62;
	v63 =	vshrl.u32 v1, $0x2;
	v1 =	vshll.u32 v1, $0x5  }
0x15a: {  	v5 =	vshrl.u32 v2, $0x2;
	v2 =	vshll.u32 v2, $0x5;
	[tilespmem:$0x3A0] =	vst v63;
	v4 =	vand.u32 $0x60, v1;
	v1 =	vld [tilespmem:$0x1D0]  }
0x15b: {  	[tilespmem:$0x3B0] =	vst v5;
	v61 =	vand.u32 $0x60, v2;
	v2 =	vld [tilespmem:$0x1E0]  }
0x15c: {  	[tilespmem:$0x5A0] =	vst v4  }
0x15d: {  	v62 =	vshrl.u32 v3, $0x2;
	v3 =	vshll.u32 v3, $0x5;
	[tilespmem:$0x5B0] =	vst v61  }
0x15e: {  	[tilespmem:$0x3C0] =	vst v62;
	v63 =	vand.u32 $0x60, v3;
	v3 =	vld [tilespmem:$0x1F0]  }
0x15f: {  	[tilespmem:$0x5C0] =	vst v63;
	v61 =	vshrl.u32 v1, $0x2  }
0x160: {  	v1 =	vshll.u32 v1, $0x5;
	v63 =	vshrl.u32 v2, $0x2;
	[tilespmem:$0x3D0] =	vst v61  }
0x161: {  	v4 =	vshll.u32 v2, $0x5;
	v62 =	vand.u32 $0x60, v1;
	[tilespmem:$0x3E0] =	vst v63  }
0x162: {  	v5 =	vand.u32 $0x60, v4;
	[tilespmem:$0x5D0] =	vst v62  }
0x163: {  	v61 =	vshrl.u32 v3, $0x2;
	[tilespmem:$0x5E0] =	vst v5;
	v62 =	vshll.u32 v3, $0x5  }
0x164: {  	[tilespmem:$0x3F0] =	vst v61;
	v63 =	vand.u32 $0x60, v62  }
0x165: {  	s31 =	simm.s32 $0x0;
	[tilespmem:$0x5F0] =	vst v63  }
0x166: {  	[tilespmem:s20], [sflag:$0x2] =	stream.indirect.gather [hbm4b:s7+s15], $0x80, s19, s15, $0xb8;
	[tilespmem:$0x14600] =	vst v63  }
.LBB2_2:
0x167: {  	s3 =	sshll.u32 s31, $0x1;
	p0 =	seq.s32 s31, $0x31  }
0x168: {  	s0 =	sadd.s32 @!p0 s3, s9  }
0x169: {  	s5 =	sshll.u32 @!p0 s0, $0x5;
	s8 =	sshll.u32 @!p0 s0, $0x8;
	s0 =	sshrl.u32 @!p0 s0, $0x2  }
0x16a: {  	s5 =	sand.u32 @!p0 $0xFFFC000, s5;
	s8 =	sand.u32 @!p0 $0x3E00, s8;
	s0 =	sand.u32 @!p0 $0x70, s0  }
0x16b: {  	s11 =	simm.s32 @!p0 $0x0;
	s5 =	sor.u32 @!p0 s5, s8;
	s0 =	sadd.s32 @!p0 s2, s0  }
0x16c: {  	s8 =	simm.s32 @!p0 $0x400;
	s0 =	sadd.s32 @!p0 s5, s0;
	s5 =	simm.s32 @!p0 $0x80  }
0x16d: {  	[tilespmem:s11], [sflag:$0x5] =	stream.strided.gather @!p0 [hbm4b:s0+s5], $0x100, s8, s5, $0x38;
	[tilespmem:$0x14600] =	vst v63  }
0x16e: {  	_ =	swait.ge [sflag:s21], $0x8000  }
0x16f: {  	p1 =	seq.s32 s31, $0x0;
	[sflag:s21] =	ssyncset.done $0x0  }
0x170: {  	s0 =	simm.s32 @!p1 $0x3;
	[sflag:s21] =	ssyncadd.s32 $0xFFFF8000  }
0x171: {  	_ =	swait.ge @!p1 [sflag:s0], $0x2000  }
0x172: {  	[sflag:s0] =	ssyncset.done @!p1 $0x0  }
0x173: {  	[sflag:s0] =	ssyncadd.s32 @!p1 $0xFFFFE000;
	s0 =	simm.s32 $0x400  }
0x174: {  	v4 =	vld [tilespmem:s0+$0x0];
	_ =	sdelay $0x3  }
0x175: {  	s11 =	simm.s32 $0x0  }
0x176: {  	v0 =	vor.u32 s11, v36;
	v1 =	vadd.s32 v36, v4  }
0x177: {  	v5 =	vshll.u32 v0, $0x7;
	v2 =	vand.u32 $0xFFFFFF80, v1  }
0x178: {  	v1 =	vand.u32 $0x7F, v1;
	v2 =	vadd.s32 v5, v2  }
0x179: {  	v1 =	vor.u32 v1, v2  }
0x17a: {  	v2 =	vmov s11  }
0x17b: {  	v2 =	vshll.u32 v2, $0x3  }
0x17c: {  	v0 =	vand.u32 $0x7F, v0;
	v3 =	vadd.s32 v40, v4;
	v2 =	vand.u32 $0x400, v2  }
0x17d: {  	v7 =	vand.u32 $0xFFFFFF80, v3;
	v6 =	vor.u32 v2, v0  }
0x17e: {  	v3 =	vand.u32 $0x7F, v3;
	v2 =	vadd.s32 v5, v7;
	v0 =	vor.u32 v39, v6;
	v1 =	vld.idx.msk [tilespmem:v1+s17+$0x0], $0xffff  }
0x17f: {  	v2 =	vor.u32 v3, v2;
	_ =	sdelay $0x2  }
0x180: {  	v3 =	vadd.s32 v41, v4  }
0x181: {  	v7 =	vand.u32 $0xFFFFFF80, v3;
	[tilespmem:v0+s22+$0x0] =	vst.idx.msk $0xffff, v1  }
0x182: {  	v0 =	vand.u32 $0x7F, v3;
	v3 =	vadd.s32 v5, v7;
	v1 =	vld.idx.msk [tilespmem:v2+s17+$0x0], $0xffff;
	v2 =	vor.u32 v58, v6  }
0x183: {  	v0 =	vor.u32 v0, v3;
	_ =	sdelay $0x2  }
0x184: {  	v3 =	vadd.s32 v42, v4  }
0x185: {  	[tilespmem:v2+s22+$0x0] =	vst.idx.msk $0xffff, v1;
	v1 =	vand.u32 $0xFFFFFF80, v3  }
0x186: {  	v2 =	vand.u32 $0x7F, v3;
	v3 =	vor.u32 v16, v6;
	v0 =	vld.idx.msk [tilespmem:v0+s17+$0x0], $0xffff;
	v1 =	vadd.s32 v5, v1  }
0x187: {  	v1 =	vor.u32 v2, v1;
	_ =	sdelay $0x2  }
0x188: {  	v2 =	vadd.s32 v43, v4  }
0x189: {  	v7 =	vand.u32 $0xFFFFFF80, v2;
	[tilespmem:v3+s22+$0x0] =	vst.idx.msk $0xffff, v0  }
0x18a: {  	v2 =	vand.u32 $0x7F, v2;
	v0 =	vor.u32 v17, v6;
	v3 =	vadd.s32 v5, v7;
	v1 =	vld.idx.msk [tilespmem:v1+s17+$0x0], $0xffff  }
0x18b: {  	v2 =	vor.u32 v2, v3;
	_ =	sdelay $0x2  }
0x18c: {  	v3 =	vadd.s32 v20, v4  }
0x18d: {  	v7 =	vand.u32 $0xFFFFFF80, v3;
	[tilespmem:v0+s22+$0x0] =	vst.idx.msk $0xffff, v1  }
0x18e: {  	v3 =	vand.u32 $0x7F, v3;
	v0 =	vadd.s32 v5, v7;
	v1 =	vor.u32 v44, v6;
	v2 =	vld.idx.msk [tilespmem:v2+s17+$0x0], $0xffff  }
0x18f: {  	v0 =	vor.u32 v3, v0;
	_ =	sdelay $0x2  }
0x190: {  	v3 =	vadd.s32 v31, v4  }
0x191: {  	v7 =	vand.u32 $0xFFFFFF80, v3;
	[tilespmem:v1+s22+$0x0] =	vst.idx.msk $0xffff, v2  }
0x192: {  	v3 =	vand.u32 $0x7F, v3;
	v1 =	vadd.s32 v5, v7;
	v2 =	vor.u32 v45, v6;
	v0 =	vld.idx.msk [tilespmem:v0+s17+$0x0], $0xffff  }
0x193: {  	v1 =	vor.u32 v3, v1;
	_ =	sdelay $0x2  }
0x194: {  	v3 =	vadd.s32 v33, v4  }
0x195: {  	v7 =	vand.u32 $0xFFFFFF80, v3;
	[tilespmem:v2+s22+$0x0] =	vst.idx.msk $0xffff, v0  }
0x196: {  	v3 =	vand.u32 $0x7F, v3;
	v0 =	vadd.s32 v5, v7;
	v2 =	vor.u32 v54, v6;
	v1 =	vld.idx.msk [tilespmem:v1+s17+$0x0], $0xffff  }
0x197: {  	v0 =	vor.u32 v3, v0;
	_ =	sdelay $0x2  }
0x198: {  	v3 =	vadd.s32 v24, v4  }
0x199: {  	v7 =	vand.u32 $0xFFFFFF80, v3;
	[tilespmem:v2+s22+$0x0] =	vst.idx.msk $0xffff, v1  }
0x19a: {  	v3 =	vand.u32 $0x7F, v3;
	v1 =	vadd.s32 v5, v7;
	v2 =	vor.u32 v57, v6;
	v0 =	vld.idx.msk [tilespmem:v0+s17+$0x0], $0xffff  }
0x19b: {  	v1 =	vor.u32 v3, v1;
	_ =	sdelay $0x2  }
0x19c: {  	v3 =	vadd.s32 v25, v4  }
0x19d: {  	v7 =	vand.u32 $0xFFFFFF80, v3;
	[tilespmem:v2+s22+$0x0] =	vst.idx.msk $0xffff, v0  }
0x19e: {  	v3 =	vand.u32 $0x7F, v3;
	v0 =	vadd.s32 v5, v7;
	v2 =	vor.u32 v52, v6;
	v1 =	vld.idx.msk [tilespmem:v1+s17+$0x0], $0xffff  }
0x19f: {  	v0 =	vor.u32 v3, v0;
	_ =	sdelay $0x2  }
0x1a0: {  	v3 =	vadd.s32 v28, v4  }
0x1a1: {  	v7 =	vand.u32 $0xFFFFFF80, v3;
	[tilespmem:v2+s22+$0x0] =	vst.idx.msk $0xffff, v1  }
0x1a2: {  	v3 =	vand.u32 $0x7F, v3;
	v1 =	vadd.s32 v5, v7;
	v2 =	vor.u32 v48, v6;
	v0 =	vld.idx.msk [tilespmem:v0+s17+$0x0], $0xffff  }
0x1a3: {  	v1 =	vor.u32 v3, v1;
	_ =	sdelay $0x2  }
0x1a4: {  	v3 =	vadd.s32 v8, v4  }
0x1a5: {  	v7 =	vand.u32 $0xFFFFFF80, v3;
	[tilespmem:v2+s22+$0x0] =	vst.idx.msk $0xffff, v0  }
0x1a6: {  	v3 =	vand.u32 $0x7F, v3;
	v0 =	vadd.s32 v5, v7;
	v2 =	vor.u32 v50, v6;
	v1 =	vld.idx.msk [tilespmem:v1+s17+$0x0], $0xffff  }
0x1a7: {  	v0 =	vor.u32 v3, v0;
	_ =	sdelay $0x2  }
0x1a8: {  	v3 =	vadd.s32 v10, v4  }
0x1a9: {  	v7 =	vand.u32 $0xFFFFFF80, v3;
	[tilespmem:v2+s22+$0x0] =	vst.idx.msk $0xffff, v1  }
0x1aa: {  	v3 =	vand.u32 $0x7F, v3;
	v1 =	vadd.s32 v5, v7;
	v2 =	vor.u32 v46, v6;
	v0 =	vld.idx.msk [tilespmem:v0+s17+$0x0], $0xffff  }
0x1ab: {  	v1 =	vor.u32 v3, v1;
	_ =	sdelay $0x2  }
0x1ac: {  	v3 =	vadd.s32 v49, v4  }
0x1ad: {  	v7 =	vand.u32 $0xFFFFFF80, v3;
	[tilespmem:v2+s22+$0x0] =	vst.idx.msk $0xffff, v0  }
0x1ae: {  	v3 =	vand.u32 $0x7F, v3;
	v0 =	vadd.s32 v5, v7;
	v2 =	vor.u32 v47, v6;
	v1 =	vld.idx.msk [tilespmem:v1+s17+$0x0], $0xffff  }
0x1af: {  	v0 =	vor.u32 v3, v0;
	_ =	sdelay $0x2  }
0x1b0: {  	v3 =	vadd.s32 v51, v4  }
0x1b1: {  	v7 =	vand.u32 $0xFFFFFF80, v3;
	[tilespmem:v2+s22+$0x0] =	vst.idx.msk $0xffff, v1  }
0x1b2: {  	v3 =	vand.u32 $0x7F, v3;
	v1 =	vadd.s32 v5, v7;
	v2 =	vor.u32 v53, v6;
	v0 =	vld.idx.msk [tilespmem:v0+s17+$0x0], $0xffff  }
0x1b3: {  	v1 =	vor.u32 v3, v1;
	_ =	sdelay $0x3  }
0x1b4: {  	v3 =	vadd.s32 v55, v4;
	[tilespmem:v2+s22+$0x0] =	vst.idx.msk $0xffff, v0  }
0x1b5: {  	v7 =	vand.u32 $0xFFFFFF80, v3;
	v2 =	vor.u32 v56, v6;
	v1 =	vld.idx.msk [tilespmem:v1+s17+$0x0], $0xffff  }
0x1b6: {  	v3 =	vand.u32 $0x7F, v3;
	v0 =	vadd.s32 v5, v7  }
0x1b7: {  	v0 =	vor.u32 v3, v0;
	v3 =	vor.u32 $0x10, v36  }
0x1b8: {  	[tilespmem:$0x1FB20] =	vst v3;
	v3 =	vadd.s32 v3, v4  }
0x1b9: {  	v24 =	vld [tilespmem:$0x1FBD0];
	v7 =	vand.u32 $0xFFFFFF80, v3  }
0x1ba: {  	v3 =	vand.u32 $0x7F, v3;
	[tilespmem:v2+s22+$0x0] =	vst.idx.msk $0xffff, v1;
	v1 =	vadd.s32 v5, v7;
	v7 =	vld [tilespmem:$0x1FC60]  }
0x1bb: {  	v1 =	vor.u32 v3, v1;
	v3 =	vld [tilespmem:$0x1FBC0];
	_ =	sdelay $0x3  }
0x1bc: {  	v2 =	vor.u32 v30, v6;
	v0 =	vld.idx.msk [tilespmem:v0+s17+$0x0], $0xffff;
	v7 =	vsel vm0, v7, v24  }
0x1bd: {  	v3 =	vcombine.low v3, v7;
	_ =	sdelay $0x1  }
0x1be: {  	[tilespmem:$0x1FB30] =	vst v3;
	v3 =	vadd.s32 v3, v4  }
0x1bf: {  	v25 =	vld [tilespmem:$0x1FC00];
	v48 =	vand.u32 $0xFFFFFF80, v3  }
0x1c0: {  	v49 =	vld [tilespmem:$0x1FC80];
	[tilespmem:v2+s22+$0x0] =	vst.idx.msk $0xffff, v0;
	v3 =	vand.u32 $0x7F, v3;
	v0 =	vadd.s32 v5, v48  }
0x1c1: {  	v0 =	vor.u32 v3, v0;
	v3 =	vld [tilespmem:$0x1FBF0];
	_ =	sdelay $0x3  }
0x1c2: {  	v8 =	vsel vm0, v49, v25;
	v2 =	vor.u32 v9, v6;
	v1 =	vld.idx.msk [tilespmem:v1+s17+$0x0], $0xffff  }
0x1c3: {  	v3 =	vcombine.low v3, v8;
	_ =	sdelay $0x1  }
0x1c4: {  	[tilespmem:$0x1FB40] =	vst v3;
	v3 =	vadd.s32 v3, v4  }
0x1c5: {  	v28 =	vld [tilespmem:$0x1FC30];
	v50 =	vand.u32 $0xFFFFFF80, v3  }
0x1c6: {  	v51 =	vld [tilespmem:$0x1FCA0];
	[tilespmem:v2+s22+$0x0] =	vst.idx.msk $0xffff, v1;
	v3 =	vand.u32 $0x7F, v3;
	v1 =	vadd.s32 v5, v50  }
0x1c7: {  	v1 =	vor.u32 v3, v1;
	v3 =	vld [tilespmem:$0x1FC20]  }
0x1c8: {  	v2 =	vor.u32 v35, v6;
	v0 =	vld.idx.msk [tilespmem:v0+s17+$0x0], $0xffff;
	_ =	sdelay $0x2  }
0x1c9: {  	v9 =	vsel vm0, v51, v28  }
0x1ca: {  	v3 =	vcombine.low v3, v9  }
0x1cb: {  	[tilespmem:v2+s22+$0x0] =	vst.idx.msk $0xffff, v0  }
0x1cc: {  	v2 =	vor.u32 v34, v6;
	v1 =	vld.idx.msk [tilespmem:v1+s17+$0x0], $0xffff;
	[tilespmem:$0x1FB50] =	vst v3;
	v3 =	vadd.s32 v3, v4  }
0x1cd: {  	v52 =	vand.u32 $0xFFFFFF80, v3  }
0x1ce: {  	v3 =	vand.u32 $0x7F, v3;
	v0 =	vadd.s32 v5, v52  }
0x1cf: {  	v0 =	vor.u32 v3, v0;
	v3 =	vadd.s32 v29, v4  }
0x1d0: {  	v53 =	vand.u32 $0xFFFFFF80, v3  }
0x1d1: {  	v54 =	vld [tilespmem:$0x1FBB0];
	[tilespmem:v2+s22+$0x0] =	vst.idx.msk $0xffff, v1;
	v3 =	vand.u32 $0x7F, v3;
	v1 =	vadd.s32 v5, v53  }
0x1d2: {  	v1 =	vor.u32 v3, v1;
	v3 =	vld [tilespmem:$0x1FC70];
	_ =	sdelay $0x3  }
0x1d3: {  	v10 =	vsel vm0, v24, v54;
	v2 =	vor.u32 v32, v6;
	v0 =	vld.idx.msk [tilespmem:v0+s17+$0x0], $0xffff  }
0x1d4: {  	v3 =	vcombine.low v10, v3;
	_ =	sdelay $0x1  }
0x1d5: {  	[tilespmem:$0x1FB60] =	vst v3;
	v3 =	vadd.s32 v3, v4  }
0x1d6: {  	v55 =	vand.u32 $0xFFFFFF80, v3  }
0x1d7: {  	v56 =	vld [tilespmem:$0x1FBE0];
	[tilespmem:v2+s22+$0x0] =	vst.idx.msk $0xffff, v0;
	v3 =	vand.u32 $0x7F, v3;
	v0 =	vadd.s32 v5, v55  }
0x1d8: {  	v0 =	vor.u32 v3, v0;
	v3 =	vld [tilespmem:$0x1FC90];
	_ =	sdelay $0x3  }
0x1d9: {  	v10 =	vsel vm0, v25, v56;
	v2 =	vor.u32 v27, v6;
	v1 =	vld.idx.msk [tilespmem:v1+s17+$0x0], $0xffff  }
0x1da: {  	v25 =	vcombine.low v10, v3;
	_ =	sdelay $0x1  }
0x1db: {  	v3 =	vadd.s32 v25, v4  }
0x1dc: {  	v57 =	vand.u32 $0xFFFFFF80, v3  }
0x1dd: {  	v61 =	vld [tilespmem:$0x1FC10];
	[tilespmem:v2+s22+$0x0] =	vst.idx.msk $0xffff, v1;
	v3 =	vand.u32 $0x7F, v3;
	v1 =	vadd.s32 v5, v57  }
0x1de: {  	v1 =	vor.u32 v3, v1;
	v3 =	vld [tilespmem:$0x1FCB0];
	_ =	sdelay $0x3  }
0x1df: {  	v2 =	vor.u32 v26, v6;
	v0 =	vld.idx.msk [tilespmem:v0+s17+$0x0], $0xffff;
	v10 =	vsel vm0, v28, v61  }
0x1e0: {  	v3 =	vcombine.low v10, v3;
	_ =	sdelay $0x1  }
0x1e1: {  	[tilespmem:$0x1FB70] =	vst v3;
	v3 =	vadd.s32 v3, v4  }
0x1e2: {  	v63 =	vld [tilespmem:$0x1FC40];
	v62 =	vand.u32 $0xFFFFFF80, v3  }
0x1e3: {  	v24 =	vld [tilespmem:$0x1FC50];
	[tilespmem:v2+s22+$0x0] =	vst.idx.msk $0xffff, v0;
	v3 =	vand.u32 $0x7F, v3;
	v0 =	vadd.s32 v5, v62  }
0x1e4: {  	v0 =	vor.u32 v3, v0;
	v3 =	vld [tilespmem:$0x1FCC0];
	_ =	sdelay $0x2  }
0x1e5: {  	v2 =	vor.u32 v23, v6;
	v1 =	vld.idx.msk [tilespmem:v1+s17+$0x0], $0xffff  }
0x1e6: {  	v10 =	vsel vm0, v63, v24  }
0x1e7: {  	v24 =	vcombine.low v10, v3;
	_ =	sdelay $0x1  }
0x1e8: {  	v3 =	vadd.s32 v24, v4  }
0x1e9: {  	[tilespmem:v2+s22+$0x0] =	vst.idx.msk $0xffff, v1;
	v1 =	vand.u32 $0xFFFFFF80, v3  }
0x1ea: {  	v3 =	vand.u32 $0x7F, v3;
	v1 =	vadd.s32 v5, v1  }
0x1eb: {  	v1 =	vor.u32 v3, v1;
	v3 =	vld [tilespmem:$0x1FCD0];
	_ =	sdelay $0x2  }
0x1ec: {  	v2 =	vor.u32 v22, v6;
	v0 =	vld.idx.msk [tilespmem:v0+s17+$0x0], $0xffff;
	_ =	sdelay $0x1  }
0x1ed: {  	v3 =	vcombine.low v7, v3;
	_ =	sdelay $0x1  }
0x1ee: {  	[tilespmem:$0x1FB80] =	vst v3;
	v3 =	vadd.s32 v3, v4  }
0x1ef: {  	[tilespmem:v2+s22+$0x0] =	vst.idx.msk $0xffff, v0;
	v0 =	vand.u32 $0xFFFFFF80, v3  }
0x1f0: {  	v3 =	vand.u32 $0x7F, v3;
	v0 =	vadd.s32 v5, v0  }
0x1f1: {  	v0 =	vor.u32 v3, v0;
	v3 =	vld [tilespmem:$0x1FCE0];
	_ =	sdelay $0x2  }
0x1f2: {  	v2 =	vor.u32 v21, v6;
	v1 =	vld.idx.msk [tilespmem:v1+s17+$0x0], $0xffff;
	_ =	sdelay $0x1  }
0x1f3: {  	v3 =	vcombine.low v8, v3;
	_ =	sdelay $0x1  }
0x1f4: {  	[tilespmem:$0x1FB90] =	vst v3;
	v3 =	vadd.s32 v3, v4  }
0x1f5: {  	[tilespmem:v2+s22+$0x0] =	vst.idx.msk $0xffff, v1;
	v1 =	vand.u32 $0xFFFFFF80, v3  }
0x1f6: {  	v3 =	vand.u32 $0x7F, v3;
	v1 =	vadd.s32 v5, v1  }
0x1f7: {  	v1 =	vor.u32 v3, v1;
	v3 =	vld [tilespmem:$0x1FCF0];
	_ =	sdelay $0x2  }
0x1f8: {  	v2 =	vor.u32 v18, v6;
	v0 =	vld.idx.msk [tilespmem:v0+s17+$0x0], $0xffff;
	_ =	sdelay $0x1  }
0x1f9: {  	v3 =	vcombine.low v9, v3;
	_ =	sdelay $0x1  }
0x1fa: {  	[tilespmem:$0x1FBA0] =	vst v3;
	v3 =	vadd.s32 v3, v4  }
0x1fb: {  	[tilespmem:v2+s22+$0x0] =	vst.idx.msk $0xffff, v0;
	v0 =	vand.u32 $0xFFFFFF80, v3  }
0x1fc: {  	v2 =	vor.u32 v15, v6;
	v1 =	vld.idx.msk [tilespmem:v1+s17+$0x0], $0xffff;
	v3 =	vand.u32 $0x7F, v3;
	v0 =	vadd.s32 v5, v0  }
0x1fd: {  	v0 =	vor.u32 v3, v0;
	_ =	sdelay $0x2  }
0x1fe: {  	v3 =	vadd.s32 v59, v4  }
0x1ff: {  	[tilespmem:v2+s22+$0x0] =	vst.idx.msk $0xffff, v1;
	v1 =	vand.u32 $0xFFFFFF80, v3  }
0x200: {  	v2 =	vor.u32 v14, v6;
	v3 =	vand.u32 $0x7F, v3;
	v1 =	vadd.s32 v5, v1;
	v0 =	vld.idx.msk [tilespmem:v0+s17+$0x0], $0xffff  }
0x201: {  	v1 =	vor.u32 v3, v1;
	_ =	sdelay $0x2  }
0x202: {  	v3 =	vadd.s32 v60, v4  }
0x203: {  	[tilespmem:v2+s22+$0x0] =	vst.idx.msk $0xffff, v0;
	v0 =	vand.u32 $0xFFFFFF80, v3  }
0x204: {  	v2 =	vor.u32 v11, v6;
	v3 =	vand.u32 $0x7F, v3;
	v0 =	vadd.s32 v5, v0;
	v1 =	vld.idx.msk [tilespmem:v1+s17+$0x0], $0xffff  }
0x205: {  	v0 =	vor.u32 v3, v0;
	_ =	sdelay $0x2  }
0x206: {  	v3 =	vadd.s32 v37, v4  }
0x207: {  	[tilespmem:v2+s22+$0x0] =	vst.idx.msk $0xffff, v1;
	v1 =	vand.u32 $0xFFFFFF80, v3  }
0x208: {  	v2 =	vor.u32 v12, v6;
	v3 =	vand.u32 $0x7F, v3;
	v1 =	vadd.s32 v5, v1;
	v0 =	vld.idx.msk [tilespmem:v0+s17+$0x0], $0xffff  }
0x209: {  	v1 =	vor.u32 v3, v1;
	_ =	sdelay $0x2  }
0x20a: {  	v3 =	vadd.s32 v38, v4  }
0x20b: {  	[tilespmem:v2+s22+$0x0] =	vst.idx.msk $0xffff, v0;
	v0 =	vand.u32 $0xFFFFFF80, v3  }
0x20c: {  	v2 =	vor.u32 v13, v6;
	v3 =	vand.u32 $0x7F, v3;
	v0 =	vadd.s32 v5, v0;
	v1 =	vld.idx.msk [tilespmem:v1+s17+$0x0], $0xffff  }
0x20d: {  	v0 =	vor.u32 v3, v0;
	_ =	sdelay $0x3  }
0x20e: {  	[tilespmem:v2+s22+$0x0] =	vst.idx.msk $0xffff, v1  }
0x20f: {  	s5 =	simm.s32 $0x10;
	v5 =	vor.u32 v19, v6;
	v0 =	vld.idx.msk [tilespmem:v0+s17+$0x0], $0xffff  }
.LBB2_3:
0x210: {  	_ =	sdelay $0x3  }
0x211: {  	s0 =	sadd.s32 $0x10, s0;
	[tilespmem:v5+s22+$0x0] =	vst.idx.msk $0xffff, v0  }
0x212: {  	v5 =	vld [tilespmem:s0+$0x0];
	_ =	sdelay $0x3  }
0x213: {  	s8 =	smov.u32 s5  }
0x214: {  	v0 =	vor.u32 s8, v36;
	v2 =	vadd.s32 v36, v5  }
0x215: {  	v7 =	vshll.u32 v0, $0x7;
	v4 =	vand.u32 $0xFFFFFF80, v2  }
0x216: {  	v2 =	vand.u32 $0x7F, v2;
	v4 =	vadd.s32 v7, v4  }
0x217: {  	v2 =	vor.u32 v2, v4  }
0x218: {  	v1 =	vmov s5;
	v30 =	vadd.s32 v31, v5  }
0x219: {  	v1 =	vshll.u32 v1, $0x3;
	v14 =	vand.u32 $0xFFFFFF80, v30  }
0x21a: {  	v1 =	vand.u32 $0x400, v1;
	v0 =	vand.u32 $0x7F, v0;
	v54 =	vadd.s32 v7, v14;
	v14 =	vld [tilespmem:$0x1FF90]  }
0x21b: {  	v18 =	vld [tilespmem:$0x1FFA0];
	v4 =	vor.u32 v1, v0  }
0x21c: {  	v0 =	vor.u32 v39, v4;
	v15 =	vld.idx.msk [tilespmem:v2+s17+$0x0], $0xffff;
	_ =	sdelay $0x2  }
0x21d: {  	v47 =	vadd.s32 v14, v5  }
0x21e: {  	v44 =	vadd.s32 v18, v5;
	v14 =	vand.u32 $0xFFFFFF80, v47  }
0x21f: {  	[tilespmem:v0+s22+$0x0] =	vst.idx.msk $0xffff, v15;
	v0 =	vadd.s32 v7, v14;
	v14 =	vand.u32 $0xFFFFFF80, v44  }
0x220: {  	v56 =	vadd.s32 v7, v14;
	v14 =	vld [tilespmem:$0x1FFC0];
	_ =	sdelay $0x4  }
0x221: {  	v8 =	vadd.s32 v41, v5;
	v41 =	vadd.s32 v14, v5;
	v14 =	vld [tilespmem:$0x1FFD0];
	_ =	sdelay $0x1  }
0x222: {  	v3 =	vadd.s32 v40, v5;
	v15 =	vld [tilespmem:$0x1FFB0]  }
0x223: {  	v6 =	vand.u32 $0xFFFFFF80, v3  }
0x224: {  	v11 =	vadd.s32 v42, v5;
	v1 =	vadd.s32 v7, v6;
	v6 =	vadd.s32 v20, v5  }
0x225: {  	v13 =	vand.u32 $0xFFFFFF80, v6;
	v2 =	vand.u32 $0x7F, v3;
	v39 =	vadd.s32 v14, v5;
	v14 =	vld [tilespmem:$0x1FB20]  }
0x226: {  	v10 =	vand.u32 $0xFFFFFF80, v8;
	v57 =	vadd.s32 v7, v13;
	v13 =	vor.u32 v2, v1  }
0x227: {  	v8 =	vand.u32 $0x7F, v8;
	v10 =	vadd.s32 v7, v10;
	v42 =	vadd.s32 v15, v5  }
0x228: {  	v8 =	vor.u32 v8, v10;
	v10 =	vand.u32 $0xFFFFFF80, v42  }
0x229: {  	v9 =	vadd.s32 v43, v5;
	v45 =	vadd.s32 v7, v10;
	v10 =	vand.u32 $0xFFFFFF80, v41  }
0x22a: {  	v43 =	vadd.s32 v7, v10;
	v10 =	vand.u32 $0xFFFFFF80, v39;
	v36 =	vadd.s32 v14, v5  }
0x22b: {  	v13 =	vld.idx.msk [tilespmem:v13+s17+$0x0], $0xffff;
	v15 =	vor.u32 v58, v4;
	v40 =	vadd.s32 v7, v10;
	v10 =	vand.u32 $0xFFFFFF80, v36  }
0x22c: {  	v38 =	vadd.s32 v7, v10;
	v10 =	vld [tilespmem:$0x1FB30];
	_ =	sdelay $0x2  }
0x22d: {  	v18 =	vld [tilespmem:$0x1FB70]  }
0x22e: {  	[tilespmem:v15+s22+$0x0] =	vst.idx.msk $0xffff, v13;
	v15 =	vld [tilespmem:$0x1FB50]  }
0x22f: {  	v35 =	vadd.s32 v10, v5;
	v10 =	vld [tilespmem:$0x1FB40]  }
0x230: {  	v8 =	vld.idx.msk [tilespmem:v8+s17+$0x0], $0xffff;
	v14 =	vor.u32 v16, v4;
	_ =	sdelay $0x1  }
0x231: {  	v50 =	vadd.s32 v33, v5  }
0x232: {  	v19 =	vadd.s32 v24, v5;
	v12 =	vand.u32 $0x7F, v11;
	v11 =	vand.u32 $0xFFFFFF80, v11  }
0x233: {  	v22 =	vadd.s32 v18, v5;
	v27 =	vadd.s32 v15, v5;
	v32 =	vadd.s32 v10, v5  }
0x234: {  	[tilespmem:v14+s22+$0x0] =	vst.idx.msk $0xffff, v8;
	v8 =	vand.u32 $0xFFFFFF80, v22;
	v10 =	vand.u32 $0xFFFFFF80, v35;
	v13 =	vand.u32 $0xFFFFFF80, v32  }
0x235: {  	v37 =	vadd.s32 v7, v10;
	v10 =	vadd.s32 v7, v11;
	v11 =	vand.u32 $0xFFFFFF80, v9  }
0x236: {  	v2 =	vld [tilespmem:$0x1FF60];
	v9 =	vand.u32 $0x7F, v9;
	v34 =	vadd.s32 v7, v13;
	v13 =	vand.u32 $0xFFFFFF80, v27  }
0x237: {  	v10 =	vor.u32 v12, v10;
	v11 =	vadd.s32 v7, v11;
	v33 =	vadd.s32 v7, v13;
	v13 =	vld [tilespmem:$0x1FB60]  }
0x238: {  	v63 =	vmovc v24;
	v24 =	vadd.s32 v7, v8;
	v8 =	vand.u32 $0xFFFFFF80, v19;
	v9 =	vor.u32 v9, v11;
	v11 =	vld [tilespmem:$0x1FB90]  }
0x239: {  	v21 =	vadd.s32 v7, v8;
	v8 =	vld [tilespmem:$0x1FB80]  }
0x23a: {  	v6 =	vand.u32 $0x7F, v6  }
0x23b: {  	v23 =	vadd.s32 v25, v5;
	v57 =	vor.u32 v6, v57;
	v48 =	vadd.s32 v2, v5;
	v2 =	vld [tilespmem:$0x1FF70]  }
0x23c: {  	v15 =	vand.u32 $0xFFFFFF80, v23;
	v10 =	vld.idx.msk [tilespmem:v10+s17+$0x0], $0xffff;
	v26 =	vadd.s32 v13, v5;
	v13 =	vor.u32 v17, v4  }
0x23d: {  	v55 =	vmovc v25;
	v1 =	vand.u32 $0xFFFFFF80, v50;
	v25 =	vadd.s32 v7, v15;
	v15 =	vadd.s32 v11, v5;
	v11 =	vld [tilespmem:$0x1FD60]  }
0x23e: {  	v6 =	vld [tilespmem:$0x1FD00];
	v53 =	vadd.s32 v7, v1;
	v1 =	vand.u32 $0xFFFFFF80, v48;
	v18 =	vadd.s32 v8, v5  }
0x23f: {  	v52 =	vadd.s32 v7, v1;
	v1 =	vld [tilespmem:$0x1FF80];
	v8 =	vand.u32 $0xFFFFFF80, v18  }
0x240: {  	v20 =	vadd.s32 v7, v8;
	v8 =	vand.u32 $0xFFFFFF80, v15  }
0x241: {  	v49 =	vmov v16;
	v61 =	vmov v59;
	v16 =	vadd.s32 v7, v8;
	v8 =	vld [tilespmem:$0x1FBA0];
	[tilespmem:v13+s22+$0x0] =	vst.idx.msk $0xffff, v10  }
0x242: {  	v3 =	vadd.s32 v2, v5;
	v58 =	vor.u32 v11, v4;
	v11 =	vadd.s32 v59, v5;
	v59 =	vld.idx.msk [tilespmem:v9+s17+$0x0], $0xffff  }
0x243: {  	v28 =	vadd.s32 v29, v5;
	v2 =	vand.u32 $0xFFFFFF80, v3;
	v9 =	vadd.s32 v6, v5;
	v6 =	vld [tilespmem:$0x1FD10]  }
0x244: {  	v1 =	vadd.s32 v1, v5;
	v46 =	vadd.s32 v7, v2;
	v12 =	vand.u32 $0xFFFFFF80, v28  }
0x245: {  	v2 =	vand.u32 $0xFFFFFF80, v1;
	v29 =	vadd.s32 v7, v12;
	v12 =	vand.u32 $0xFFFFFF80, v26  }
0x246: {  	v2 =	vadd.s32 v7, v2;
	v31 =	vadd.s32 v7, v12;
	v12 =	vand.u32 $0xFFFFFF80, v11  }
0x247: {  	v14 =	vadd.s32 v8, v5;
	v8 =	vadd.s32 v60, v5;
	v13 =	vadd.s32 v7, v12  }
0x248: {  	v10 =	vand.u32 $0xFFFFFF80, v14;
	v12 =	vand.u32 $0xFFFFFF80, v8;
	v6 =	vadd.s32 v6, v5  }
0x249: {  	v51 =	vmovc v17;
	v62 =	vmovc v60;
	v17 =	vadd.s32 v7, v10;
	v10 =	vand.u32 $0xFFFFFF80, v9;
	v60 =	vand.u32 $0xFFFFFF80, v6  }
0x24a: {  	v12 =	vadd.s32 v7, v12;
	v10 =	vadd.s32 v7, v10;
	v7 =	vadd.s32 v7, v60;
	v60 =	vld [tilespmem:$0x1FD70];
	_ =	sdelay $0x3  }
0x24b: {  	[tilespmem:v58+s22+$0x0] =	vst.idx.msk $0xffff, v59  }
0x24c: {  	v30 =	vand.u32 $0x7F, v30;
	v57 =	vld.idx.msk [tilespmem:v57+s17+$0x0], $0xffff;
	v60 =	vor.u32 v60, v4  }
0x24d: {  	v30 =	vor.u32 v30, v54;
	v54 =	vld [tilespmem:$0x1FD80];
	_ =	sdelay $0x3  }
0x24e: {  	[tilespmem:v60+s22+$0x0] =	vst.idx.msk $0xffff, v57  }
0x24f: {  	v54 =	vor.u32 v54, v4;
	v50 =	vand.u32 $0x7F, v50;
	v30 =	vld.idx.msk [tilespmem:v30+s17+$0x0], $0xffff  }
0x250: {  	v50 =	vor.u32 v50, v53;
	v57 =	vld [tilespmem:$0x1FD90];
	_ =	sdelay $0x3  }
0x251: {  	[tilespmem:v54+s22+$0x0] =	vst.idx.msk $0xffff, v30  }
0x252: {  	v48 =	vand.u32 $0x7F, v48;
	v53 =	vor.u32 v57, v4;
	v30 =	vld.idx.msk [tilespmem:v50+s17+$0x0], $0xffff  }
0x253: {  	v48 =	vor.u32 v48, v52;
	v52 =	vld [tilespmem:$0x1FDA0];
	_ =	sdelay $0x3  }
0x254: {  	[tilespmem:v53+s22+$0x0] =	vst.idx.msk $0xffff, v30  }
0x255: {  	v3 =	vand.u32 $0x7F, v3;
	v50 =	vor.u32 v52, v4;
	v30 =	vld.idx.msk [tilespmem:v48+s17+$0x0], $0xffff  }
0x256: {  	v3 =	vor.u32 v3, v46;
	v48 =	vld [tilespmem:$0x1FDB0];
	_ =	sdelay $0x3  }
0x257: {  	[tilespmem:v50+s22+$0x0] =	vst.idx.msk $0xffff, v30  }
0x258: {  	v1 =	vand.u32 $0x7F, v1;
	v54 =	vor.u32 v48, v4;
	v3 =	vld.idx.msk [tilespmem:v3+s17+$0x0], $0xffff  }
0x259: {  	v1 =	vor.u32 v1, v2;
	v50 =	vld [tilespmem:$0x1FDC0];
	_ =	sdelay $0x3  }
0x25a: {  	[tilespmem:v54+s22+$0x0] =	vst.idx.msk $0xffff, v3  }
0x25b: {  	v2 =	vor.u32 v50, v4;
	v3 =	vand.u32 $0x7F, v47;
	v1 =	vld.idx.msk [tilespmem:v1+s17+$0x0], $0xffff  }
0x25c: {  	v46 =	vld [tilespmem:$0x1FDD0];
	v0 =	vor.u32 v3, v0;
	_ =	sdelay $0x3  }
0x25d: {  	[tilespmem:v2+s22+$0x0] =	vst.idx.msk $0xffff, v1  }
0x25e: {  	v3 =	vor.u32 v46, v4;
	v1 =	vand.u32 $0x7F, v44;
	v0 =	vld.idx.msk [tilespmem:v0+s17+$0x0], $0xffff  }
0x25f: {  	v47 =	vld [tilespmem:$0x1FDE0];
	v1 =	vor.u32 v1, v56;
	_ =	sdelay $0x3  }
0x260: {  	[tilespmem:v3+s22+$0x0] =	vst.idx.msk $0xffff, v0  }
0x261: {  	v2 =	vor.u32 v47, v4;
	v0 =	vld.idx.msk [tilespmem:v1+s17+$0x0], $0xffff;
	v1 =	vand.u32 $0x7F, v42  }
0x262: {  	v53 =	vld [tilespmem:$0x1FDF0];
	v1 =	vor.u32 v1, v45;
	_ =	sdelay $0x3  }
0x263: {  	[tilespmem:v2+s22+$0x0] =	vst.idx.msk $0xffff, v0  }
0x264: {  	v3 =	vor.u32 v53, v4;
	v0 =	vld.idx.msk [tilespmem:v1+s17+$0x0], $0xffff;
	v1 =	vand.u32 $0x7F, v41  }
0x265: {  	v56 =	vld [tilespmem:$0x1FE00];
	v1 =	vor.u32 v1, v43;
	_ =	sdelay $0x3  }
0x266: {  	[tilespmem:v3+s22+$0x0] =	vst.idx.msk $0xffff, v0  }
0x267: {  	v2 =	vor.u32 v56, v4;
	v0 =	vld.idx.msk [tilespmem:v1+s17+$0x0], $0xffff;
	v1 =	vand.u32 $0x7F, v39  }
0x268: {  	v30 =	vld [tilespmem:$0x1FE10];
	v1 =	vor.u32 v1, v40;
	_ =	sdelay $0x3  }
0x269: {  	[tilespmem:v2+s22+$0x0] =	vst.idx.msk $0xffff, v0  }
0x26a: {  	v3 =	vor.u32 v30, v4;
	v0 =	vld.idx.msk [tilespmem:v1+s17+$0x0], $0xffff;
	v1 =	vand.u32 $0x7F, v36  }
0x26b: {  	v2 =	vld [tilespmem:$0x1FE20];
	v1 =	vor.u32 v1, v38;
	_ =	sdelay $0x3  }
0x26c: {  	[tilespmem:v3+s22+$0x0] =	vst.idx.msk $0xffff, v0  }
0x26d: {  	v2 =	vor.u32 v2, v4;
	v0 =	vld.idx.msk [tilespmem:v1+s17+$0x0], $0xffff;
	v1 =	vand.u32 $0x7F, v35  }
0x26e: {  	v35 =	vld [tilespmem:$0x1FE40];
	v1 =	vor.u32 v1, v37;
	_ =	sdelay $0x3  }
0x26f: {  	[tilespmem:v2+s22+$0x0] =	vst.idx.msk $0xffff, v0  }
0x270: {  	v3 =	vor.u32 v35, v4;
	v0 =	vld.idx.msk [tilespmem:v1+s17+$0x0], $0xffff;
	v1 =	vand.u32 $0x7F, v32  }
0x271: {  	v1 =	vor.u32 v1, v34;
	v34 =	vld [tilespmem:$0x1FE70];
	_ =	sdelay $0x3  }
0x272: {  	[tilespmem:v3+s22+$0x0] =	vst.idx.msk $0xffff, v0  }
0x273: {  	v2 =	vand.u32 $0x7F, v27;
	v0 =	vld.idx.msk [tilespmem:v1+s17+$0x0], $0xffff;
	v1 =	vor.u32 v34, v4  }
0x274: {  	v32 =	vld [tilespmem:$0x1FE50];
	v2 =	vor.u32 v2, v33;
	_ =	sdelay $0x3  }
0x275: {  	[tilespmem:v1+s22+$0x0] =	vst.idx.msk $0xffff, v0  }
0x276: {  	v1 =	vor.u32 v32, v4;
	v0 =	vld.idx.msk [tilespmem:v2+s17+$0x0], $0xffff;
	v2 =	vand.u32 $0x7F, v28  }
0x277: {  	v27 =	vld [tilespmem:$0x1FE60];
	v2 =	vor.u32 v2, v29;
	_ =	sdelay $0x3  }
0x278: {  	[tilespmem:v1+s22+$0x0] =	vst.idx.msk $0xffff, v0  }
0x279: {  	v1 =	vor.u32 v27, v4;
	v0 =	vld.idx.msk [tilespmem:v2+s17+$0x0], $0xffff;
	v2 =	vand.u32 $0x7F, v26  }
0x27a: {  	v26 =	vld [tilespmem:$0x1FE80];
	v2 =	vor.u32 v2, v31;
	_ =	sdelay $0x3  }
0x27b: {  	[tilespmem:v1+s22+$0x0] =	vst.idx.msk $0xffff, v0  }
0x27c: {  	v1 =	vor.u32 v26, v4;
	v0 =	vld.idx.msk [tilespmem:v2+s17+$0x0], $0xffff;
	v2 =	vand.u32 $0x7F, v23  }
0x27d: {  	v23 =	vld [tilespmem:$0x1FE90];
	v2 =	vor.u32 v2, v25;
	_ =	sdelay $0x3  }
0x27e: {  	[tilespmem:v1+s22+$0x0] =	vst.idx.msk $0xffff, v0  }
0x27f: {  	v1 =	vor.u32 v23, v4;
	v0 =	vld.idx.msk [tilespmem:v2+s17+$0x0], $0xffff;
	v2 =	vand.u32 $0x7F, v22  }
0x280: {  	v22 =	vld [tilespmem:$0x1FEA0];
	v2 =	vor.u32 v2, v24;
	_ =	sdelay $0x3  }
0x281: {  	[tilespmem:v1+s22+$0x0] =	vst.idx.msk $0xffff, v0  }
0x282: {  	v1 =	vor.u32 v22, v4;
	v0 =	vld.idx.msk [tilespmem:v2+s17+$0x0], $0xffff;
	v2 =	vand.u32 $0x7F, v19  }
0x283: {  	v2 =	vor.u32 v2, v21;
	v21 =	vld [tilespmem:$0x1FEB0];
	_ =	sdelay $0x3  }
0x284: {  	[tilespmem:v1+s22+$0x0] =	vst.idx.msk $0xffff, v0  }
0x285: {  	v0 =	vld.idx.msk [tilespmem:v2+s17+$0x0], $0xffff;
	v1 =	vor.u32 v21, v4;
	v2 =	vand.u32 $0x7F, v18  }
0x286: {  	v18 =	vld [tilespmem:$0x1FF20];
	v2 =	vor.u32 v2, v20;
	_ =	sdelay $0x3  }
0x287: {  	[tilespmem:v1+s22+$0x0] =	vst.idx.msk $0xffff, v0  }
0x288: {  	v1 =	vor.u32 v18, v4;
	v0 =	vld.idx.msk [tilespmem:v2+s17+$0x0], $0xffff;
	v2 =	vand.u32 $0x7F, v15  }
0x289: {  	v15 =	vld [tilespmem:$0x1FEC0];
	v2 =	vor.u32 v2, v16;
	_ =	sdelay $0x3  }
0x28a: {  	[tilespmem:v1+s22+$0x0] =	vst.idx.msk $0xffff, v0  }
0x28b: {  	v1 =	vor.u32 v15, v4;
	v0 =	vld.idx.msk [tilespmem:v2+s17+$0x0], $0xffff;
	v2 =	vand.u32 $0x7F, v14  }
0x28c: {  	v14 =	vld [tilespmem:$0x1FED0];
	v2 =	vor.u32 v2, v17;
	_ =	sdelay $0x3  }
0x28d: {  	[tilespmem:v1+s22+$0x0] =	vst.idx.msk $0xffff, v0  }
0x28e: {  	v1 =	vor.u32 v14, v4;
	v0 =	vld.idx.msk [tilespmem:v2+s17+$0x0], $0xffff;
	v2 =	vand.u32 $0x7F, v11  }
0x28f: {  	v11 =	vld [tilespmem:$0x1FEE0];
	v2 =	vor.u32 v2, v13;
	_ =	sdelay $0x3  }
0x290: {  	[tilespmem:v1+s22+$0x0] =	vst.idx.msk $0xffff, v0  }
0x291: {  	v1 =	vor.u32 v11, v4;
	v0 =	vld.idx.msk [tilespmem:v2+s17+$0x0], $0xffff;
	v2 =	vand.u32 $0x7F, v8  }
0x292: {  	v2 =	vor.u32 v2, v12;
	v12 =	vld [tilespmem:$0x1FEF0];
	_ =	sdelay $0x2  }
0x293: {  	v5 =	vld [tilespmem:$0x1FF10]  }
0x294: {  	v58 =	vld [tilespmem:$0x1FFF0];
	[tilespmem:v1+s22+$0x0] =	vst.idx.msk $0xffff, v0  }
0x295: {  	v0 =	vld.idx.msk [tilespmem:v2+s17+$0x0], $0xffff;
	v1 =	vor.u32 v12, v4;
	v2 =	vand.u32 $0x7F, v9  }
0x296: {  	v13 =	vld [tilespmem:$0x1FF00];
	v2 =	vor.u32 v2, v10  }
0x297: {  	v42 =	vld [tilespmem:$0x1FD30]  }
0x298: {  	v41 =	vld [tilespmem:$0x1FD20]  }
0x299: {  	v43 =	vld [tilespmem:$0x1FD50]  }
0x29a: {  	v39 =	vld [tilespmem:$0x1FD40];
	[tilespmem:v1+s22+$0x0] =	vst.idx.msk $0xffff, v0  }
0x29b: {  	v1 =	vor.u32 v13, v4;
	v0 =	vld.idx.msk [tilespmem:v2+s17+$0x0], $0xffff;
	v2 =	vand.u32 $0x7F, v6  }
0x29c: {  	p2 =	sne.s32 s5, $0xF0;
	v40 =	vld [tilespmem:$0x1FE30];
	v2 =	vor.u32 v2, v7  }
.Ltmp2:
0x29d: {  	v33 =	vld [tilespmem:$0x1FF50];
	(pc) =	sbr.rel @p2 .LBB2_3-.Ltmp2, $4  }
0x29e: {  	v29 =	vld [tilespmem:$0x1FF30]  }
0x29f: {  	v31 =	vld [tilespmem:$0x1FF40]  }
0x2a0: {  	v59 =	vmov v61;
	v5 =	vor.u32 v5, v4;
	v60 =	vmov v62;
	v20 =	vld [tilespmem:$0x1FFE0];
	[tilespmem:v1+s22+$0x0] =	vst.idx.msk $0xffff, v0  }
0x2a1: {  	s5 =	sadd.s32 $0x10, s5;
	v36 =	vlaneseq.u32;
	v25 =	vmovc v55;
	v24 =	vmovc v63;
	v16 =	vmov v49;
	v17 =	vmov v51;
	v0 =	vld.idx.msk [tilespmem:v2+s17+$0x0], $0xffff  }
0x2a2: {  	v45 =	vld [tilespmem:$0x1FBA0]  }
0x2a3: {  	v44 =	vld [tilespmem:$0x1FB90]  }
0x2a4: {  	v38 =	vld [tilespmem:$0x1FB80];
	s0 =	sadd.s32 s1, s3  }
.Ltmp3:
0x2a5: {  	v19 =	vld [tilespmem:$0x1FB70];
	s5 =	sshll.u32 s0, $0x8;
	(pc) =	sbr.rel @p0 .LBB2_6-.Ltmp3, $4  }
0x2a6: {  	v10 =	vld [tilespmem:$0x1FB60];
	s0 =	sshll.u32 s0, $0xA;
	s5 =	sand.u32 $0x3E00, s5  }
0x2a7: {  	v9 =	vld [tilespmem:$0x1FB50];
	s0 =	sand.u32 $0xFFF0000, s0;
	s5 =	sadd.s32 s4, s5  }
0x2a8: {  	v8 =	vld [tilespmem:$0x1FB40];
	[tilespmem:v5+s22+$0x0] =	vst.idx.msk $0xffff, v0;
	s0 =	sadd.s32 s0, s5  }
0x2a9: {  	v7 =	vld [tilespmem:$0x1FB30];
	[hbm4b:s0+s23] =	stream.strided.scatter [tilespmem:s22], [sflag:$0x3], $0x2000, s24, s23, $0x38  }
0x2aa: {  	_ =	swait.ge [sflag:s14], $0x100  }
0x2ab: {  	[sflag:s14] =	ssyncset.done $0x0  }
0x2ac: {  	[sflag:s14] =	ssyncadd.s32 $0xFFFFFF00  }
0x2ad: {  	v0 =	vld [tilespmem:$0x0]  }
0x2ae: {  	v1 =	vld [tilespmem:$0x10];
	_ =	sdelay $0x2  }
0x2af: {  	v2 =	vld [tilespmem:$0x20]  }
0x2b0: {  	v3 =	vshrl.u32 v0, $0x2  }
0x2b1: {  	v0 =	vshll.u32 v0, $0x5;
	v37 =	vshrl.u32 v1, $0x2;
	[tilespmem:$0x200] =	vst v3;
	v3 =	vld [tilespmem:$0x30]  }
0x2b2: {  	v1 =	vshll.u32 v1, $0x5;
	v0 =	vand.u32 $0x60, v0;
	[tilespmem:$0x210] =	vst v37  }
0x2b3: {  	v54 =	vand.u32 $0x60, v1;
	v1 =	vld [tilespmem:$0x40];
	[tilespmem:$0x400] =	vst v0  }
0x2b4: {  	v37 =	vshrl.u32 v2, $0x2;
	v2 =	vshll.u32 v2, $0x5;
	[tilespmem:$0x410] =	vst v54  }
0x2b5: {  	[tilespmem:$0x220] =	vst v37;
	v54 =	vand.u32 $0x60, v2;
	v2 =	vld [tilespmem:$0x50]  }
0x2b6: {  	[tilespmem:$0x420] =	vst v54;
	v37 =	vshrl.u32 v3, $0x2;
	v3 =	vshll.u32 v3, $0x5  }
0x2b7: {  	[tilespmem:$0x230] =	vst v37;
	v54 =	vand.u32 $0x60, v3;
	v3 =	vld [tilespmem:$0x60]  }
0x2b8: {  	v37 =	vshrl.u32 v1, $0x2;
	v1 =	vshll.u32 v1, $0x5;
	[tilespmem:$0x430] =	vst v54  }
0x2b9: {  	[tilespmem:$0x240] =	vst v37;
	v54 =	vand.u32 $0x60, v1;
	v1 =	vld [tilespmem:$0x70]  }
0x2ba: {  	v37 =	vshrl.u32 v2, $0x2;
	v2 =	vshll.u32 v2, $0x5;
	[tilespmem:$0x440] =	vst v54  }
0x2bb: {  	[tilespmem:$0x250] =	vst v37;
	v54 =	vand.u32 $0x60, v2;
	v2 =	vld [tilespmem:$0x80]  }
0x2bc: {  	[tilespmem:$0x450] =	vst v54;
	v37 =	vshrl.u32 v3, $0x2;
	v3 =	vshll.u32 v3, $0x5  }
0x2bd: {  	[tilespmem:$0x260] =	vst v37;
	v54 =	vand.u32 $0x60, v3;
	v3 =	vld [tilespmem:$0x90]  }
0x2be: {  	v37 =	vshrl.u32 v1, $0x2;
	v1 =	vshll.u32 v1, $0x5;
	[tilespmem:$0x460] =	vst v54  }
0x2bf: {  	[tilespmem:$0x270] =	vst v37;
	v54 =	vand.u32 $0x60, v1;
	v1 =	vld [tilespmem:$0xA0]  }
0x2c0: {  	v37 =	vshrl.u32 v2, $0x2;
	v2 =	vshll.u32 v2, $0x5;
	[tilespmem:$0x470] =	vst v54  }
0x2c1: {  	[tilespmem:$0x280] =	vst v37;
	v54 =	vand.u32 $0x60, v2;
	v2 =	vld [tilespmem:$0xB0]  }
0x2c2: {  	[tilespmem:$0x480] =	vst v54;
	v37 =	vshrl.u32 v3, $0x2;
	v3 =	vshll.u32 v3, $0x5  }
0x2c3: {  	[tilespmem:$0x290] =	vst v37;
	v54 =	vand.u32 $0x60, v3;
	v3 =	vld [tilespmem:$0xC0]  }
0x2c4: {  	v37 =	vshrl.u32 v1, $0x2;
	v1 =	vshll.u32 v1, $0x5;
	[tilespmem:$0x490] =	vst v54  }
0x2c5: {  	[tilespmem:$0x2A0] =	vst v37;
	v54 =	vand.u32 $0x60, v1;
	v1 =	vld [tilespmem:$0xD0]  }
0x2c6: {  	v37 =	vshrl.u32 v2, $0x2;
	v2 =	vshll.u32 v2, $0x5;
	[tilespmem:$0x4A0] =	vst v54  }
0x2c7: {  	[tilespmem:$0x2B0] =	vst v37;
	v54 =	vand.u32 $0x60, v2;
	v2 =	vld [tilespmem:$0xE0]  }
0x2c8: {  	[tilespmem:$0x4B0] =	vst v54;
	v37 =	vshrl.u32 v3, $0x2;
	v3 =	vshll.u32 v3, $0x5  }
0x2c9: {  	[tilespmem:$0x2C0] =	vst v37;
	v54 =	vand.u32 $0x60, v3;
	v3 =	vld [tilespmem:$0xF0]  }
0x2ca: {  	v37 =	vshrl.u32 v1, $0x2;
	v1 =	vshll.u32 v1, $0x5;
	[tilespmem:$0x4C0] =	vst v54  }
0x2cb: {  	[tilespmem:$0x2D0] =	vst v37;
	v54 =	vand.u32 $0x60, v1  }
0x2cc: {  	v37 =	vshrl.u32 v2, $0x2;
	[tilespmem:$0x4D0] =	vst v54;
	v54 =	vshll.u32 v2, $0x5  }
0x2cd: {  	s0 =	sadd.s32 s3, s10;
	[tilespmem:$0x2E0] =	vst v37;
	v37 =	vand.u32 $0x60, v54  }
0x2ce: {  	s5 =	sshll.u32 s0, $0x5;
	s8 =	sshll.u32 s0, $0x8;
	s0 =	sshrl.u32 s0, $0x2;
	[tilespmem:$0x4E0] =	vst v37;
	v54 =	vshrl.u32 v3, $0x2;
	v37 =	vshll.u32 v3, $0x5  }
0x2cf: {  	s5 =	sand.u32 $0xFFFC000, s5;
	s8 =	sand.u32 $0x3F00, s8;
	s0 =	sand.u32 $0x70, s0;
	[tilespmem:$0x2F0] =	vst v54;
	v54 =	vand.u32 $0x60, v37  }
0x2d0: {  	s5 =	sor.u32 s5, s8;
	s0 =	sadd.s32 s2, s0;
	[tilespmem:$0x4F0] =	vst v54  }
0x2d1: {  	[tilespmem:s17], [sflag:$0x1] =	stream.indirect.gather [hbm4b:s7+s15], $0x80, s16, s15, $0xb8;
	[tilespmem:$0x14600] =	vst v63  }
0x2d2: {  	s0 =	sadd.s32 s5, s0  }
0x2d3: {  	[tilespmem:s15], [sflag:$0x6] =	stream.strided.gather [hbm4b:s0+s12], $0x100, s13, s12, $0x38;
	[tilespmem:$0x14600] =	vst v63  }
.LBB2_6:
0x2d4: {  	_ =	swait.ge [sflag:s25], $0x8000  }
0x2d5: {  	[sflag:s25] =	ssyncset.done $0x0  }
0x2d6: {  	s0 =	simm.s32 @!p1 $0x4;
	[sflag:s25] =	ssyncadd.s32 $0xFFFF8000  }
0x2d7: {  	_ =	swait.ge @!p1 [sflag:s0], $0x2000  }
0x2d8: {  	[sflag:s0] =	ssyncset.done @!p1 $0x0  }
0x2d9: {  	[sflag:s0] =	ssyncadd.s32 @!p1 $0xFFFFE000;
	s0 =	simm.s32 $0x500  }
0x2da: {  	v4 =	vld [tilespmem:s0+$0x0];
	_ =	sdelay $0x3  }
0x2db: {  	s5 =	simm.s32 $0x0  }
0x2dc: {  	v0 =	vor.u32 s5, v36;
	v1 =	vadd.s32 v36, v4  }
0x2dd: {  	v5 =	vshll.u32 v0, $0x7;
	v2 =	vand.u32 $0xFFFFFF80, v1  }
0x2de: {  	v1 =	vand.u32 $0x7F, v1;
	v2 =	vadd.s32 v5, v2  }
0x2df: {  	v1 =	vor.u32 v1, v2  }
0x2e0: {  	v2 =	vmov s5  }
0x2e1: {  	v2 =	vshll.u32 v2, $0x3  }
0x2e2: {  	v0 =	vand.u32 $0x7F, v0;
	v3 =	vadd.s32 v40, v4;
	v2 =	vand.u32 $0x400, v2  }
0x2e3: {  	v6 =	vor.u32 v2, v0;
	v0 =	vand.u32 $0xFFFFFF80, v3  }
0x2e4: {  	v3 =	vand.u32 $0x7F, v3;
	v0 =	vadd.s32 v5, v0;
	v2 =	vor.u32 v39, v6;
	v1 =	vld.idx.msk [tilespmem:v1+s20+$0x0], $0xffff  }
0x2e5: {  	v0 =	vor.u32 v3, v0;
	_ =	sdelay $0x2  }
0x2e6: {  	v3 =	vadd.s32 v41, v4  }
0x2e7: {  	[tilespmem:v2+s26+$0x0] =	vst.idx.msk $0xffff, v1;
	v1 =	vand.u32 $0xFFFFFF80, v3  }
0x2e8: {  	v2 =	vor.u32 v58, v6;
	v3 =	vand.u32 $0x7F, v3;
	v1 =	vadd.s32 v5, v1;
	v0 =	vld.idx.msk [tilespmem:v0+s20+$0x0], $0xffff  }
0x2e9: {  	v1 =	vor.u32 v3, v1;
	_ =	sdelay $0x2  }
0x2ea: {  	v3 =	vadd.s32 v42, v4  }
0x2eb: {  	[tilespmem:v2+s26+$0x0] =	vst.idx.msk $0xffff, v0;
	v0 =	vand.u32 $0xFFFFFF80, v3  }
0x2ec: {  	v2 =	vor.u32 v16, v6;
	v3 =	vand.u32 $0x7F, v3;
	v0 =	vadd.s32 v5, v0;
	v1 =	vld.idx.msk [tilespmem:v1+s20+$0x0], $0xffff  }
0x2ed: {  	v0 =	vor.u32 v3, v0;
	_ =	sdelay $0x3  }
0x2ee: {  	[tilespmem:v2+s26+$0x0] =	vst.idx.msk $0xffff, v1  }
0x2ef: {  	v2 =	vor.u32 v17, v6;
	v0 =	vld.idx.msk [tilespmem:v0+s20+$0x0], $0xffff;
	_ =	sdelay $0x1  }
0x2f0: {  	v3 =	vadd.s32 v43, v4  }
0x2f1: {  	v1 =	vand.u32 $0xFFFFFF80, v3  }
0x2f2: {  	v3 =	vand.u32 $0x7F, v3;
	v1 =	vadd.s32 v5, v1  }
0x2f3: {  	v1 =	vor.u32 v3, v1;
	[tilespmem:v2+s26+$0x0] =	vst.idx.msk $0xffff, v0;
	v2 =	vld [tilespmem:$0x1FD60];
	_ =	sdelay $0x4  }
0x2f4: {  	v1 =	vld.idx.msk [tilespmem:v1+s20+$0x0], $0xffff;
	v2 =	vor.u32 v2, v6;
	_ =	sdelay $0x1  }
0x2f5: {  	v3 =	vadd.s32 v20, v4  }
0x2f6: {  	v0 =	vand.u32 $0xFFFFFF80, v3  }
0x2f7: {  	v3 =	vand.u32 $0x7F, v3;
	v0 =	vadd.s32 v5, v0  }
0x2f8: {  	v0 =	vor.u32 v3, v0;
	[tilespmem:v2+s26+$0x0] =	vst.idx.msk $0xffff, v1;
	v2 =	vld [tilespmem:$0x1FD70];
	_ =	sdelay $0x4  }
0x2f9: {  	v0 =	vld.idx.msk [tilespmem:v0+s20+$0x0], $0xffff;
	v2 =	vor.u32 v2, v6;
	_ =	sdelay $0x1  }
0x2fa: {  	v3 =	vadd.s32 v31, v4  }
0x2fb: {  	v1 =	vand.u32 $0xFFFFFF80, v3  }
0x2fc: {  	v3 =	vand.u32 $0x7F, v3;
	v1 =	vadd.s32 v5, v1  }
0x2fd: {  	v1 =	vor.u32 v3, v1;
	[tilespmem:v2+s26+$0x0] =	vst.idx.msk $0xffff, v0;
	v2 =	vld [tilespmem:$0x1FD80];
	_ =	sdelay $0x2  }
0x2fe: {  	v3 =	vadd.s32 v33, v4  }
0x2ff: {  	v24 =	vld [tilespmem:$0x1FF60];
	v0 =	vand.u32 $0xFFFFFF80, v3  }
0x300: {  	v3 =	vand.u32 $0x7F, v3;
	v0 =	vadd.s32 v5, v0;
	v1 =	vld.idx.msk [tilespmem:v1+s20+$0x0], $0xffff;
	v2 =	vor.u32 v2, v6  }
0x301: {  	v0 =	vor.u32 v3, v0;
	_ =	sdelay $0x2  }
0x302: {  	v3 =	vadd.s32 v24, v4  }
0x303: {  	[tilespmem:v2+s26+$0x0] =	vst.idx.msk $0xffff, v1;
	v1 =	vand.u32 $0xFFFFFF80, v3  }
0x304: {  	v2 =	vor.u32 v57, v6;
	v3 =	vand.u32 $0x7F, v3;
	v1 =	vadd.s32 v5, v1;
	v0 =	vld.idx.msk [tilespmem:v0+s20+$0x0], $0xffff  }
0x305: {  	v25 =	vld [tilespmem:$0x1FF70];
	v1 =	vor.u32 v3, v1;
	_ =	sdelay $0x3  }
0x306: {  	v28 =	vld [tilespmem:$0x1FF80];
	[tilespmem:v2+s26+$0x0] =	vst.idx.msk $0xffff, v0  }
0x307: {  	v3 =	vadd.s32 v25, v4;
	v2 =	vor.u32 v52, v6;
	v1 =	vld.idx.msk [tilespmem:v1+s20+$0x0], $0xffff  }
0x308: {  	v0 =	vand.u32 $0xFFFFFF80, v3  }
0x309: {  	v3 =	vand.u32 $0x7F, v3;
	v0 =	vadd.s32 v5, v0  }
0x30a: {  	v0 =	vor.u32 v3, v0  }
0x30b: {  	v3 =	vadd.s32 v28, v4  }
0x30c: {  	[tilespmem:v2+s26+$0x0] =	vst.idx.msk $0xffff, v1;
	v1 =	vand.u32 $0xFFFFFF80, v3  }
0x30d: {  	v3 =	vand.u32 $0x7F, v3;
	v1 =	vadd.s32 v5, v1  }
0x30e: {  	v1 =	vor.u32 v3, v1;
	v3 =	vld [tilespmem:$0x1FF90]  }
0x30f: {  	v2 =	vor.u32 v48, v6;
	v0 =	vld.idx.msk [tilespmem:v0+s20+$0x0], $0xffff;
	_ =	sdelay $0x3  }
0x310: {  	v3 =	vadd.s32 v3, v4  }
0x311: {  	[tilespmem:v2+s26+$0x0] =	vst.idx.msk $0xffff, v0;
	v0 =	vand.u32 $0xFFFFFF80, v3  }
0x312: {  	v3 =	vand.u32 $0x7F, v3;
	v0 =	vadd.s32 v5, v0  }
0x313: {  	v0 =	vor.u32 v3, v0;
	v3 =	vld [tilespmem:$0x1FFA0]  }
0x314: {  	v2 =	vor.u32 v50, v6;
	v1 =	vld.idx.msk [tilespmem:v1+s20+$0x0], $0xffff;
	_ =	sdelay $0x3  }
0x315: {  	v3 =	vadd.s32 v3, v4  }
0x316: {  	[tilespmem:v2+s26+$0x0] =	vst.idx.msk $0xffff, v1;
	v1 =	vand.u32 $0xFFFFFF80, v3  }
0x317: {  	v3 =	vand.u32 $0x7F, v3;
	v1 =	vadd.s32 v5, v1  }
0x318: {  	v1 =	vor.u32 v3, v1;
	v3 =	vld [tilespmem:$0x1FFB0]  }
0x319: {  	v2 =	vor.u32 v46, v6;
	v0 =	vld.idx.msk [tilespmem:v0+s20+$0x0], $0xffff;
	_ =	sdelay $0x3  }
0x31a: {  	v3 =	vadd.s32 v3, v4  }
0x31b: {  	[tilespmem:v2+s26+$0x0] =	vst.idx.msk $0xffff, v0;
	v0 =	vand.u32 $0xFFFFFF80, v3  }
0x31c: {  	v3 =	vand.u32 $0x7F, v3;
	v0 =	vadd.s32 v5, v0  }
0x31d: {  	v0 =	vor.u32 v3, v0;
	v3 =	vld [tilespmem:$0x1FFC0]  }
0x31e: {  	v2 =	vor.u32 v47, v6;
	v1 =	vld.idx.msk [tilespmem:v1+s20+$0x0], $0xffff;
	_ =	sdelay $0x3  }
0x31f: {  	v3 =	vadd.s32 v3, v4  }
0x320: {  	[tilespmem:v2+s26+$0x0] =	vst.idx.msk $0xffff, v1;
	v1 =	vand.u32 $0xFFFFFF80, v3  }
0x321: {  	v3 =	vand.u32 $0x7F, v3;
	v1 =	vadd.s32 v5, v1  }
0x322: {  	v1 =	vor.u32 v3, v1;
	v3 =	vld [tilespmem:$0x1FFD0]  }
0x323: {  	v2 =	vor.u32 v53, v6;
	v0 =	vld.idx.msk [tilespmem:v0+s20+$0x0], $0xffff;
	_ =	sdelay $0x3  }
0x324: {  	v3 =	vadd.s32 v3, v4  }
0x325: {  	[tilespmem:v2+s26+$0x0] =	vst.idx.msk $0xffff, v0;
	v0 =	vand.u32 $0xFFFFFF80, v3  }
0x326: {  	v2 =	vor.u32 v56, v6;
	v1 =	vld.idx.msk [tilespmem:v1+s20+$0x0], $0xffff;
	v3 =	vand.u32 $0x7F, v3;
	v0 =	vadd.s32 v5, v0  }
0x327: {  	v0 =	vor.u32 v3, v0;
	_ =	sdelay $0x1  }
0x328: {  	v37 =	vld [tilespmem:$0x1FB20];
	_ =	sdelay $0x1  }
0x329: {  	[tilespmem:v2+s26+$0x0] =	vst.idx.msk $0xffff, v1  }
0x32a: {  	v2 =	vor.u32 v30, v6;
	v0 =	vld.idx.msk [tilespmem:v0+s20+$0x0], $0xffff;
	_ =	sdelay $0x1  }
0x32b: {  	v3 =	vadd.s32 v37, v4  }
0x32c: {  	v1 =	vand.u32 $0xFFFFFF80, v3  }
0x32d: {  	v3 =	vand.u32 $0x7F, v3;
	v1 =	vadd.s32 v5, v1  }
0x32e: {  	v1 =	vor.u32 v3, v1;
	[tilespmem:v2+s26+$0x0] =	vst.idx.msk $0xffff, v0;
	v2 =	vld [tilespmem:$0x1FE20];
	_ =	sdelay $0x2  }
0x32f: {  	v3 =	vadd.s32 v7, v4  }
0x330: {  	v0 =	vand.u32 $0xFFFFFF80, v3  }
0x331: {  	v3 =	vand.u32 $0x7F, v3;
	v0 =	vadd.s32 v5, v0;
	v1 =	vld.idx.msk [tilespmem:v1+s20+$0x0], $0xffff;
	v2 =	vor.u32 v2, v6  }
0x332: {  	v0 =	vor.u32 v3, v0;
	_ =	sdelay $0x2  }
0x333: {  	v3 =	vadd.s32 v8, v4  }
0x334: {  	[tilespmem:v2+s26+$0x0] =	vst.idx.msk $0xffff, v1;
	v1 =	vand.u32 $0xFFFFFF80, v3  }
0x335: {  	v2 =	vor.u32 v35, v6;
	v3 =	vand.u32 $0x7F, v3;
	v1 =	vadd.s32 v5, v1;
	v0 =	vld.idx.msk [tilespmem:v0+s20+$0x0], $0xffff  }
0x336: {  	v1 =	vor.u32 v3, v1;
	_ =	sdelay $0x2  }
0x337: {  	v3 =	vadd.s32 v9, v4  }
0x338: {  	[tilespmem:v2+s26+$0x0] =	vst.idx.msk $0xffff, v0;
	v0 =	vand.u32 $0xFFFFFF80, v3  }
0x339: {  	v2 =	vor.u32 v34, v6;
	v3 =	vand.u32 $0x7F, v3;
	v0 =	vadd.s32 v5, v0;
	v1 =	vld.idx.msk [tilespmem:v1+s20+$0x0], $0xffff  }
0x33a: {  	v0 =	vor.u32 v3, v0;
	_ =	sdelay $0x2  }
0x33b: {  	v3 =	vadd.s32 v29, v4  }
0x33c: {  	[tilespmem:v2+s26+$0x0] =	vst.idx.msk $0xffff, v1;
	v1 =	vand.u32 $0xFFFFFF80, v3  }
0x33d: {  	v2 =	vor.u32 v32, v6;
	v3 =	vand.u32 $0x7F, v3;
	v1 =	vadd.s32 v5, v1;
	v0 =	vld.idx.msk [tilespmem:v0+s20+$0x0], $0xffff  }
0x33e: {  	v1 =	vor.u32 v3, v1;
	_ =	sdelay $0x2  }
0x33f: {  	v3 =	vadd.s32 v10, v4  }
0x340: {  	[tilespmem:v2+s26+$0x0] =	vst.idx.msk $0xffff, v0;
	v0 =	vand.u32 $0xFFFFFF80, v3  }
0x341: {  	v2 =	vor.u32 v27, v6;
	v3 =	vand.u32 $0x7F, v3;
	v0 =	vadd.s32 v5, v0;
	v1 =	vld.idx.msk [tilespmem:v1+s20+$0x0], $0xffff  }
0x342: {  	v0 =	vor.u32 v3, v0;
	_ =	sdelay $0x2  }
0x343: {  	v3 =	vadd.s32 v55, v4  }
0x344: {  	[tilespmem:v2+s26+$0x0] =	vst.idx.msk $0xffff, v1;
	v1 =	vand.u32 $0xFFFFFF80, v3  }
0x345: {  	v2 =	vor.u32 v26, v6;
	v3 =	vand.u32 $0x7F, v3;
	v1 =	vadd.s32 v5, v1;
	v0 =	vld.idx.msk [tilespmem:v0+s20+$0x0], $0xffff  }
0x346: {  	v1 =	vor.u32 v3, v1;
	_ =	sdelay $0x2  }
0x347: {  	v3 =	vadd.s32 v19, v4  }
0x348: {  	[tilespmem:v2+s26+$0x0] =	vst.idx.msk $0xffff, v0;
	v0 =	vand.u32 $0xFFFFFF80, v3  }
0x349: {  	v2 =	vor.u32 v23, v6;
	v3 =	vand.u32 $0x7F, v3;
	v0 =	vadd.s32 v5, v0;
	v1 =	vld.idx.msk [tilespmem:v1+s20+$0x0], $0xffff  }
0x34a: {  	v0 =	vor.u32 v3, v0;
	_ =	sdelay $0x2  }
0x34b: {  	v3 =	vadd.s32 v63, v4  }
0x34c: {  	[tilespmem:v2+s26+$0x0] =	vst.idx.msk $0xffff, v1;
	v1 =	vand.u32 $0xFFFFFF80, v3  }
0x34d: {  	v2 =	vor.u32 v22, v6;
	v3 =	vand.u32 $0x7F, v3;
	v1 =	vadd.s32 v5, v1;
	v0 =	vld.idx.msk [tilespmem:v0+s20+$0x0], $0xffff  }
0x34e: {  	v1 =	vor.u32 v3, v1;
	_ =	sdelay $0x2  }
0x34f: {  	v3 =	vadd.s32 v38, v4  }
0x350: {  	[tilespmem:v2+s26+$0x0] =	vst.idx.msk $0xffff, v0;
	v0 =	vand.u32 $0xFFFFFF80, v3  }
0x351: {  	v2 =	vor.u32 v21, v6;
	v3 =	vand.u32 $0x7F, v3;
	v0 =	vadd.s32 v5, v0;
	v1 =	vld.idx.msk [tilespmem:v1+s20+$0x0], $0xffff  }
0x352: {  	v0 =	vor.u32 v3, v0;
	_ =	sdelay $0x2  }
0x353: {  	v3 =	vadd.s32 v44, v4  }
0x354: {  	[tilespmem:v2+s26+$0x0] =	vst.idx.msk $0xffff, v1;
	v1 =	vand.u32 $0xFFFFFF80, v3  }
0x355: {  	v2 =	vor.u32 v18, v6;
	v3 =	vand.u32 $0x7F, v3;
	v1 =	vadd.s32 v5, v1;
	v0 =	vld.idx.msk [tilespmem:v0+s20+$0x0], $0xffff  }
0x356: {  	v1 =	vor.u32 v3, v1;
	_ =	sdelay $0x2  }
0x357: {  	v3 =	vadd.s32 v45, v4  }
0x358: {  	[tilespmem:v2+s26+$0x0] =	vst.idx.msk $0xffff, v0;
	v0 =	vand.u32 $0xFFFFFF80, v3  }
0x359: {  	v2 =	vor.u32 v15, v6;
	v3 =	vand.u32 $0x7F, v3;
	v0 =	vadd.s32 v5, v0;
	v1 =	vld.idx.msk [tilespmem:v1+s20+$0x0], $0xffff  }
0x35a: {  	v0 =	vor.u32 v3, v0;
	_ =	sdelay $0x3  }
0x35b: {  	[tilespmem:v2+s26+$0x0] =	vst.idx.msk $0xffff, v1  }
0x35c: {  	v3 =	vadd.s32 v59, v4;
	v2 =	vor.u32 v14, v6;
	v0 =	vld.idx.msk [tilespmem:v0+s20+$0x0], $0xffff  }
0x35d: {  	v1 =	vand.u32 $0xFFFFFF80, v3  }
0x35e: {  	v3 =	vand.u32 $0x7F, v3;
	v1 =	vadd.s32 v5, v1  }
0x35f: {  	v1 =	vor.u32 v3, v1  }
0x360: {  	v3 =	vadd.s32 v60, v4  }
0x361: {  	[tilespmem:v2+s26+$0x0] =	vst.idx.msk $0xffff, v0;
	v0 =	vand.u32 $0xFFFFFF80, v3  }
0x362: {  	v3 =	vand.u32 $0x7F, v3;
	v0 =	vadd.s32 v5, v0  }
0x363: {  	v0 =	vor.u32 v3, v0;
	v3 =	vld [tilespmem:$0x1FD00]  }
0x364: {  	v2 =	vor.u32 v11, v6;
	v1 =	vld.idx.msk [tilespmem:v1+s20+$0x0], $0xffff;
	_ =	sdelay $0x3  }
0x365: {  	[tilespmem:$0x1FB00] =	vst v55;
	v55 =	vmov v3;
	v3 =	vadd.s32 v3, v4  }
0x366: {  	[tilespmem:v2+s26+$0x0] =	vst.idx.msk $0xffff, v1;
	v1 =	vand.u32 $0xFFFFFF80, v3  }
0x367: {  	v2 =	vor.u32 v12, v6;
	v0 =	vld.idx.msk [tilespmem:v0+s20+$0x0], $0xffff;
	v3 =	vand.u32 $0x7F, v3;
	v1 =	vadd.s32 v5, v1  }
0x368: {  	v1 =	vor.u32 v3, v1;
	_ =	sdelay $0x1  }
0x369: {  	v3 =	vld [tilespmem:$0x1FD10];
	_ =	sdelay $0x1  }
0x36a: {  	[tilespmem:v2+s26+$0x0] =	vst.idx.msk $0xffff, v0  }
0x36b: {  	v2 =	vor.u32 v13, v6;
	v1 =	vld.idx.msk [tilespmem:v1+s20+$0x0], $0xffff;
	_ =	sdelay $0x1  }
0x36c: {  	[tilespmem:$0x1FB10] =	vst v63;
	v63 =	vmov v3;
	v3 =	vadd.s32 v3, v4  }
0x36d: {  	v0 =	vand.u32 $0xFFFFFF80, v3  }
0x36e: {  	v3 =	vand.u32 $0x7F, v3;
	v0 =	vadd.s32 v5, v0  }
0x36f: {  	v0 =	vor.u32 v3, v0;
	[tilespmem:v2+s26+$0x0] =	vst.idx.msk $0xffff, v1;
	v1 =	vld [tilespmem:$0x1FF10];
	_ =	sdelay $0x4  }
0x370: {  	s3 =	sor.u32 $0x1, s3;
	s5 =	simm.s32 $0x10;
	v0 =	vld.idx.msk [tilespmem:v0+s20+$0x0], $0xffff;
	v1 =	vor.u32 v1, v6  }
.LBB2_7:
0x371: {  	_ =	sdelay $0x3  }
0x372: {  	s0 =	sadd.s32 $0x10, s0;
	[tilespmem:v1+s26+$0x0] =	vst.idx.msk $0xffff, v0  }
0x373: {  	v3 =	vld [tilespmem:s0+$0x0];
	_ =	sdelay $0x3  }
0x374: {  	v2 =	vmov s5;
	s8 =	smov.u32 s5  }
0x375: {  	v0 =	vshll.u32 v2, $0x3;
	v1 =	vor.u32 s8, v36;
	v2 =	vadd.s32 v36, v3  }
0x376: {  	v0 =	vand.u32 $0x400, v0;
	v7 =	vshll.u32 v1, $0x7;
	v4 =	vand.u32 $0xFFFFFF80, v2  }
0x377: {  	v1 =	vand.u32 $0x7F, v1;
	v2 =	vand.u32 $0x7F, v2;
	v6 =	vadd.s32 v7, v4  }
0x378: {  	v4 =	vor.u32 v0, v1;
	v0 =	vor.u32 v2, v6;
	_ =	sdelay $0x4  }
0x379: {  	v14 =	vor.u32 v39, v4;
	v0 =	vld.idx.msk [tilespmem:v0+s20+$0x0], $0xffff;
	_ =	sdelay $0x4  }
0x37a: {  	[tilespmem:v14+s26+$0x0] =	vst.idx.msk $0xffff, v0;
	v14 =	vld [tilespmem:$0x1FFA0];
	_ =	sdelay $0x4  }
0x37b: {  	v15 =	vld [tilespmem:$0x1FF90];
	v11 =	vadd.s32 v43, v3;
	v43 =	vadd.s32 v14, v3  }
0x37c: {  	v14 =	vand.u32 $0xFFFFFF80, v43  }
0x37d: {  	v47 =	vadd.s32 v7, v14;
	v14 =	vld [tilespmem:$0x1FFC0];
	_ =	sdelay $0x2  }
0x37e: {  	v5 =	vadd.s32 v40, v3;
	v45 =	vadd.s32 v15, v3;
	v15 =	vld [tilespmem:$0x1FFB0]  }
0x37f: {  	v1 =	vand.u32 $0xFFFFFF80, v5  }
0x380: {  	v5 =	vand.u32 $0x7F, v5;
	v1 =	vadd.s32 v7, v1;
	v40 =	vadd.s32 v14, v3;
	v14 =	vld [tilespmem:$0x1FFD0]  }
0x381: {  	v38 =	vadd.s32 v41, v3;
	v5 =	vor.u32 v5, v1  }
0x382: {  	v8 =	vadd.s32 v42, v3;
	v2 =	vand.u32 $0xFFFFFF80, v38  }
0x383: {  	v6 =	vand.u32 $0x7F, v38;
	v10 =	vadd.s32 v7, v2;
	v41 =	vadd.s32 v15, v3  }
0x384: {  	v36 =	vadd.s32 v37, v3;
	v6 =	vor.u32 v6, v10;
	v10 =	vand.u32 $0xFFFFFF80, v41  }
0x385: {  	v44 =	vadd.s32 v7, v10;
	v10 =	vand.u32 $0xFFFFFF80, v40;
	v38 =	vadd.s32 v14, v3  }
0x386: {  	v15 =	vor.u32 v58, v4;
	v5 =	vld.idx.msk [tilespmem:v5+s20+$0x0], $0xffff;
	v42 =	vadd.s32 v7, v10;
	v10 =	vand.u32 $0xFFFFFF80, v38  }
0x387: {  	v39 =	vadd.s32 v7, v10;
	v10 =	vand.u32 $0xFFFFFF80, v36  }
0x388: {  	v37 =	vadd.s32 v7, v10;
	v10 =	vld [tilespmem:$0x1FB40]  }
0x389: {  	v2 =	vand.u32 $0xFFFFFF80, v8  }
0x38a: {  	v8 =	vand.u32 $0x7F, v8;
	v12 =	vadd.s32 v7, v2  }
0x38b: {  	[tilespmem:v15+s26+$0x0] =	vst.idx.msk $0xffff, v5;
	v5 =	vor.u32 v8, v12;
	v12 =	vld [tilespmem:$0x1FB60];
	_ =	sdelay $0x1  }
0x38c: {  	v53 =	vadd.s32 v31, v3;
	v31 =	vadd.s32 v10, v3;
	v10 =	vld [tilespmem:$0x1FB50];
	_ =	sdelay $0x1  }
0x38d: {  	v50 =	vadd.s32 v33, v3;
	v48 =	vadd.s32 v24, v3  }
0x38e: {  	v30 =	vadd.s32 v25, v3;
	v1 =	vand.u32 $0xFFFFFF80, v50;
	v25 =	vadd.s32 v12, v3;
	v12 =	vld [tilespmem:$0x1FB00]  }
0x38f: {  	v56 =	vadd.s32 v7, v1;
	v1 =	vand.u32 $0xFFFFFF80, v48  }
0x390: {  	v52 =	vadd.s32 v7, v1;
	v1 =	vadd.s32 v28, v3;
	v28 =	vadd.s32 v10, v3  }
0x391: {  	v27 =	vadd.s32 v29, v3;
	v8 =	vand.u32 $0xFFFFFF80, v28  }
0x392: {  	v32 =	vadd.s32 v7, v8;
	v8 =	vand.u32 $0xFFFFFF80, v27  }
0x393: {  	v23 =	vadd.s32 v12, v3;
	v29 =	vadd.s32 v7, v8;
	v8 =	vand.u32 $0xFFFFFF80, v25  }
0x394: {  	v26 =	vadd.s32 v7, v8;
	v8 =	vand.u32 $0xFFFFFF80, v23  }
0x395: {  	v24 =	vadd.s32 v7, v8;
	v8 =	vld [tilespmem:$0x1FB10]  }
0x396: {  	v14 =	vld [tilespmem:$0x1FB30]  }
0x397: {  	v12 =	vld [tilespmem:$0x1FB70];
	_ =	sdelay $0x2  }
0x398: {  	v18 =	vadd.s32 v8, v3;
	v8 =	vld [tilespmem:$0x1FB80]  }
0x399: {  	v33 =	vadd.s32 v14, v3  }
0x39a: {  	v9 =	vadd.s32 v20, v3;
	v20 =	vadd.s32 v12, v3;
	v58 =	vand.u32 $0xFFFFFF80, v33  }
0x39b: {  	v2 =	vand.u32 $0xFFFFFF80, v11;
	v35 =	vadd.s32 v7, v58;
	v58 =	vand.u32 $0xFFFFFF80, v20  }
0x39c: {  	v13 =	vadd.s32 v7, v2;
	v6 =	vld.idx.msk [tilespmem:v6+s20+$0x0], $0xffff;
	v22 =	vadd.s32 v7, v58;
	v10 =	vor.u32 v16, v4  }
0x39d: {  	v58 =	vand.u32 $0xFFFFFF80, v18;
	v16 =	vadd.s32 v8, v3;
	v8 =	vand.u32 $0x7F, v11  }
0x39e: {  	v21 =	vadd.s32 v7, v58;
	v58 =	vor.u32 v8, v13;
	v8 =	vld [tilespmem:$0x1FB90];
	_ =	sdelay $0x2  }
0x39f: {  	[tilespmem:v10+s26+$0x0] =	vst.idx.msk $0xffff, v6  }
0x3a0: {  	v10 =	vor.u32 v17, v4;
	v5 =	vld.idx.msk [tilespmem:v5+s20+$0x0], $0xffff  }
0x3a1: {  	v15 =	vadd.s32 v8, v3;
	v8 =	vld [tilespmem:$0x1FBA0];
	_ =	sdelay $0x3  }
0x3a2: {  	[tilespmem:v10+s26+$0x0] =	vst.idx.msk $0xffff, v5;
	v5 =	vadd.s32 v63, v3;
	v6 =	vand.u32 $0xFFFFFF80, v16  }
0x3a3: {  	v19 =	vadd.s32 v7, v6;
	v6 =	vand.u32 $0xFFFFFF80, v15;
	v13 =	vadd.s32 v8, v3  }
0x3a4: {  	v11 =	vadd.s32 v59, v3;
	v17 =	vadd.s32 v7, v6;
	v6 =	vand.u32 $0xFFFFFF80, v13  }
0x3a5: {  	v8 =	vadd.s32 v60, v3;
	v14 =	vadd.s32 v7, v6;
	v6 =	vadd.s32 v55, v3;
	v3 =	vld [tilespmem:$0x1FD60];
	_ =	sdelay $0x2  }
0x3a6: {  	v2 =	vand.u32 $0xFFFFFF80, v9  }
0x3a7: {  	v57 =	vadd.s32 v7, v2;
	v60 =	vand.u32 $0xFFFFFF80, v8  }
0x3a8: {  	v58 =	vld.idx.msk [tilespmem:v58+s20+$0x0], $0xffff;
	v10 =	vadd.s32 v7, v60;
	v60 =	vand.u32 $0x7F, v9;
	v3 =	vor.u32 v3, v4  }
0x3a9: {  	v57 =	vor.u32 v60, v57;
	_ =	sdelay $0x3  }
0x3aa: {  	[tilespmem:v3+s26+$0x0] =	vst.idx.msk $0xffff, v58  }
0x3ab: {  	v3 =	vld.idx.msk [tilespmem:v57+s20+$0x0], $0xffff  }
0x3ac: {  	v57 =	vld [tilespmem:$0x1FD70];
	_ =	sdelay $0x3  }
0x3ad: {  	v2 =	vand.u32 $0xFFFFFF80, v53  }
0x3ae: {  	v53 =	vand.u32 $0x7F, v53;
	v54 =	vadd.s32 v7, v2;
	v57 =	vor.u32 v57, v4  }
0x3af: {  	v53 =	vor.u32 v53, v54;
	v54 =	vld [tilespmem:$0x1FD80];
	_ =	sdelay $0x3  }
0x3b0: {  	[tilespmem:v57+s26+$0x0] =	vst.idx.msk $0xffff, v3  }
0x3b1: {  	v50 =	vand.u32 $0x7F, v50;
	v3 =	vld.idx.msk [tilespmem:v53+s20+$0x0], $0xffff;
	v53 =	vor.u32 v54, v4  }
0x3b2: {  	v50 =	vor.u32 v50, v56;
	v57 =	vld [tilespmem:$0x1FD90];
	_ =	sdelay $0x3  }
0x3b3: {  	[tilespmem:v53+s26+$0x0] =	vst.idx.msk $0xffff, v3  }
0x3b4: {  	v48 =	vand.u32 $0x7F, v48;
	v3 =	vld.idx.msk [tilespmem:v50+s20+$0x0], $0xffff;
	v50 =	vor.u32 v57, v4  }
0x3b5: {  	v48 =	vor.u32 v48, v52;
	v52 =	vld [tilespmem:$0x1FDA0];
	_ =	sdelay $0x3  }
0x3b6: {  	[tilespmem:v50+s26+$0x0] =	vst.idx.msk $0xffff, v3  }
0x3b7: {  	v3 =	vld.idx.msk [tilespmem:v48+s20+$0x0], $0xffff;
	v48 =	vor.u32 v52, v4;
	_ =	sdelay $0x2  }
0x3b8: {  	v2 =	vand.u32 $0xFFFFFF80, v30  }
0x3b9: {  	v30 =	vand.u32 $0x7F, v30;
	v46 =	vadd.s32 v7, v2  }
0x3ba: {  	v30 =	vor.u32 v30, v46;
	[tilespmem:v48+s26+$0x0] =	vst.idx.msk $0xffff, v3;
	v48 =	vld [tilespmem:$0x1FDB0];
	_ =	sdelay $0x3  }
0x3bb: {  	v2 =	vand.u32 $0xFFFFFF80, v1  }
0x3bc: {  	v1 =	vand.u32 $0x7F, v1;
	v2 =	vadd.s32 v7, v2;
	v3 =	vld.idx.msk [tilespmem:v30+s20+$0x0], $0xffff;
	v30 =	vor.u32 v48, v4  }
0x3bd: {  	v1 =	vor.u32 v1, v2;
	v50 =	vld [tilespmem:$0x1FDC0];
	_ =	sdelay $0x3  }
0x3be: {  	v0 =	vand.u32 $0xFFFFFF80, v45;
	[tilespmem:v30+s26+$0x0] =	vst.idx.msk $0xffff, v3  }
0x3bf: {  	v0 =	vadd.s32 v7, v0;
	v2 =	vor.u32 v50, v4;
	v3 =	vand.u32 $0x7F, v45;
	v1 =	vld.idx.msk [tilespmem:v1+s20+$0x0], $0xffff  }
0x3c0: {  	v46 =	vld [tilespmem:$0x1FDD0];
	v0 =	vor.u32 v3, v0;
	_ =	sdelay $0x3  }
0x3c1: {  	[tilespmem:v2+s26+$0x0] =	vst.idx.msk $0xffff, v1  }
0x3c2: {  	v1 =	vor.u32 v46, v4;
	v2 =	vand.u32 $0x7F, v43;
	v0 =	vld.idx.msk [tilespmem:v0+s20+$0x0], $0xffff  }
0x3c3: {  	v2 =	vor.u32 v2, v47;
	v47 =	vld [tilespmem:$0x1FDE0];
	_ =	sdelay $0x3  }
0x3c4: {  	[tilespmem:v1+s26+$0x0] =	vst.idx.msk $0xffff, v0  }
0x3c5: {  	v1 =	vor.u32 v47, v4;
	v0 =	vld.idx.msk [tilespmem:v2+s20+$0x0], $0xffff;
	v2 =	vand.u32 $0x7F, v41  }
0x3c6: {  	v53 =	vld [tilespmem:$0x1FDF0];
	v2 =	vor.u32 v2, v44;
	_ =	sdelay $0x3  }
0x3c7: {  	[tilespmem:v1+s26+$0x0] =	vst.idx.msk $0xffff, v0  }
0x3c8: {  	v1 =	vor.u32 v53, v4;
	v0 =	vld.idx.msk [tilespmem:v2+s20+$0x0], $0xffff;
	v2 =	vand.u32 $0x7F, v40  }
0x3c9: {  	v56 =	vld [tilespmem:$0x1FE00];
	v2 =	vor.u32 v2, v42;
	_ =	sdelay $0x3  }
0x3ca: {  	[tilespmem:v1+s26+$0x0] =	vst.idx.msk $0xffff, v0  }
0x3cb: {  	v1 =	vor.u32 v56, v4;
	v0 =	vld.idx.msk [tilespmem:v2+s20+$0x0], $0xffff;
	v2 =	vand.u32 $0x7F, v38  }
0x3cc: {  	v30 =	vld [tilespmem:$0x1FE10];
	v2 =	vor.u32 v2, v39;
	_ =	sdelay $0x3  }
0x3cd: {  	[tilespmem:v1+s26+$0x0] =	vst.idx.msk $0xffff, v0  }
0x3ce: {  	v1 =	vor.u32 v30, v4;
	v0 =	vld.idx.msk [tilespmem:v2+s20+$0x0], $0xffff;
	_ =	sdelay $0x3  }
0x3cf: {  	v2 =	vand.u32 $0x7F, v36  }
0x3d0: {  	v2 =	vor.u32 v2, v37;
	[tilespmem:v1+s26+$0x0] =	vst.idx.msk $0xffff, v0;
	v1 =	vld [tilespmem:$0x1FE20];
	_ =	sdelay $0x4  }
0x3d1: {  	v0 =	vld.idx.msk [tilespmem:v2+s20+$0x0], $0xffff;
	v2 =	vand.u32 $0x7F, v33;
	v1 =	vor.u32 v1, v4  }
0x3d2: {  	v2 =	vor.u32 v2, v35;
	v35 =	vld [tilespmem:$0x1FE40];
	_ =	sdelay $0x3  }
0x3d3: {  	v34 =	vand.u32 $0xFFFFFF80, v31;
	[tilespmem:v1+s26+$0x0] =	vst.idx.msk $0xffff, v0  }
0x3d4: {  	v34 =	vadd.s32 v7, v34;
	v1 =	vor.u32 v35, v4;
	v0 =	vld.idx.msk [tilespmem:v2+s20+$0x0], $0xffff;
	v2 =	vand.u32 $0x7F, v31  }
0x3d5: {  	v2 =	vor.u32 v2, v34;
	v34 =	vld [tilespmem:$0x1FE70];
	_ =	sdelay $0x3  }
0x3d6: {  	[tilespmem:v1+s26+$0x0] =	vst.idx.msk $0xffff, v0  }
0x3d7: {  	v0 =	vld.idx.msk [tilespmem:v2+s20+$0x0], $0xffff;
	v1 =	vor.u32 v34, v4;
	v2 =	vand.u32 $0x7F, v28  }
0x3d8: {  	v2 =	vor.u32 v2, v32;
	v32 =	vld [tilespmem:$0x1FE50];
	_ =	sdelay $0x3  }
0x3d9: {  	[tilespmem:v1+s26+$0x0] =	vst.idx.msk $0xffff, v0  }
0x3da: {  	v0 =	vld.idx.msk [tilespmem:v2+s20+$0x0], $0xffff;
	v1 =	vor.u32 v32, v4;
	v2 =	vand.u32 $0x7F, v27  }
0x3db: {  	v27 =	vld [tilespmem:$0x1FE60];
	v2 =	vor.u32 v2, v29;
	_ =	sdelay $0x3  }
0x3dc: {  	[tilespmem:v1+s26+$0x0] =	vst.idx.msk $0xffff, v0  }
0x3dd: {  	v1 =	vor.u32 v27, v4;
	v0 =	vld.idx.msk [tilespmem:v2+s20+$0x0], $0xffff;
	v2 =	vand.u32 $0x7F, v25  }
0x3de: {  	v2 =	vor.u32 v2, v26;
	v26 =	vld [tilespmem:$0x1FE80];
	_ =	sdelay $0x3  }
0x3df: {  	[tilespmem:v1+s26+$0x0] =	vst.idx.msk $0xffff, v0  }
0x3e0: {  	v0 =	vld.idx.msk [tilespmem:v2+s20+$0x0], $0xffff;
	v1 =	vor.u32 v26, v4;
	v2 =	vand.u32 $0x7F, v23  }
0x3e1: {  	v23 =	vld [tilespmem:$0x1FE90];
	v2 =	vor.u32 v2, v24;
	_ =	sdelay $0x3  }
0x3e2: {  	[tilespmem:v1+s26+$0x0] =	vst.idx.msk $0xffff, v0  }
0x3e3: {  	v1 =	vor.u32 v23, v4;
	v0 =	vld.idx.msk [tilespmem:v2+s20+$0x0], $0xffff;
	v2 =	vand.u32 $0x7F, v20  }
0x3e4: {  	v2 =	vor.u32 v2, v22;
	v22 =	vld [tilespmem:$0x1FEA0];
	_ =	sdelay $0x3  }
0x3e5: {  	[tilespmem:v1+s26+$0x0] =	vst.idx.msk $0xffff, v0  }
0x3e6: {  	v0 =	vld.idx.msk [tilespmem:v2+s20+$0x0], $0xffff;
	v1 =	vor.u32 v22, v4;
	v2 =	vand.u32 $0x7F, v18  }
0x3e7: {  	v2 =	vor.u32 v2, v21;
	v21 =	vld [tilespmem:$0x1FEB0];
	_ =	sdelay $0x3  }
0x3e8: {  	[tilespmem:v1+s26+$0x0] =	vst.idx.msk $0xffff, v0  }
0x3e9: {  	v0 =	vld.idx.msk [tilespmem:v2+s20+$0x0], $0xffff;
	v1 =	vor.u32 v21, v4;
	v2 =	vand.u32 $0x7F, v16  }
0x3ea: {  	v18 =	vld [tilespmem:$0x1FF20];
	v2 =	vor.u32 v2, v19;
	_ =	sdelay $0x3  }
0x3eb: {  	[tilespmem:v1+s26+$0x0] =	vst.idx.msk $0xffff, v0  }
0x3ec: {  	v1 =	vor.u32 v18, v4;
	v0 =	vld.idx.msk [tilespmem:v2+s20+$0x0], $0xffff;
	v2 =	vand.u32 $0x7F, v15  }
0x3ed: {  	v15 =	vld [tilespmem:$0x1FEC0];
	v2 =	vor.u32 v2, v17;
	_ =	sdelay $0x3  }
0x3ee: {  	[tilespmem:v1+s26+$0x0] =	vst.idx.msk $0xffff, v0  }
0x3ef: {  	v1 =	vor.u32 v15, v4;
	v0 =	vld.idx.msk [tilespmem:v2+s20+$0x0], $0xffff;
	v2 =	vand.u32 $0x7F, v13  }
0x3f0: {  	v2 =	vor.u32 v2, v14;
	v14 =	vld [tilespmem:$0x1FED0];
	_ =	sdelay $0x3  }
0x3f1: {  	v59 =	vand.u32 $0xFFFFFF80, v11;
	[tilespmem:v1+s26+$0x0] =	vst.idx.msk $0xffff, v0  }
0x3f2: {  	v12 =	vadd.s32 v7, v59;
	v0 =	vld.idx.msk [tilespmem:v2+s20+$0x0], $0xffff;
	v1 =	vor.u32 v14, v4;
	v2 =	vand.u32 $0x7F, v11  }
0x3f3: {  	v11 =	vld [tilespmem:$0x1FEE0];
	v2 =	vor.u32 v2, v12;
	_ =	sdelay $0x2  }
0x3f4: {  	v58 =	vld [tilespmem:$0x1FFF0]  }
0x3f5: {  	v43 =	vld [tilespmem:$0x1FD50];
	[tilespmem:v1+s26+$0x0] =	vst.idx.msk $0xffff, v0  }
0x3f6: {  	v1 =	vor.u32 v11, v4;
	v0 =	vld.idx.msk [tilespmem:v2+s20+$0x0], $0xffff;
	v2 =	vand.u32 $0x7F, v8  }
0x3f7: {  	v12 =	vld [tilespmem:$0x1FEF0];
	v2 =	vor.u32 v2, v10  }
0x3f8: {  	v41 =	vld [tilespmem:$0x1FD20]  }
0x3f9: {  	v40 =	vld [tilespmem:$0x1FE30]  }
0x3fa: {  	v42 =	vld [tilespmem:$0x1FD30]  }
0x3fb: {  	v59 =	vand.u32 $0xFFFFFF80, v6;
	v39 =	vld [tilespmem:$0x1FD40];
	[tilespmem:v1+s26+$0x0] =	vst.idx.msk $0xffff, v0  }
0x3fc: {  	v9 =	vadd.s32 v7, v59;
	v1 =	vor.u32 v12, v4;
	v0 =	vld.idx.msk [tilespmem:v2+s20+$0x0], $0xffff;
	v2 =	vand.u32 $0x7F, v6  }
0x3fd: {  	v13 =	vld [tilespmem:$0x1FF00];
	v2 =	vor.u32 v2, v9  }
0x3fe: {  	v37 =	vld [tilespmem:$0x1FB20]  }
0x3ff: {  	v33 =	vld [tilespmem:$0x1FF50]  }
0x400: {  	v31 =	vld [tilespmem:$0x1FF40]  }
0x401: {  	v59 =	vand.u32 $0xFFFFFF80, v5;
	v28 =	vld [tilespmem:$0x1FF80];
	[tilespmem:v1+s26+$0x0] =	vst.idx.msk $0xffff, v0  }
0x402: {  	v7 =	vadd.s32 v7, v59;
	v1 =	vor.u32 v13, v4;
	v0 =	vld.idx.msk [tilespmem:v2+s20+$0x0], $0xffff;
	v2 =	vand.u32 $0x7F, v5  }
0x403: {  	p1 =	sne.s32 s5, $0xF0;
	v19 =	vld [tilespmem:$0x1FF10];
	v2 =	vor.u32 v2, v7  }
.Ltmp4:
0x404: {  	v29 =	vld [tilespmem:$0x1FF30];
	(pc) =	sbr.rel @p1 .LBB2_7-.Ltmp4, $4  }
0x405: {  	v25 =	vld [tilespmem:$0x1FF70]  }
0x406: {  	v24 =	vld [tilespmem:$0x1FF60]  }
0x407: {  	v60 =	vmov v62;
	v20 =	vld [tilespmem:$0x1FFE0];
	[tilespmem:v1+s26+$0x0] =	vst.idx.msk $0xffff, v0  }
0x408: {  	s5 =	sadd.s32 $0x10, s5;
	v59 =	vmovc v61;
	v36 =	vlaneseq.u32;
	v16 =	vmovc v49;
	v17 =	vmov v51;
	v1 =	vor.u32 v19, v4;
	v0 =	vld.idx.msk [tilespmem:v2+s20+$0x0], $0xffff  }
0x409: {  	s0 =	sadd.s32 s1, s3  }
.Ltmp5:
0x40a: {  	s3 =	sshll.u32 s0, $0x8;
	(pc) =	sbr.rel @p0 .LBB2_10-.Ltmp5, $4  }
0x40b: {  	s0 =	sshll.u32 s0, $0xA;
	s3 =	sand.u32 $0x3F00, s3  }
0x40c: {  	s0 =	sand.u32 $0xFFF0000, s0;
	s3 =	sadd.s32 s4, s3  }
0x40d: {  	[tilespmem:v1+s26+$0x0] =	vst.idx.msk $0xffff, v0;
	s0 =	sadd.s32 s0, s3  }
0x40e: {  	[hbm4b:s0+s23] =	stream.strided.scatter [tilespmem:s26], [sflag:$0x4], $0x2000, s24, s23, $0x38;
	[tilespmem:$0x14600] =	vst v63  }
0x40f: {  	_ =	swait.ge [sflag:s18], $0x100  }
0x410: {  	[sflag:s18] =	ssyncset.done $0x0  }
0x411: {  	[sflag:s18] =	ssyncadd.s32 $0xFFFFFF00  }
0x412: {  	v0 =	vld [tilespmem:$0x100]  }
0x413: {  	v1 =	vld [tilespmem:$0x110]  }
0x414: {  	v2 =	vld [tilespmem:$0x120]  }
0x415: {  	v63 =	vld [tilespmem:$0x130]  }
0x416: {  	v37 =	vld [tilespmem:$0x140]  }
0x417: {  	v3 =	vshrl.u32 v0, $0x2  }
0x418: {  	v4 =	vshrl.u32 v1, $0x2;
	[tilespmem:$0x300] =	vst v3  }
0x419: {  	v38 =	vshrl.u32 v2, $0x2;
	[tilespmem:$0x310] =	vst v4  }
0x41a: {  	v45 =	vld [tilespmem:$0x150];
	v49 =	vshrl.u32 v63, $0x2;
	[tilespmem:$0x320] =	vst v38  }
0x41b: {  	v55 =	vld [tilespmem:$0x160];
	v0 =	vshll.u32 v0, $0x5;
	v61 =	vshrl.u32 v37, $0x2;
	[tilespmem:$0x330] =	vst v49  }
0x41c: {  	v1 =	vshll.u32 v1, $0x5;
	v0 =	vand.u32 $0x60, v0;
	[tilespmem:$0x340] =	vst v61  }
0x41d: {  	v2 =	vshll.u32 v2, $0x5;
	v5 =	vand.u32 $0x60, v1;
	[tilespmem:$0x500] =	vst v0  }
0x41e: {  	v44 =	vand.u32 $0x60, v2;
	[tilespmem:$0x510] =	vst v5  }
0x41f: {  	v4 =	vshrl.u32 v45, $0x2;
	[tilespmem:$0x520] =	vst v44  }
0x420: {  	v3 =	vshll.u32 v63, $0x5;
	v63 =	vld [tilespmem:$0x170];
	v38 =	vshrl.u32 v55, $0x2;
	[tilespmem:$0x350] =	vst v4  }
0x421: {  	v1 =	vshll.u32 v37, $0x5;
	v37 =	vld [tilespmem:$0x180];
	v51 =	vand.u32 $0x60, v3;
	[tilespmem:$0x360] =	vst v38  }
0x422: {  	v2 =	vshll.u32 v45, $0x5;
	v45 =	vld [tilespmem:$0x190];
	v62 =	vand.u32 $0x60, v1;
	[tilespmem:$0x530] =	vst v51  }
0x423: {  	v5 =	vand.u32 $0x60, v2;
	v3 =	vshll.u32 v55, $0x5;
	[tilespmem:$0x540] =	vst v62  }
0x424: {  	[tilespmem:$0x550] =	vst v5;
	v44 =	vand.u32 $0x60, v3  }
0x425: {  	[tilespmem:$0x560] =	vst v44;
	v49 =	vshrl.u32 v63, $0x2  }
0x426: {  	v55 =	vld [tilespmem:$0x1A0];
	v61 =	vshrl.u32 v37, $0x2;
	[tilespmem:$0x370] =	vst v49  }
0x427: {  	v44 =	vld [tilespmem:$0x1C0];
	v1 =	vshll.u32 v63, $0x5;
	v2 =	vshll.u32 v37, $0x5;
	v37 =	vshrl.u32 v45, $0x2;
	[tilespmem:$0x380] =	vst v61  }
0x428: {  	v51 =	vand.u32 $0x60, v1;
	[tilespmem:$0x390] =	vst v37  }
0x429: {  	v63 =	vld [tilespmem:$0x1B0];
	v3 =	vshll.u32 v45, $0x5;
	v62 =	vand.u32 $0x60, v2;
	[tilespmem:$0x570] =	vst v51  }
0x42a: {  	v38 =	vand.u32 $0x60, v3;
	[tilespmem:$0x580] =	vst v62  }
0x42b: {  	v45 =	vshrl.u32 v55, $0x2;
	v1 =	vshll.u32 v55, $0x5;
	[tilespmem:$0x590] =	vst v38  }
0x42c: {  	[tilespmem:$0x3A0] =	vst v45;
	v49 =	vand.u32 $0x60, v1;
	v51 =	vld [tilespmem:$0x1D0];
	v3 =	vshll.u32 v44, $0x5  }
0x42d: {  	v62 =	vld [tilespmem:$0x1E0];
	[tilespmem:$0x5A0] =	vst v49;
	v37 =	vand.u32 $0x60, v3  }
0x42e: {  	v38 =	vld [tilespmem:$0x1F0];
	v55 =	vshrl.u32 v63, $0x2;
	[tilespmem:$0x5C0] =	vst v37  }
0x42f: {  	v9 =	vld [tilespmem:$0x1FE20];
	v2 =	vshll.u32 v63, $0x5;
	v63 =	vshrl.u32 v44, $0x2;
	[tilespmem:$0x3B0] =	vst v55  }
0x430: {  	v8 =	vld [tilespmem:$0x1FF90];
	v61 =	vand.u32 $0x60, v2;
	[tilespmem:$0x3C0] =	vst v63  }
0x431: {  	v10 =	vld [tilespmem:$0x1FFA0];
	[tilespmem:$0x5B0] =	vst v61;
	v44 =	vshrl.u32 v51, $0x2  }
0x432: {  	v37 =	vld [tilespmem:$0x1FD00];
	v1 =	vshll.u32 v51, $0x5;
	v49 =	vshrl.u32 v62, $0x2;
	[tilespmem:$0x3D0] =	vst v44  }
0x433: {  	v51 =	vshll.u32 v62, $0x5;
	v61 =	vshrl.u32 v38, $0x2;
	v62 =	vshll.u32 v38, $0x5;
	v38 =	vld [tilespmem:$0x1FD10];
	[tilespmem:$0x3E0] =	vst v49  }
.Ltmp6:
0x434: {  	v45 =	vand.u32 $0x60, v1;
	[tilespmem:$0x3F0] =	vst v61;
	v44 =	vld [tilespmem:$0x1FD60];
	(pc) =	sbr.rel .LBB2_2-.Ltmp6, $4  }
0x435: {  	v55 =	vand.u32 $0x60, v51;
	v49 =	vld [tilespmem:$0x1FFB0];
	[tilespmem:$0x5D0] =	vst v45  }
0x436: {  	v63 =	vand.u32 $0x60, v62;
	v51 =	vld [tilespmem:$0x1FFC0];
	[tilespmem:$0x5E0] =	vst v55  }
0x437: {  	s31 =	sadd.s32 $0x1, s31;
	[tilespmem:$0x5F0] =	vst v63;
	v45 =	vld [tilespmem:$0x1FD70]  }
0x438: {  	v55 =	vld [tilespmem:$0x1FFD0];
	[tilespmem:s20], [sflag:$0x2] =	stream.indirect.gather [hbm4b:s7+s15], $0x80, s19, s15, $0xb8  }
.LBB2_11:
0x439: {  	_ =	sfence.sel $0x180000  }
0x43a: {  	[bflag:$0x0] =	sbarrier.arrive $0xFFFF  }
0x43b: {  	_ =	strace $0x90000047  }
0x43c: {  	s0 =	stileid.u32;
	[bflag:$0x2] =	sbarrier.arrive $0xFFFF  }
0x43d: {  	p0 =	sne.s32 s0, $0x0;
	s0 =	rddreg [dreg:$0x3]  }
0x43e: {  	s0 =	sadd.s32 @!p0 $0x100000, s0  }
0x43f: {  	[sflag:s0] =	ssyncadd.tile.s32 @!p0 $0x1;
	_ =	shalt  }
.Lfunc_end2:
_tile_overlayer_lowered:
.L_overlay_start_2:
0x440: {  	(tag) =	ssettag $0x2  }
0x441: {  	s0 =	rddreg [dreg:$0x0];
	s2 =	stileid.u32  }
0x442: {  	s1 =	rddreg [dreg:$0x1];
	p0 =	sne.s32 s2, $0x0  }
0x443: {  	s3 =	rddreg [dreg:$0x2];
	[bflag:$0x3] =	sbarrier.arrive $0xFFFF;
	s2 =	simm.s32 @!p0 $0x1C07  }
0x444: {  	[timem:s3], [sflag:s2] =	dma.local @!p0 [hbm:s0], s1  }
0x445: {  	s0 =	simm.s32 @!p0 $0x7  }
0x446: {  	_ =	swait.ge @!p0 [sflag:s0], s1  }
0x447: {  	s1 =	ssub.s32 @!p0 $0x0, s1;
	[sflag:s0] =	ssyncset.done @!p0 $0x0  }
0x448: {  	[sflag:s0] =	ssyncadd.s32 @!p0 s1  }
0x449: {  	[bflag:$0x3] =	sbarrier.arrive $0xFFFF  }
0x44a: {  	_ =	shalt  }

</sc_bundles>
